<compile_context>
chip_gen: v7x
topology: tpu7x:2x2x1
jax: 0.10.2.dev20260603
libtpu: 0.0.44.dev20260713+nightly
codegen_flags: <defaults>
</compile_context>

<pallas_src>
import functools

import jax
import jax.numpy as jnp
from jax import lax
from jax.experimental import pallas as pl
from jax.experimental.pallas import tpu as pltpu
from jax.experimental.pallas import tpu_sc as plsc

_NUM_ENTITIES = 1_000_000
_NUM_RELATIONS = 1_000
_DIM = 64
_BATCH = 16_384
_MARGIN = 1.0
_EPSILON = 0.05

_ROWS2 = _NUM_ENTITIES // 2
_BR = 4000
_GRID = _ROWS2 // _BR


def _constraints_body(ent_ref, n_ref, p_ref, out_ref, acc_ref):
    i = pl.program_id(0)

    @pl.when(i == 0)
    def _():
        n = n_ref[...]
        p = p_ref[...]
        nn = jnp.sum(n * n, axis=1)
        npd = jnp.sum(n * p, axis=1)
        den = jnp.sum(p * p, axis=1)
        relc = jnp.sum(jnp.abs((npd * npd) / (nn * den)
                               - _NUM_RELATIONS * _EPSILON))
        acc_ref[0, 0] = relc

    x = ent_ref[...]
    s = x * x
    t = (jnp.abs(jnp.sum(s[:, :64], axis=1) - float(_NUM_ENTITIES))
         + jnp.abs(jnp.sum(s[:, 64:], axis=1) - float(_NUM_ENTITIES)))
    acc_ref[0, 0] += jnp.sum(t)

    @pl.when(i == _GRID - 1)
    def _():
        out_ref[0, 0] = acc_ref[0, 0]


def _constraints(ent2, normal_emb, proj_relation_emb):
    return pl.pallas_call(
        _constraints_body,
        grid=(_GRID,),
        in_specs=[
            pl.BlockSpec((_BR, 128), lambda i: (i, 0)),
            pl.BlockSpec((_NUM_RELATIONS, _DIM), lambda i: (0, 0)),
            pl.BlockSpec((_NUM_RELATIONS, _DIM), lambda i: (0, 0)),
        ],
        out_specs=pl.BlockSpec(memory_space=pltpu.SMEM),
        out_shape=jax.ShapeDtypeStruct((1, 1), jnp.float32),
        scratch_shapes=[pltpu.SMEM((1, 1), jnp.float32)],
        compiler_params=pltpu.CompilerParams(
            dimension_semantics=("arbitrary",)),
    )(ent2, normal_emb, proj_relation_emb)


_NW = 32
_NPER = _BATCH // _NW
_CH = 128
_NCH = _NPER // _CH
_NG = _CH // 16

_mesh = plsc.VectorSubcoreMesh(core_axis_name="c", subcore_axis_name="s")


@functools.partial(
    pl.kernel,
    out_type=jax.ShapeDtypeStruct((_NW, 16), jnp.float32),
    mesh=_mesh,
    scratch_types=[
        pltpu.VMEM((_CH,), jnp.int32),
        pltpu.VMEM((_CH,), jnp.int32),
        pltpu.VMEM((_CH,), jnp.int32),
        pltpu.VMEM((_CH, _DIM), jnp.float32),
        pltpu.VMEM((_CH, _DIM), jnp.float32),
        pltpu.VMEM((_CH, _DIM), jnp.float32),
        pltpu.VMEM((_CH, _DIM), jnp.float32),
        pltpu.VMEM((_CH,), jnp.float32),
        pltpu.VMEM((16,), jnp.float32),
        pltpu.SemaphoreType.DMA,
    ],
    compiler_params=pltpu.CompilerParams(needs_layout_passes=False,
                                         use_tc_tiling_on_sc=False),
)
def _margin_kernel(ph_h, pt_h, pr_h, nh_h, nt_h, nr_h, ent_h, rel_h, nrm_h,
                   out_h, ib1, ib2, ib3, hbuf, tbuf, rbuf, nbuf, sbuf, obuf,
                   sem):
    cid = lax.axis_index("c")
    sid = lax.axis_index("s")
    wid = sid * 2 + cid
    base = wid * _NPER
    iot = lax.iota(jnp.int32, 16)
    zero = jnp.zeros(16, jnp.float32)

    def gather_rows(hsrc, tsrc, rsrc, off):
        pltpu.sync_copy(hsrc.at[pl.ds(off, _CH)], ib1)
        pltpu.sync_copy(tsrc.at[pl.ds(off, _CH)], ib2)
        pltpu.sync_copy(rsrc.at[pl.ds(off, _CH)], ib3)
        c1 = pltpu.async_copy(ent_h.at[ib1], hbuf, sem)
        c2 = pltpu.async_copy(ent_h.at[ib2], tbuf, sem)
        c3 = pltpu.async_copy(rel_h.at[ib3], rbuf, sem)
        c4 = pltpu.async_copy(nrm_h.at[ib3], nbuf, sem)
        c1.wait()
        c2.wait()
        c3.wait()
        c4.wait()

    def group_score(g):
        rvec = g * 16 + iot

        def pass1(d, carry):
            nh, nt, nn = carry
            cvec = jnp.full((16,), d, jnp.int32)
            hv = plsc.load_gather(hbuf, [rvec, cvec])
            tv = plsc.load_gather(tbuf, [rvec, cvec])
            rv = plsc.load_gather(rbuf, [rvec, cvec])
            nv = plsc.load_gather(nbuf, [rvec, cvec])
            plsc.store_scatter(hbuf, [rvec, cvec], hv - tv + rv)
            return (nh + nv * hv, nt + nv * tv, nn + nv * nv)

        nh, nt, nn = lax.fori_loop(0, _DIM, pass1, (zero, zero, zero))
        a = (nh - nt) / nn

        def pass2(d, acc):
            cvec = jnp.full((16,), d, jnp.int32)
            uv = plsc.load_gather(hbuf, [rvec, cvec])
            nv = plsc.load_gather(nbuf, [rvec, cvec])
            return acc + jnp.abs(uv - a * nv)

        sm = lax.fori_loop(0, _DIM, pass2, zero)
        return -(sm * sm)

    macc = zero
    for ch in range(_NCH):
        off = base + ch * _CH

        gather_rows(ph_h, pt_h, pr_h, off)

        def pos_group(g, _):
            sbuf[pl.ds(g * 16, 16)] = group_score(g)
            return 0

        lax.fori_loop(0, _NG, pos_group, 0)

        gather_rows(nh_h, nt_h, nr_h, off)

        def neg_group(g, m):
            sn = group_score(g)
            sp = sbuf[pl.ds(g * 16, 16)]
            return m + jnp.maximum(sp - sn + _MARGIN, 0.0)

        macc = lax.fori_loop(0, _NG, neg_group, macc)

    obuf[...] = macc
    pltpu.sync_copy(obuf, out_h.at[wid])


def kernel(pos_heads, pos_rels, pos_tails, neg_heads, neg_rels, neg_tails,
           entity_emb, relation_emb, proj_relation_emb, normal_emb, c):
    ent2 = entity_emb.reshape(_ROWS2, 2 * _DIM)
    cons = _constraints(ent2, normal_emb, proj_relation_emb)[0, 0]
    parts = _margin_kernel(pos_heads, pos_tails, pos_rels,
                           neg_heads, neg_tails, neg_rels,
                           entity_emb, relation_emb, normal_emb)
    margin = jnp.sum(parts)
    return margin + c * cons

# --- scband reference (transcript-rebuilt; emitter-appended) ---
"""Pipeline reference for scband-trans-h-1864015807011 (READ-ONLY COPY).

The authoritative reference and input builder live on the scoring server;
editing this copy changes nothing except your own understanding.
"""

import jax, jax.numpy as jnp
import numpy as np

NUM_ENTITIES = 1_000_000
NUM_RELATIONS = 1_000
EMBED_DIM = 64
BATCH = 16_384
MARGIN = 1.0
EPSILON = 0.05


def setup_inputs(seed: int = 0) -> dict:
    key = jax.random.key(seed)
    ks = jax.random.split(key, 12)
    pos_heads = jax.random.randint(ks[0], (BATCH,), 0, NUM_ENTITIES)
    pos_rels = jax.random.randint(ks[1], (BATCH,), 0, NUM_RELATIONS)
    pos_tails = jax.random.randint(ks[2], (BATCH,), 0, NUM_ENTITIES)
    neg_heads = jax.random.randint(ks[3], (BATCH,), 0, NUM_ENTITIES)
    neg_rels = jax.random.randint(ks[4], (BATCH,), 0, NUM_RELATIONS)
    neg_tails = jax.random.randint(ks[5], (BATCH,), 0, NUM_ENTITIES)
    entity_emb = jax.random.normal(ks[6], (NUM_ENTITIES, EMBED_DIM), dtype=jnp.float32) * 0.1
    relation_emb = jax.random.normal(ks[7], (NUM_RELATIONS, EMBED_DIM), dtype=jnp.float32) * 0.1
    proj_relation_emb = jax.random.normal(ks[8], (NUM_RELATIONS, EMBED_DIM), dtype=jnp.float32) * 0.1
    normal_emb = jax.random.normal(ks[9], (NUM_RELATIONS, EMBED_DIM), dtype=jnp.float32) * 0.1
    c = jnp.asarray(1.0, dtype=jnp.float32)
    return {
        "pos_heads": pos_heads, "pos_rels": pos_rels, "pos_tails": pos_tails,
        "neg_heads": neg_heads, "neg_rels": neg_rels, "neg_tails": neg_tails,
        "entity_emb": entity_emb, "relation_emb": relation_emb,
        "proj_relation_emb": proj_relation_emb, "normal_emb": normal_emb, "c": c,
    }


def _project_to_hyperplane(e, w):
    # TransH hyperplane projection: e - (w . e) w  (per-row)
    return e - jnp.sum(w * e, axis=-1, keepdims=True) * w


def _compute_score(h, r, t):
    # per-sample: -(sum_d |h + r - t|)^2
    return -jnp.sum(jnp.abs(h + r - t), axis=-1) ** 2


def reference(pos_heads, pos_rels, pos_tails, neg_heads, neg_rels, neg_tails,
              entity_emb, relation_emb, proj_relation_emb, normal_emb, c):
    # normalize normal vectors to unit L2 norm (done in-place in torch forward)
    norms = jnp.linalg.norm(normal_emb, ord=2, axis=1, keepdims=True)
    normal_w = normal_emb / norms

    # embedding lookups (gather)
    pos_h = jnp.take(entity_emb, pos_heads, axis=0)
    pos_r = jnp.take(relation_emb, pos_rels, axis=0)
    pos_t = jnp.take(entity_emb, pos_tails, axis=0)
    pos_n = jnp.take(normal_w, pos_rels, axis=0)
    neg_h = jnp.take(entity_emb, neg_heads, axis=0)
    neg_r = jnp.take(relation_emb, neg_rels, axis=0)
    neg_t = jnp.take(entity_emb, neg_tails, axis=0)
    neg_n = jnp.take(normal_w, neg_rels, axis=0)

    proj_h_pos = _project_to_hyperplane(pos_h, pos_n)
    proj_t_pos = _project_to_hyperplane(pos_t, pos_n)
    proj_h_neg = _project_to_hyperplane(neg_h, neg_n)
    proj_t_neg = _project_to_hyperplane(neg_t, neg_n)

    pos_score = _compute_score(proj_h_pos, pos_r, proj_t_pos)
    neg_score = _compute_score(proj_h_neg, neg_r, proj_t_neg)

    # MarginRankingLoss with y = -1, size_average=False (sum):
    # sum(max(0, -y*(x1 - x2) + margin)) = sum(max(0, pos - neg + margin))
    margin_ranking_loss = jnp.sum(jnp.maximum(0.0, pos_score - neg_score + MARGIN))

    # entity soft constraint over the full table
    sq_norm_entities = jnp.sum(entity_emb * entity_emb, axis=1)
    entity_constraint = jnp.sum(jnp.abs(sq_norm_entities - NUM_ENTITIES * 1.0))

    # orthogonality soft constraint between normal vectors and relation translation
    num = jnp.sum(normal_w * proj_relation_emb, axis=1)
    num = num * num
    den = jnp.sum(proj_relation_emb * proj_relation_emb, axis=1)
    relation_constraint = jnp.sum(jnp.abs(num / den - NUM_RELATIONS * EPSILON))

    loss = margin_ranking_loss + c * (entity_constraint + relation_constraint)
    return loss

if __name__ == "__main__":
    import jax
    _d = setup_inputs()
    print(jax.jit(kernel)(*tuple(_d.values())))

</pallas_src>

<mosaic_0001>
#map = affine_map<(d0, d1) -> (0)>
#map1 = affine_map<(d0, d1) -> (0, 0)>
module attributes {stable_mosaic.version = 14 : i64} {
  func.func @_margin_kernel(%arg0: i32, %arg1: i32, %arg2: memref<16384xi32, #tpu.memory_space<hbm>>, %arg3: memref<16384xi32, #tpu.memory_space<hbm>>, %arg4: memref<16384xi32, #tpu.memory_space<hbm>>, %arg5: memref<16384xi32, #tpu.memory_space<hbm>>, %arg6: memref<16384xi32, #tpu.memory_space<hbm>>, %arg7: memref<16384xi32, #tpu.memory_space<hbm>>, %arg8: memref<1000000x64xf32, #tpu.memory_space<hbm>>, %arg9: memref<1000x64xf32, #tpu.memory_space<hbm>>, %arg10: memref<1000x64xf32, #tpu.memory_space<hbm>>, %arg11: memref<32x16xf32, #tpu.memory_space<hbm>>, %arg12: memref<128xi32, #tpu.memory_space<vmem>>, %arg13: memref<128xi32, #tpu.memory_space<vmem>>, %arg14: memref<128xi32, #tpu.memory_space<vmem>>, %arg15: memref<128x64xf32, #tpu.memory_space<vmem>>, %arg16: memref<128x64xf32, #tpu.memory_space<vmem>>, %arg17: memref<128x64xf32, #tpu.memory_space<vmem>>, %arg18: memref<128x64xf32, #tpu.memory_space<vmem>>, %arg19: memref<128xf32, #tpu.memory_space<vmem>>, %arg20: memref<16xf32, #tpu.memory_space<vmem>>, %arg21: memref<!tpu.dma_semaphore, #tpu.memory_space<semaphore_mem>>) attributes {dimension_semantics = [#tpu.dimension_semantics<core_parallel>, #tpu.dimension_semantics<subcore_parallel>], iteration_bounds = array<i64: 2, 16>, scalar_prefetch = 0 : i64, scratch_operands = 10 : i64, tpu.core_type = #tpu.core_type<sc_vector_subcore>, window_params = [{transform_indices = #map}, {transform_indices = #map}, {transform_indices = #map}, {transform_indices = #map}, {transform_indices = #map}, {transform_indices = #map}, {transform_indices = #map1}, {transform_indices = #map1}, {transform_indices = #map1}, {transform_indices = #map1}]} {
    %mul3A = arith.constant 2 : i32
    %mul3A_0 = arith.muli %arg1, %mul3A : i32
    %add3A = arith.addi %mul3A_0, %arg0 : i32
    %mul3A_1 = arith.constant 512 : i32
    %mul3A_2 = arith.muli %add3A, %mul3A_1 : i32
    %iota3A = tpu.iota {dimensions = array<i32: 0>} : vector<16xi32>
    %broadcast_in_dim3A = arith.constant 0.000000e+00 : f32
    %broadcast_in_dim3A_3 = vector.broadcast %broadcast_in_dim3A : f32 to vector<16xf32>
    %add3A_4 = arith.constant 0 : i32
    %add3A_5 = arith.addi %mul3A_2, %add3A_4 : i32
    "tpu.region"() ({
      %run_scoped3A = tpu.sem_alloc : memref<!tpu.dma_semaphore, #tpu.memory_space<semaphore_mem>>
      %dma_start3A_254 = tpu.memref_slice %arg2[%add3A_5] : memref<16384xi32, #tpu.memory_space<hbm>> -> memref<128xi32, #tpu.memory_space<hbm>>
      %dma_start3A_255 = tpu.memref_slice %arg2[%add3A_5] : memref<16384xi32, #tpu.memory_space<hbm>> -> memref<128xi32, #tpu.memory_space<hbm>>
      tpu.enqueue_dma source(%dma_start3A_255 : memref<128xi32, #tpu.memory_space<hbm>>) target(%arg12 : memref<128xi32, #tpu.memory_space<vmem>>) target_semaphore(%run_scoped3A : memref<!tpu.dma_semaphore, #tpu.memory_space<semaphore_mem>>)
      %dma_wait3A_256 = tpu.memref_slice %arg2[%add3A_5] : memref<16384xi32, #tpu.memory_space<hbm>> -> memref<128xi32, #tpu.memory_space<hbm>>
      %dma_wait3A_257 = tpu.memref_slice %arg2[%add3A_5] : memref<16384xi32, #tpu.memory_space<hbm>> -> memref<128xi32, #tpu.memory_space<hbm>>
      tpu.wait_dma2 semaphore(%run_scoped3A : memref<!tpu.dma_semaphore, #tpu.memory_space<semaphore_mem>>) src(%dma_wait3A_257 : memref<128xi32, #tpu.memory_space<hbm>>) dst(%arg12 : memref<128xi32, #tpu.memory_space<vmem>>)
      tpu.yield
    }) : () -> ()
    "tpu.region"() ({
      %run_scoped3A = tpu.sem_alloc : memref<!tpu.dma_semaphore, #tpu.memory_space<semaphore_mem>>
      %dma_start3A_254 = tpu.memref_slice %arg3[%add3A_5] : memref<16384xi32, #tpu.memory_space<hbm>> -> memref<128xi32, #tpu.memory_space<hbm>>
      %dma_start3A_255 = tpu.memref_slice %arg3[%add3A_5] : memref<16384xi32, #tpu.memory_space<hbm>> -> memref<128xi32, #tpu.memory_space<hbm>>
      tpu.enqueue_dma source(%dma_start3A_255 : memref<128xi32, #tpu.memory_space<hbm>>) target(%arg13 : memref<128xi32, #tpu.memory_space<vmem>>) target_semaphore(%run_scoped3A : memref<!tpu.dma_semaphore, #tpu.memory_space<semaphore_mem>>)
      %dma_wait3A_256 = tpu.memref_slice %arg3[%add3A_5] : memref<16384xi32, #tpu.memory_space<hbm>> -> memref<128xi32, #tpu.memory_space<hbm>>
      %dma_wait3A_257 = tpu.memref_slice %arg3[%add3A_5] : memref<16384xi32, #tpu.memory_space<hbm>> -> memref<128xi32, #tpu.memory_space<hbm>>
      tpu.wait_dma2 semaphore(%run_scoped3A : memref<!tpu.dma_semaphore, #tpu.memory_space<semaphore_mem>>) src(%dma_wait3A_257 : memref<128xi32, #tpu.memory_space<hbm>>) dst(%arg13 : memref<128xi32, #tpu.memory_space<vmem>>)
      tpu.yield
    }) : () -> ()
    "tpu.region"() ({
      %run_scoped3A = tpu.sem_alloc : memref<!tpu.dma_semaphore, #tpu.memory_space<semaphore_mem>>
      %dma_start3A_254 = tpu.memref_slice %arg4[%add3A_5] : memref<16384xi32, #tpu.memory_space<hbm>> -> memref<128xi32, #tpu.memory_space<hbm>>
      %dma_start3A_255 = tpu.memref_slice %arg4[%add3A_5] : memref<16384xi32, #tpu.memory_space<hbm>> -> memref<128xi32, #tpu.memory_space<hbm>>
      tpu.enqueue_dma source(%dma_start3A_255 : memref<128xi32, #tpu.memory_space<hbm>>) target(%arg14 : memref<128xi32, #tpu.memory_space<vmem>>) target_semaphore(%run_scoped3A : memref<!tpu.dma_semaphore, #tpu.memory_space<semaphore_mem>>)
      %dma_wait3A_256 = tpu.memref_slice %arg4[%add3A_5] : memref<16384xi32, #tpu.memory_space<hbm>> -> memref<128xi32, #tpu.memory_space<hbm>>
      %dma_wait3A_257 = tpu.memref_slice %arg4[%add3A_5] : memref<16384xi32, #tpu.memory_space<hbm>> -> memref<128xi32, #tpu.memory_space<hbm>>
      tpu.wait_dma2 semaphore(%run_scoped3A : memref<!tpu.dma_semaphore, #tpu.memory_space<semaphore_mem>>) src(%dma_wait3A_257 : memref<128xi32, #tpu.memory_space<hbm>>) dst(%arg14 : memref<128xi32, #tpu.memory_space<vmem>>)
      tpu.yield
    }) : () -> ()
    %dma_start3A = arith.constant 0 : i32
    %dma_start3A_6 = arith.constant 0 : i32
    %dma_start3A_7 = tpu.memref_slice %arg8[%dma_start3A, %dma_start3A_6] : memref<1000000x64xf32, #tpu.memory_space<hbm>> -> memref<1000000x64xf32, #tpu.memory_space<hbm>>
    tpu.enqueue_indirect_dma source(%dma_start3A_7 : memref<1000000x64xf32, #tpu.memory_space<hbm>>) target(%arg15 : memref<128x64xf32, #tpu.memory_space<vmem>>) offsets(%arg12 : memref<128xi32, #tpu.memory_space<vmem>>) semaphore(%arg21 : memref<!tpu.dma_semaphore, #tpu.memory_space<semaphore_mem>>)
    %dma_start3A_8 = arith.constant 0 : i32
    %dma_start3A_9 = arith.constant 0 : i32
    %dma_start3A_10 = tpu.memref_slice %arg8[%dma_start3A_8, %dma_start3A_9] : memref<1000000x64xf32, #tpu.memory_space<hbm>> -> memref<1000000x64xf32, #tpu.memory_space<hbm>>
    tpu.enqueue_indirect_dma source(%dma_start3A_10 : memref<1000000x64xf32, #tpu.memory_space<hbm>>) target(%arg16 : memref<128x64xf32, #tpu.memory_space<vmem>>) offsets(%arg13 : memref<128xi32, #tpu.memory_space<vmem>>) semaphore(%arg21 : memref<!tpu.dma_semaphore, #tpu.memory_space<semaphore_mem>>)
    %dma_start3A_11 = arith.constant 0 : i32
    %dma_start3A_12 = arith.constant 0 : i32
    %dma_start3A_13 = tpu.memref_slice %arg9[%dma_start3A_11, %dma_start3A_12] : memref<1000x64xf32, #tpu.memory_space<hbm>> -> memref<1000x64xf32, #tpu.memory_space<hbm>>
    tpu.enqueue_indirect_dma source(%dma_start3A_13 : memref<1000x64xf32, #tpu.memory_space<hbm>>) target(%arg17 : memref<128x64xf32, #tpu.memory_space<vmem>>) offsets(%arg14 : memref<128xi32, #tpu.memory_space<vmem>>) semaphore(%arg21 : memref<!tpu.dma_semaphore, #tpu.memory_space<semaphore_mem>>)
    %dma_start3A_14 = arith.constant 0 : i32
    %dma_start3A_15 = arith.constant 0 : i32
    %dma_start3A_16 = tpu.memref_slice %arg10[%dma_start3A_14, %dma_start3A_15] : memref<1000x64xf32, #tpu.memory_space<hbm>> -> memref<1000x64xf32, #tpu.memory_space<hbm>>
    tpu.enqueue_indirect_dma source(%dma_start3A_16 : memref<1000x64xf32, #tpu.memory_space<hbm>>) target(%arg18 : memref<128x64xf32, #tpu.memory_space<vmem>>) offsets(%arg14 : memref<128xi32, #tpu.memory_space<vmem>>) semaphore(%arg21 : memref<!tpu.dma_semaphore, #tpu.memory_space<semaphore_mem>>)
    %dma_wait3A = arith.constant 0 : i32
    %dma_wait3A_17 = arith.constant 0 : i32
    %dma_wait3A_18 = tpu.memref_slice %arg8[%dma_wait3A, %dma_wait3A_17] : memref<1000000x64xf32, #tpu.memory_space<hbm>> -> memref<1000000x64xf32, #tpu.memory_space<hbm>>
    tpu.wait_indirect_dma semaphore(%arg21 : memref<!tpu.dma_semaphore, #tpu.memory_space<semaphore_mem>>) src(%dma_wait3A_18 : memref<1000000x64xf32, #tpu.memory_space<hbm>>) dst(%arg15 : memref<128x64xf32, #tpu.memory_space<vmem>>)
    %dma_wait3A_19 = arith.constant 0 : i32
    %dma_wait3A_20 = arith.constant 0 : i32
    %dma_wait3A_21 = tpu.memref_slice %arg8[%dma_wait3A_19, %dma_wait3A_20] : memref<1000000x64xf32, #tpu.memory_space<hbm>> -> memref<1000000x64xf32, #tpu.memory_space<hbm>>
    tpu.wait_indirect_dma semaphore(%arg21 : memref<!tpu.dma_semaphore, #tpu.memory_space<semaphore_mem>>) src(%dma_wait3A_21 : memref<1000000x64xf32, #tpu.memory_space<hbm>>) dst(%arg16 : memref<128x64xf32, #tpu.memory_space<vmem>>)
    %dma_wait3A_22 = arith.constant 0 : i32
    %dma_wait3A_23 = arith.constant 0 : i32
    %dma_wait3A_24 = tpu.memref_slice %arg9[%dma_wait3A_22, %dma_wait3A_23] : memref<1000x64xf32, #tpu.memory_space<hbm>> -> memref<1000x64xf32, #tpu.memory_space<hbm>>
    tpu.wait_indirect_dma semaphore(%arg21 : memref<!tpu.dma_semaphore, #tpu.memory_space<semaphore_mem>>) src(%dma_wait3A_24 : memref<1000x64xf32, #tpu.memory_space<hbm>>) dst(%arg17 : memref<128x64xf32, #tpu.memory_space<vmem>>)
    %dma_wait3A_25 = arith.constant 0 : i32
    %dma_wait3A_26 = arith.constant 0 : i32
    %dma_wait3A_27 = tpu.memref_slice %arg10[%dma_wait3A_25, %dma_wait3A_26] : memref<1000x64xf32, #tpu.memory_space<hbm>> -> memref<1000x64xf32, #tpu.memory_space<hbm>>
    tpu.wait_indirect_dma semaphore(%arg21 : memref<!tpu.dma_semaphore, #tpu.memory_space<semaphore_mem>>) src(%dma_wait3A_27 : memref<1000x64xf32, #tpu.memory_space<hbm>>) dst(%arg18 : memref<128x64xf32, #tpu.memory_space<vmem>>)
    %scan3A = arith.constant 0 : i32
    %scan3A_28 = arith.constant 0 : i32
    %scan3A_29 = arith.constant 8 : i32
    %scan3A_30 = arith.addi %scan3A_28, %scan3A_29 : i32
    %scan3A_31 = arith.constant 1 : i32
    %scan3A_32 = scf.for %scan3A_254 = %scan3A_28 to %scan3A_30 step %scan3A_31 iter_args(%scan3A_255 = %scan3A) -> (i32)  : i32 {
      %mul3A_256 = arith.constant 16 : i32
      %mul3A_257 = arith.muli %scan3A_254, %mul3A_256 : i32
      %add3A_258 = vector.broadcast %mul3A_257 : i32 to vector<16xi32>
      %add3A_259 = arith.addi %add3A_258, %iota3A : vector<16xi32>
      %scan3A_260 = arith.constant 0 : i32
      %scan3A_261 = arith.constant 64 : i32
      %scan3A_262 = arith.addi %scan3A_260, %scan3A_261 : i32
      %scan3A_263 = arith.constant 1 : i32
      %scan3A_264:3 = scf.for %scan3A_280 = %scan3A_260 to %scan3A_262 step %scan3A_263 iter_args(%scan3A_281 = %broadcast_in_dim3A_3, %scan3A_282 = %broadcast_in_dim3A_3, %scan3A_283 = %broadcast_in_dim3A_3) -> (vector<16xf32>, vector<16xf32>, vector<16xf32>)  : i32 {
        %broadcast_in_dim3A_284 = vector.broadcast %scan3A_280 : i32 to vector<16xi32>
        %gather3A = tpu.vector_load_idx %arg15[%add3A_259, %broadcast_in_dim3A_284] : memref<128x64xf32, #tpu.memory_space<vmem>>[vector<16xi32>, vector<16xi32>], vector<16xf32>,
        %gather3A_285 = tpu.vector_load_idx %arg16[%add3A_259, %broadcast_in_dim3A_284] : memref<128x64xf32, #tpu.memory_space<vmem>>[vector<16xi32>, vector<16xi32>], vector<16xf32>,
        %gather3A_286 = tpu.vector_load_idx %arg17[%add3A_259, %broadcast_in_dim3A_284] : memref<128x64xf32, #tpu.memory_space<vmem>>[vector<16xi32>, vector<16xi32>], vector<16xf32>,
        %gather3A_287 = tpu.vector_load_idx %arg18[%add3A_259, %broadcast_in_dim3A_284] : memref<128x64xf32, #tpu.memory_space<vmem>>[vector<16xi32>, vector<16xi32>], vector<16xf32>,
        %sub3A_288 = arith.subf %gather3A, %gather3A_285 : vector<16xf32>
        %add3A_289 = arith.addf %sub3A_288, %gather3A_286 : vector<16xf32>
        tpu.vector_store_idx %arg15[%add3A_259, %broadcast_in_dim3A_284], %add3A_289 : memref<128x64xf32, #tpu.memory_space<vmem>>[vector<16xi32>, vector<16xi32>], vector<16xf32>,
        %mul3A_290 = arith.mulf %gather3A_287, %gather3A : vector<16xf32>
        %add3A_291 = arith.addf %scan3A_281, %mul3A_290 : vector<16xf32>
        %mul3A_292 = arith.mulf %gather3A_287, %gather3A_285 : vector<16xf32>
        %add3A_293 = arith.addf %scan3A_282, %mul3A_292 : vector<16xf32>
        %mul3A_294 = arith.mulf %gather3A_287, %gather3A_287 : vector<16xf32>
        %add3A_295 = arith.addf %scan3A_283, %mul3A_294 : vector<16xf32>
        scf.yield %add3A_291, %add3A_293, %add3A_295 : vector<16xf32>, vector<16xf32>, vector<16xf32>
      }
      %scan3A_265 = arith.constant 64 : i32
      %sub3A = arith.subf %scan3A_264#0, %scan3A_264#1 : vector<16xf32>
      %div3A = arith.divf %sub3A, %scan3A_264#2 : vector<16xf32>
      %scan3A_266 = arith.constant 0 : i32
      %scan3A_267 = arith.constant 64 : i32
      %scan3A_268 = arith.addi %scan3A_266, %scan3A_267 : i32
      %scan3A_269 = arith.constant 1 : i32
      %scan3A_270 = scf.for %scan3A_280 = %scan3A_266 to %scan3A_268 step %scan3A_269 iter_args(%scan3A_281 = %broadcast_in_dim3A_3) -> (vector<16xf32>)  : i32 {
        %broadcast_in_dim3A_282 = vector.broadcast %scan3A_280 : i32 to vector<16xi32>
        %gather3A = tpu.vector_load_idx %arg15[%add3A_259, %broadcast_in_dim3A_282] : memref<128x64xf32, #tpu.memory_space<vmem>>[vector<16xi32>, vector<16xi32>], vector<16xf32>,
        %gather3A_283 = tpu.vector_load_idx %arg18[%add3A_259, %broadcast_in_dim3A_282] : memref<128x64xf32, #tpu.memory_space<vmem>>[vector<16xi32>, vector<16xi32>], vector<16xf32>,
        %mul3A_284 = arith.mulf %div3A, %gather3A_283 : vector<16xf32>
        %sub3A_285 = arith.subf %gather3A, %mul3A_284 : vector<16xf32>
        %abs3A = math.absf %sub3A_285 : vector<16xf32>
        %add3A_286 = arith.addf %scan3A_281, %abs3A : vector<16xf32>
        scf.yield %add3A_286 : vector<16xf32>
      }
      %scan3A_271 = arith.constant 64 : i32
      %mul3A_272 = arith.mulf %scan3A_270, %scan3A_270 : vector<16xf32>
      %neg3A = arith.constant 0.000000e+00 : f32
      %neg3A_273 = vector.broadcast %neg3A : f32 to vector<16xf32>
      %neg3A_274 = arith.subf %neg3A_273, %mul3A_272 : vector<16xf32>
      %mul3A_275 = arith.constant 16 : i32
      %mul3A_276 = arith.muli %scan3A_254, %mul3A_275 : i32
      %swap3A_277 = arith.index_cast %mul3A_276 : i32 to index
      %swap3A_278 = tpu.vector_load %arg19[%swap3A_277] {strides = array<i32>} : memref<128xf32, #tpu.memory_space<vmem>>, vector<16xf32>,
      tpu.vector_store %arg19[%swap3A_277], %neg3A_274 {strides = array<i32>} : memref<128xf32, #tpu.memory_space<vmem>>, vector<16xf32>,
      %scan3A_279 = arith.constant 0 : i32
      scf.yield %scan3A_279 : i32
    }
    %scan3A_33 = arith.constant 8 : i32
    "tpu.region"() ({
      %run_scoped3A = tpu.sem_alloc : memref<!tpu.dma_semaphore, #tpu.memory_space<semaphore_mem>>
      %dma_start3A_254 = tpu.memref_slice %arg5[%add3A_5] : memref<16384xi32, #tpu.memory_space<hbm>> -> memref<128xi32, #tpu.memory_space<hbm>>
      %dma_start3A_255 = tpu.memref_slice %arg5[%add3A_5] : memref<16384xi32, #tpu.memory_space<hbm>> -> memref<128xi32, #tpu.memory_space<hbm>>
      tpu.enqueue_dma source(%dma_start3A_255 : memref<128xi32, #tpu.memory_space<hbm>>) target(%arg12 : memref<128xi32, #tpu.memory_space<vmem>>) target_semaphore(%run_scoped3A : memref<!tpu.dma_semaphore, #tpu.memory_space<semaphore_mem>>)
      %dma_wait3A_256 = tpu.memref_slice %arg5[%add3A_5] : memref<16384xi32, #tpu.memory_space<hbm>> -> memref<128xi32, #tpu.memory_space<hbm>>
      %dma_wait3A_257 = tpu.memref_slice %arg5[%add3A_5] : memref<16384xi32, #tpu.memory_space<hbm>> -> memref<128xi32, #tpu.memory_space<hbm>>
      tpu.wait_dma2 semaphore(%run_scoped3A : memref<!tpu.dma_semaphore, #tpu.memory_space<semaphore_mem>>) src(%dma_wait3A_257 : memref<128xi32, #tpu.memory_space<hbm>>) dst(%arg12 : memref<128xi32, #tpu.memory_space<vmem>>)
      tpu.yield
    }) : () -> ()
    "tpu.region"() ({
      %run_scoped3A = tpu.sem_alloc : memref<!tpu.dma_semaphore, #tpu.memory_space<semaphore_mem>>
      %dma_start3A_254 = tpu.memref_slice %arg6[%add3A_5] : memref<16384xi32, #tpu.memory_space<hbm>> -> memref<128xi32, #tpu.memory_space<hbm>>
      %dma_start3A_255 = tpu.memref_slice %arg6[%add3A_5] : memref<16384xi32, #tpu.memory_space<hbm>> -> memref<128xi32, #tpu.memory_space<hbm>>
      tpu.enqueue_dma source(%dma_start3A_255 : memref<128xi32, #tpu.memory_space<hbm>>) target(%arg13 : memref<128xi32, #tpu.memory_space<vmem>>) target_semaphore(%run_scoped3A : memref<!tpu.dma_semaphore, #tpu.memory_space<semaphore_mem>>)
      %dma_wait3A_256 = tpu.memref_slice %arg6[%add3A_5] : memref<16384xi32, #tpu.memory_space<hbm>> -> memref<128xi32, #tpu.memory_space<hbm>>
      %dma_wait3A_257 = tpu.memref_slice %arg6[%add3A_5] : memref<16384xi32, #tpu.memory_space<hbm>> -> memref<128xi32, #tpu.memory_space<hbm>>
      tpu.wait_dma2 semaphore(%run_scoped3A : memref<!tpu.dma_semaphore, #tpu.memory_space<semaphore_mem>>) src(%dma_wait3A_257 : memref<128xi32, #tpu.memory_space<hbm>>) dst(%arg13 : memref<128xi32, #tpu.memory_space<vmem>>)
      tpu.yield
    }) : () -> ()
    "tpu.region"() ({
      %run_scoped3A = tpu.sem_alloc : memref<!tpu.dma_semaphore, #tpu.memory_space<semaphore_mem>>
      %dma_start3A_254 = tpu.memref_slice %arg7[%add3A_5] : memref<16384xi32, #tpu.memory_space<hbm>> -> memref<128xi32, #tpu.memory_space<hbm>>
      %dma_start3A_255 = tpu.memref_slice %arg7[%add3A_5] : memref<16384xi32, #tpu.memory_space<hbm>> -> memref<128xi32, #tpu.memory_space<hbm>>
      tpu.enqueue_dma source(%dma_start3A_255 : memref<128xi32, #tpu.memory_space<hbm>>) target(%arg14 : memref<128xi32, #tpu.memory_space<vmem>>) target_semaphore(%run_scoped3A : memref<!tpu.dma_semaphore, #tpu.memory_space<semaphore_mem>>)
      %dma_wait3A_256 = tpu.memref_slice %arg7[%add3A_5] : memref<16384xi32, #tpu.memory_space<hbm>> -> memref<128xi32, #tpu.memory_space<hbm>>
      %dma_wait3A_257 = tpu.memref_slice %arg7[%add3A_5] : memref<16384xi32, #tpu.memory_space<hbm>> -> memref<128xi32, #tpu.memory_space<hbm>>
      tpu.wait_dma2 semaphore(%run_scoped3A : memref<!tpu.dma_semaphore, #tpu.memory_space<semaphore_mem>>) src(%dma_wait3A_257 : memref<128xi32, #tpu.memory_space<hbm>>) dst(%arg14 : memref<128xi32, #tpu.memory_space<vmem>>)
      tpu.yield
    }) : () -> ()
    %dma_start3A_34 = arith.constant 0 : i32
    %dma_start3A_35 = arith.constant 0 : i32
    %dma_start3A_36 = tpu.memref_slice %arg8[%dma_start3A_34, %dma_start3A_35] : memref<1000000x64xf32, #tpu.memory_space<hbm>> -> memref<1000000x64xf32, #tpu.memory_space<hbm>>
    tpu.enqueue_indirect_dma source(%dma_start3A_36 : memref<1000000x64xf32, #tpu.memory_space<hbm>>) target(%arg15 : memref<128x64xf32, #tpu.memory_space<vmem>>) offsets(%arg12 : memref<128xi32, #tpu.memory_space<vmem>>) semaphore(%arg21 : memref<!tpu.dma_semaphore, #tpu.memory_space<semaphore_mem>>)
    %dma_start3A_37 = arith.constant 0 : i32
    %dma_start3A_38 = arith.constant 0 : i32
    %dma_start3A_39 = tpu.memref_slice %arg8[%dma_start3A_37, %dma_start3A_38] : memref<1000000x64xf32, #tpu.memory_space<hbm>> -> memref<1000000x64xf32, #tpu.memory_space<hbm>>
    tpu.enqueue_indirect_dma source(%dma_start3A_39 : memref<1000000x64xf32, #tpu.memory_space<hbm>>) target(%arg16 : memref<128x64xf32, #tpu.memory_space<vmem>>) offsets(%arg13 : memref<128xi32, #tpu.memory_space<vmem>>) semaphore(%arg21 : memref<!tpu.dma_semaphore, #tpu.memory_space<semaphore_mem>>)
    %dma_start3A_40 = arith.constant 0 : i32
    %dma_start3A_41 = arith.constant 0 : i32
    %dma_start3A_42 = tpu.memref_slice %arg9[%dma_start3A_40, %dma_start3A_41] : memref<1000x64xf32, #tpu.memory_space<hbm>> -> memref<1000x64xf32, #tpu.memory_space<hbm>>
    tpu.enqueue_indirect_dma source(%dma_start3A_42 : memref<1000x64xf32, #tpu.memory_space<hbm>>) target(%arg17 : memref<128x64xf32, #tpu.memory_space<vmem>>) offsets(%arg14 : memref<128xi32, #tpu.memory_space<vmem>>) semaphore(%arg21 : memref<!tpu.dma_semaphore, #tpu.memory_space<semaphore_mem>>)
    %dma_start3A_43 = arith.constant 0 : i32
    %dma_start3A_44 = arith.constant 0 : i32
    %dma_start3A_45 = tpu.memref_slice %arg10[%dma_start3A_43, %dma_start3A_44] : memref<1000x64xf32, #tpu.memory_space<hbm>> -> memref<1000x64xf32, #tpu.memory_space<hbm>>
    tpu.enqueue_indirect_dma source(%dma_start3A_45 : memref<1000x64xf32, #tpu.memory_space<hbm>>) target(%arg18 : memref<128x64xf32, #tpu.memory_space<vmem>>) offsets(%arg14 : memref<128xi32, #tpu.memory_space<vmem>>) semaphore(%arg21 : memref<!tpu.dma_semaphore, #tpu.memory_space<semaphore_mem>>)
    %dma_wait3A_46 = arith.constant 0 : i32
    %dma_wait3A_47 = arith.constant 0 : i32
    %dma_wait3A_48 = tpu.memref_slice %arg8[%dma_wait3A_46, %dma_wait3A_47] : memref<1000000x64xf32, #tpu.memory_space<hbm>> -> memref<1000000x64xf32, #tpu.memory_space<hbm>>
    tpu.wait_indirect_dma semaphore(%arg21 : memref<!tpu.dma_semaphore, #tpu.memory_space<semaphore_mem>>) src(%dma_wait3A_48 : memref<1000000x64xf32, #tpu.memory_space<hbm>>) dst(%arg15 : memref<128x64xf32, #tpu.memory_space<vmem>>)
    %dma_wait3A_49 = arith.constant 0 : i32
    %dma_wait3A_50 = arith.constant 0 : i32
    %dma_wait3A_51 = tpu.memref_slice %arg8[%dma_wait3A_49, %dma_wait3A_50] : memref<1000000x64xf32, #tpu.memory_space<hbm>> -> memref<1000000x64xf32, #tpu.memory_space<hbm>>
    tpu.wait_indirect_dma semaphore(%arg21 : memref<!tpu.dma_semaphore, #tpu.memory_space<semaphore_mem>>) src(%dma_wait3A_51 : memref<1000000x64xf32, #tpu.memory_space<hbm>>) dst(%arg16 : memref<128x64xf32, #tpu.memory_space<vmem>>)
    %dma_wait3A_52 = arith.constant 0 : i32
    %dma_wait3A_53 = arith.constant 0 : i32
    %dma_wait3A_54 = tpu.memref_slice %arg9[%dma_wait3A_52, %dma_wait3A_53] : memref<1000x64xf32, #tpu.memory_space<hbm>> -> memref<1000x64xf32, #tpu.memory_space<hbm>>
    tpu.wait_indirect_dma semaphore(%arg21 : memref<!tpu.dma_semaphore, #tpu.memory_space<semaphore_mem>>) src(%dma_wait3A_54 : memref<1000x64xf32, #tpu.memory_space<hbm>>) dst(%arg17 : memref<128x64xf32, #tpu.memory_space<vmem>>)
    %dma_wait3A_55 = arith.constant 0 : i32
    %dma_wait3A_56 = arith.constant 0 : i32
    %dma_wait3A_57 = tpu.memref_slice %arg10[%dma_wait3A_55, %dma_wait3A_56] : memref<1000x64xf32, #tpu.memory_space<hbm>> -> memref<1000x64xf32, #tpu.memory_space<hbm>>
    tpu.wait_indirect_dma semaphore(%arg21 : memref<!tpu.dma_semaphore, #tpu.memory_space<semaphore_mem>>) src(%dma_wait3A_57 : memref<1000x64xf32, #tpu.memory_space<hbm>>) dst(%arg18 : memref<128x64xf32, #tpu.memory_space<vmem>>)
    %scan3A_58 = arith.constant 0 : i32
    %scan3A_59 = arith.constant 8 : i32
    %scan3A_60 = arith.addi %scan3A_58, %scan3A_59 : i32
    %scan3A_61 = arith.constant 1 : i32
    %scan3A_62 = scf.for %scan3A_254 = %scan3A_58 to %scan3A_60 step %scan3A_61 iter_args(%scan3A_255 = %broadcast_in_dim3A_3) -> (vector<16xf32>)  : i32 {
      %mul3A_256 = arith.constant 16 : i32
      %mul3A_257 = arith.muli %scan3A_254, %mul3A_256 : i32
      %add3A_258 = vector.broadcast %mul3A_257 : i32 to vector<16xi32>
      %add3A_259 = arith.addi %add3A_258, %iota3A : vector<16xi32>
      %scan3A_260 = arith.constant 0 : i32
      %scan3A_261 = arith.constant 64 : i32
      %scan3A_262 = arith.addi %scan3A_260, %scan3A_261 : i32
      %scan3A_263 = arith.constant 1 : i32
      %scan3A_264:3 = scf.for %scan3A_285 = %scan3A_260 to %scan3A_262 step %scan3A_263 iter_args(%scan3A_286 = %broadcast_in_dim3A_3, %scan3A_287 = %broadcast_in_dim3A_3, %scan3A_288 = %broadcast_in_dim3A_3) -> (vector<16xf32>, vector<16xf32>, vector<16xf32>)  : i32 {
        %broadcast_in_dim3A_289 = vector.broadcast %scan3A_285 : i32 to vector<16xi32>
        %gather3A = tpu.vector_load_idx %arg15[%add3A_259, %broadcast_in_dim3A_289] : memref<128x64xf32, #tpu.memory_space<vmem>>[vector<16xi32>, vector<16xi32>], vector<16xf32>,
        %gather3A_290 = tpu.vector_load_idx %arg16[%add3A_259, %broadcast_in_dim3A_289] : memref<128x64xf32, #tpu.memory_space<vmem>>[vector<16xi32>, vector<16xi32>], vector<16xf32>,
        %gather3A_291 = tpu.vector_load_idx %arg17[%add3A_259, %broadcast_in_dim3A_289] : memref<128x64xf32, #tpu.memory_space<vmem>>[vector<16xi32>, vector<16xi32>], vector<16xf32>,
        %gather3A_292 = tpu.vector_load_idx %arg18[%add3A_259, %broadcast_in_dim3A_289] : memref<128x64xf32, #tpu.memory_space<vmem>>[vector<16xi32>, vector<16xi32>], vector<16xf32>,
        %sub3A_293 = arith.subf %gather3A, %gather3A_290 : vector<16xf32>
        %add3A_294 = arith.addf %sub3A_293, %gather3A_291 : vector<16xf32>
        tpu.vector_store_idx %arg15[%add3A_259, %broadcast_in_dim3A_289], %add3A_294 : memref<128x64xf32, #tpu.memory_space<vmem>>[vector<16xi32>, vector<16xi32>], vector<16xf32>,
        %mul3A_295 = arith.mulf %gather3A_292, %gather3A : vector<16xf32>
        %add3A_296 = arith.addf %scan3A_286, %mul3A_295 : vector<16xf32>
        %mul3A_297 = arith.mulf %gather3A_292, %gather3A_290 : vector<16xf32>
        %add3A_298 = arith.addf %scan3A_287, %mul3A_297 : vector<16xf32>
        %mul3A_299 = arith.mulf %gather3A_292, %gather3A_292 : vector<16xf32>
        %add3A_300 = arith.addf %scan3A_288, %mul3A_299 : vector<16xf32>
        scf.yield %add3A_296, %add3A_298, %add3A_300 : vector<16xf32>, vector<16xf32>, vector<16xf32>
      }
      %scan3A_265 = arith.constant 64 : i32
      %sub3A = arith.subf %scan3A_264#0, %scan3A_264#1 : vector<16xf32>
      %div3A = arith.divf %sub3A, %scan3A_264#2 : vector<16xf32>
      %scan3A_266 = arith.constant 0 : i32
      %scan3A_267 = arith.constant 64 : i32
      %scan3A_268 = arith.addi %scan3A_266, %scan3A_267 : i32
      %scan3A_269 = arith.constant 1 : i32
      %scan3A_270 = scf.for %scan3A_285 = %scan3A_266 to %scan3A_268 step %scan3A_269 iter_args(%scan3A_286 = %broadcast_in_dim3A_3) -> (vector<16xf32>)  : i32 {
        %broadcast_in_dim3A_287 = vector.broadcast %scan3A_285 : i32 to vector<16xi32>
        %gather3A = tpu.vector_load_idx %arg15[%add3A_259, %broadcast_in_dim3A_287] : memref<128x64xf32, #tpu.memory_space<vmem>>[vector<16xi32>, vector<16xi32>], vector<16xf32>,
        %gather3A_288 = tpu.vector_load_idx %arg18[%add3A_259, %broadcast_in_dim3A_287] : memref<128x64xf32, #tpu.memory_space<vmem>>[vector<16xi32>, vector<16xi32>], vector<16xf32>,
        %mul3A_289 = arith.mulf %div3A, %gather3A_288 : vector<16xf32>
        %sub3A_290 = arith.subf %gather3A, %mul3A_289 : vector<16xf32>
        %abs3A = math.absf %sub3A_290 : vector<16xf32>
        %add3A_291 = arith.addf %scan3A_286, %abs3A : vector<16xf32>
        scf.yield %add3A_291 : vector<16xf32>
      }
      %scan3A_271 = arith.constant 64 : i32
      %mul3A_272 = arith.mulf %scan3A_270, %scan3A_270 : vector<16xf32>
      %neg3A = arith.constant 0.000000e+00 : f32
      %neg3A_273 = vector.broadcast %neg3A : f32 to vector<16xf32>
      %neg3A_274 = arith.subf %neg3A_273, %mul3A_272 : vector<16xf32>
      %mul3A_275 = arith.constant 16 : i32
      %mul3A_276 = arith.muli %scan3A_254, %mul3A_275 : i32
      %get3A = arith.index_cast %mul3A_276 : i32 to index
      %get3A_277 = tpu.vector_load %arg19[%get3A] {strides = array<i32>} : memref<128xf32, #tpu.memory_space<vmem>>, vector<16xf32>,
      %sub3A_278 = arith.subf %get3A_277, %neg3A_274 : vector<16xf32>
      %add3A_279 = arith.constant 1.000000e+00 : f32
      %add3A_280 = vector.broadcast %add3A_279 : f32 to vector<16xf32>
      %add3A_281 = arith.addf %sub3A_278, %add3A_280 : vector<16xf32>
      %max3A = arith.constant 0.000000e+00 : f32
      %max3A_282 = vector.broadcast %max3A : f32 to vector<16xf32>
      %max3A_283 = arith.maximumf %add3A_281, %max3A_282 : vector<16xf32>
      %add3A_284 = arith.addf %scan3A_255, %max3A_283 : vector<16xf32>
      scf.yield %add3A_284 : vector<16xf32>
    }
    %scan3A_63 = arith.constant 8 : i32
    %add3A_64 = arith.constant 128 : i32
    %add3A_65 = arith.addi %mul3A_2, %add3A_64 : i32
    "tpu.region"() ({
      %run_scoped3A = tpu.sem_alloc : memref<!tpu.dma_semaphore, #tpu.memory_space<semaphore_mem>>
      %dma_start3A_254 = tpu.memref_slice %arg2[%add3A_65] : memref<16384xi32, #tpu.memory_space<hbm>> -> memref<128xi32, #tpu.memory_space<hbm>>
      %dma_start3A_255 = tpu.memref_slice %arg2[%add3A_65] : memref<16384xi32, #tpu.memory_space<hbm>> -> memref<128xi32, #tpu.memory_space<hbm>>
      tpu.enqueue_dma source(%dma_start3A_255 : memref<128xi32, #tpu.memory_space<hbm>>) target(%arg12 : memref<128xi32, #tpu.memory_space<vmem>>) target_semaphore(%run_scoped3A : memref<!tpu.dma_semaphore, #tpu.memory_space<semaphore_mem>>)
      %dma_wait3A_256 = tpu.memref_slice %arg2[%add3A_65] : memref<16384xi32, #tpu.memory_space<hbm>> -> memref<128xi32, #tpu.memory_space<hbm>>
      %dma_wait3A_257 = tpu.memref_slice %arg2[%add3A_65] : memref<16384xi32, #tpu.memory_space<hbm>> -> memref<128xi32, #tpu.memory_space<hbm>>
      tpu.wait_dma2 semaphore(%run_scoped3A : memref<!tpu.dma_semaphore, #tpu.memory_space<semaphore_mem>>) src(%dma_wait3A_257 : memref<128xi32, #tpu.memory_space<hbm>>) dst(%arg12 : memref<128xi32, #tpu.memory_space<vmem>>)
      tpu.yield
    }) : () -> ()
    "tpu.region"() ({
      %run_scoped3A = tpu.sem_alloc : memref<!tpu.dma_semaphore, #tpu.memory_space<semaphore_mem>>
      %dma_start3A_254 = tpu.memref_slice %arg3[%add3A_65] : memref<16384xi32, #tpu.memory_space<hbm>> -> memref<128xi32, #tpu.memory_space<hbm>>
      %dma_start3A_255 = tpu.memref_slice %arg3[%add3A_65] : memref<16384xi32, #tpu.memory_space<hbm>> -> memref<128xi32, #tpu.memory_space<hbm>>
      tpu.enqueue_dma source(%dma_start3A_255 : memref<128xi32, #tpu.memory_space<hbm>>) target(%arg13 : memref<128xi32, #tpu.memory_space<vmem>>) target_semaphore(%run_scoped3A : memref<!tpu.dma_semaphore, #tpu.memory_space<semaphore_mem>>)
      %dma_wait3A_256 = tpu.memref_slice %arg3[%add3A_65] : memref<16384xi32, #tpu.memory_space<hbm>> -> memref<128xi32, #tpu.memory_space<hbm>>
      %dma_wait3A_257 = tpu.memref_slice %arg3[%add3A_65] : memref<16384xi32, #tpu.memory_space<hbm>> -> memref<128xi32, #tpu.memory_space<hbm>>
      tpu.wait_dma2 semaphore(%run_scoped3A : memref<!tpu.dma_semaphore, #tpu.memory_space<semaphore_mem>>) src(%dma_wait3A_257 : memref<128xi32, #tpu.memory_space<hbm>>) dst(%arg13 : memref<128xi32, #tpu.memory_space<vmem>>)
      tpu.yield
    }) : () -> ()
    "tpu.region"() ({
      %run_scoped3A = tpu.sem_alloc : memref<!tpu.dma_semaphore, #tpu.memory_space<semaphore_mem>>
      %dma_start3A_254 = tpu.memref_slice %arg4[%add3A_65] : memref<16384xi32, #tpu.memory_space<hbm>> -> memref<128xi32, #tpu.memory_space<hbm>>
      %dma_start3A_255 = tpu.memref_slice %arg4[%add3A_65] : memref<16384xi32, #tpu.memory_space<hbm>> -> memref<128xi32, #tpu.memory_space<hbm>>
      tpu.enqueue_dma source(%dma_start3A_255 : memref<128xi32, #tpu.memory_space<hbm>>) target(%arg14 : memref<128xi32, #tpu.memory_space<vmem>>) target_semaphore(%run_scoped3A : memref<!tpu.dma_semaphore, #tpu.memory_space<semaphore_mem>>)
      %dma_wait3A_256 = tpu.memref_slice %arg4[%add3A_65] : memref<16384xi32, #tpu.memory_space<hbm>> -> memref<128xi32, #tpu.memory_space<hbm>>
      %dma_wait3A_257 = tpu.memref_slice %arg4[%add3A_65] : memref<16384xi32, #tpu.memory_space<hbm>> -> memref<128xi32, #tpu.memory_space<hbm>>
      tpu.wait_dma2 semaphore(%run_scoped3A : memref<!tpu.dma_semaphore, #tpu.memory_space<semaphore_mem>>) src(%dma_wait3A_257 : memref<128xi32, #tpu.memory_space<hbm>>) dst(%arg14 : memref<128xi32, #tpu.memory_space<vmem>>)
      tpu.yield
    }) : () -> ()
    %dma_start3A_66 = arith.constant 0 : i32
    %dma_start3A_67 = arith.constant 0 : i32
    %dma_start3A_68 = tpu.memref_slice %arg8[%dma_start3A_66, %dma_start3A_67] : memref<1000000x64xf32, #tpu.memory_space<hbm>> -> memref<1000000x64xf32, #tpu.memory_space<hbm>>
    tpu.enqueue_indirect_dma source(%dma_start3A_68 : memref<1000000x64xf32, #tpu.memory_space<hbm>>) target(%arg15 : memref<128x64xf32, #tpu.memory_space<vmem>>) offsets(%arg12 : memref<128xi32, #tpu.memory_space<vmem>>) semaphore(%arg21 : memref<!tpu.dma_semaphore, #tpu.memory_space<semaphore_mem>>)
    %dma_start3A_69 = arith.constant 0 : i32
    %dma_start3A_70 = arith.constant 0 : i32
    %dma_start3A_71 = tpu.memref_slice %arg8[%dma_start3A_69, %dma_start3A_70] : memref<1000000x64xf32, #tpu.memory_space<hbm>> -> memref<1000000x64xf32, #tpu.memory_space<hbm>>
    tpu.enqueue_indirect_dma source(%dma_start3A_71 : memref<1000000x64xf32, #tpu.memory_space<hbm>>) target(%arg16 : memref<128x64xf32, #tpu.memory_space<vmem>>) offsets(%arg13 : memref<128xi32, #tpu.memory_space<vmem>>) semaphore(%arg21 : memref<!tpu.dma_semaphore, #tpu.memory_space<semaphore_mem>>)
    %dma_start3A_72 = arith.constant 0 : i32
    %dma_start3A_73 = arith.constant 0 : i32
    %dma_start3A_74 = tpu.memref_slice %arg9[%dma_start3A_72, %dma_start3A_73] : memref<1000x64xf32, #tpu.memory_space<hbm>> -> memref<1000x64xf32, #tpu.memory_space<hbm>>
    tpu.enqueue_indirect_dma source(%dma_start3A_74 : memref<1000x64xf32, #tpu.memory_space<hbm>>) target(%arg17 : memref<128x64xf32, #tpu.memory_space<vmem>>) offsets(%arg14 : memref<128xi32, #tpu.memory_space<vmem>>) semaphore(%arg21 : memref<!tpu.dma_semaphore, #tpu.memory_space<semaphore_mem>>)
    %dma_start3A_75 = arith.constant 0 : i32
    %dma_start3A_76 = arith.constant 0 : i32
    %dma_start3A_77 = tpu.memref_slice %arg10[%dma_start3A_75, %dma_start3A_76] : memref<1000x64xf32, #tpu.memory_space<hbm>> -> memref<1000x64xf32, #tpu.memory_space<hbm>>
    tpu.enqueue_indirect_dma source(%dma_start3A_77 : memref<1000x64xf32, #tpu.memory_space<hbm>>) target(%arg18 : memref<128x64xf32, #tpu.memory_space<vmem>>) offsets(%arg14 : memref<128xi32, #tpu.memory_space<vmem>>) semaphore(%arg21 : memref<!tpu.dma_semaphore, #tpu.memory_space<semaphore_mem>>)
    %dma_wait3A_78 = arith.constant 0 : i32
    %dma_wait3A_79 = arith.constant 0 : i32
    %dma_wait3A_80 = tpu.memref_slice %arg8[%dma_wait3A_78, %dma_wait3A_79] : memref<1000000x64xf32, #tpu.memory_space<hbm>> -> memref<1000000x64xf32, #tpu.memory_space<hbm>>
    tpu.wait_indirect_dma semaphore(%arg21 : memref<!tpu.dma_semaphore, #tpu.memory_space<semaphore_mem>>) src(%dma_wait3A_80 : memref<1000000x64xf32, #tpu.memory_space<hbm>>) dst(%arg15 : memref<128x64xf32, #tpu.memory_space<vmem>>)
    %dma_wait3A_81 = arith.constant 0 : i32
    %dma_wait3A_82 = arith.constant 0 : i32
    %dma_wait3A_83 = tpu.memref_slice %arg8[%dma_wait3A_81, %dma_wait3A_82] : memref<1000000x64xf32, #tpu.memory_space<hbm>> -> memref<1000000x64xf32, #tpu.memory_space<hbm>>
    tpu.wait_indirect_dma semaphore(%arg21 : memref<!tpu.dma_semaphore, #tpu.memory_space<semaphore_mem>>) src(%dma_wait3A_83 : memref<1000000x64xf32, #tpu.memory_space<hbm>>) dst(%arg16 : memref<128x64xf32, #tpu.memory_space<vmem>>)
    %dma_wait3A_84 = arith.constant 0 : i32
    %dma_wait3A_85 = arith.constant 0 : i32
    %dma_wait3A_86 = tpu.memref_slice %arg9[%dma_wait3A_84, %dma_wait3A_85] : memref<1000x64xf32, #tpu.memory_space<hbm>> -> memref<1000x64xf32, #tpu.memory_space<hbm>>
    tpu.wait_indirect_dma semaphore(%arg21 : memref<!tpu.dma_semaphore, #tpu.memory_space<semaphore_mem>>) src(%dma_wait3A_86 : memref<1000x64xf32, #tpu.memory_space<hbm>>) dst(%arg17 : memref<128x64xf32, #tpu.memory_space<vmem>>)
    %dma_wait3A_87 = arith.constant 0 : i32
    %dma_wait3A_88 = arith.constant 0 : i32
    %dma_wait3A_89 = tpu.memref_slice %arg10[%dma_wait3A_87, %dma_wait3A_88] : memref<1000x64xf32, #tpu.memory_space<hbm>> -> memref<1000x64xf32, #tpu.memory_space<hbm>>
    tpu.wait_indirect_dma semaphore(%arg21 : memref<!tpu.dma_semaphore, #tpu.memory_space<semaphore_mem>>) src(%dma_wait3A_89 : memref<1000x64xf32, #tpu.memory_space<hbm>>) dst(%arg18 : memref<128x64xf32, #tpu.memory_space<vmem>>)
    %scan3A_90 = arith.constant 0 : i32
    %scan3A_91 = arith.constant 0 : i32
    %scan3A_92 = arith.constant 8 : i32
    %scan3A_93 = arith.addi %scan3A_91, %scan3A_92 : i32
    %scan3A_94 = arith.constant 1 : i32
    %scan3A_95 = scf.for %scan3A_254 = %scan3A_91 to %scan3A_93 step %scan3A_94 iter_args(%scan3A_255 = %scan3A_90) -> (i32)  : i32 {
      %mul3A_256 = arith.constant 16 : i32
      %mul3A_257 = arith.muli %scan3A_254, %mul3A_256 : i32
      %add3A_258 = vector.broadcast %mul3A_257 : i32 to vector<16xi32>
      %add3A_259 = arith.addi %add3A_258, %iota3A : vector<16xi32>
      %scan3A_260 = arith.constant 0 : i32
      %scan3A_261 = arith.constant 64 : i32
      %scan3A_262 = arith.addi %scan3A_260, %scan3A_261 : i32
      %scan3A_263 = arith.constant 1 : i32
      %scan3A_264:3 = scf.for %scan3A_280 = %scan3A_260 to %scan3A_262 step %scan3A_263 iter_args(%scan3A_281 = %broadcast_in_dim3A_3, %scan3A_282 = %broadcast_in_dim3A_3, %scan3A_283 = %broadcast_in_dim3A_3) -> (vector<16xf32>, vector<16xf32>, vector<16xf32>)  : i32 {
        %broadcast_in_dim3A_284 = vector.broadcast %scan3A_280 : i32 to vector<16xi32>
        %gather3A = tpu.vector_load_idx %arg15[%add3A_259, %broadcast_in_dim3A_284] : memref<128x64xf32, #tpu.memory_space<vmem>>[vector<16xi32>, vector<16xi32>], vector<16xf32>,
        %gather3A_285 = tpu.vector_load_idx %arg16[%add3A_259, %broadcast_in_dim3A_284] : memref<128x64xf32, #tpu.memory_space<vmem>>[vector<16xi32>, vector<16xi32>], vector<16xf32>,
        %gather3A_286 = tpu.vector_load_idx %arg17[%add3A_259, %broadcast_in_dim3A_284] : memref<128x64xf32, #tpu.memory_space<vmem>>[vector<16xi32>, vector<16xi32>], vector<16xf32>,
        %gather3A_287 = tpu.vector_load_idx %arg18[%add3A_259, %broadcast_in_dim3A_284] : memref<128x64xf32, #tpu.memory_space<vmem>>[vector<16xi32>, vector<16xi32>], vector<16xf32>,
        %sub3A_288 = arith.subf %gather3A, %gather3A_285 : vector<16xf32>
        %add3A_289 = arith.addf %sub3A_288, %gather3A_286 : vector<16xf32>
        tpu.vector_store_idx %arg15[%add3A_259, %broadcast_in_dim3A_284], %add3A_289 : memref<128x64xf32, #tpu.memory_space<vmem>>[vector<16xi32>, vector<16xi32>], vector<16xf32>,
        %mul3A_290 = arith.mulf %gather3A_287, %gather3A : vector<16xf32>
        %add3A_291 = arith.addf %scan3A_281, %mul3A_290 : vector<16xf32>
        %mul3A_292 = arith.mulf %gather3A_287, %gather3A_285 : vector<16xf32>
        %add3A_293 = arith.addf %scan3A_282, %mul3A_292 : vector<16xf32>
        %mul3A_294 = arith.mulf %gather3A_287, %gather3A_287 : vector<16xf32>
        %add3A_295 = arith.addf %scan3A_283, %mul3A_294 : vector<16xf32>
        scf.yield %add3A_291, %add3A_293, %add3A_295 : vector<16xf32>, vector<16xf32>, vector<16xf32>
      }
      %scan3A_265 = arith.constant 64 : i32
      %sub3A = arith.subf %scan3A_264#0, %scan3A_264#1 : vector<16xf32>
      %div3A = arith.divf %sub3A, %scan3A_264#2 : vector<16xf32>
      %scan3A_266 = arith.constant 0 : i32
      %scan3A_267 = arith.constant 64 : i32
      %scan3A_268 = arith.addi %scan3A_266, %scan3A_267 : i32
      %scan3A_269 = arith.constant 1 : i32
      %scan3A_270 = scf.for %scan3A_280 = %scan3A_266 to %scan3A_268 step %scan3A_269 iter_args(%scan3A_281 = %broadcast_in_dim3A_3) -> (vector<16xf32>)  : i32 {
        %broadcast_in_dim3A_282 = vector.broadcast %scan3A_280 : i32 to vector<16xi32>
        %gather3A = tpu.vector_load_idx %arg15[%add3A_259, %broadcast_in_dim3A_282] : memref<128x64xf32, #tpu.memory_space<vmem>>[vector<16xi32>, vector<16xi32>], vector<16xf32>,
        %gather3A_283 = tpu.vector_load_idx %arg18[%add3A_259, %broadcast_in_dim3A_282] : memref<128x64xf32, #tpu.memory_space<vmem>>[vector<16xi32>, vector<16xi32>], vector<16xf32>,
        %mul3A_284 = arith.mulf %div3A, %gather3A_283 : vector<16xf32>
        %sub3A_285 = arith.subf %gather3A, %mul3A_284 : vector<16xf32>
        %abs3A = math.absf %sub3A_285 : vector<16xf32>
        %add3A_286 = arith.addf %scan3A_281, %abs3A : vector<16xf32>
        scf.yield %add3A_286 : vector<16xf32>
      }
      %scan3A_271 = arith.constant 64 : i32
      %mul3A_272 = arith.mulf %scan3A_270, %scan3A_270 : vector<16xf32>
      %neg3A = arith.constant 0.000000e+00 : f32
      %neg3A_273 = vector.broadcast %neg3A : f32 to vector<16xf32>
      %neg3A_274 = arith.subf %neg3A_273, %mul3A_272 : vector<16xf32>
      %mul3A_275 = arith.constant 16 : i32
      %mul3A_276 = arith.muli %scan3A_254, %mul3A_275 : i32
      %swap3A_277 = arith.index_cast %mul3A_276 : i32 to index
      %swap3A_278 = tpu.vector_load %arg19[%swap3A_277] {strides = array<i32>} : memref<128xf32, #tpu.memory_space<vmem>>, vector<16xf32>,
      tpu.vector_store %arg19[%swap3A_277], %neg3A_274 {strides = array<i32>} : memref<128xf32, #tpu.memory_space<vmem>>, vector<16xf32>,
      %scan3A_279 = arith.constant 0 : i32
      scf.yield %scan3A_279 : i32
    }
    %scan3A_96 = arith.constant 8 : i32
    "tpu.region"() ({
      %run_scoped3A = tpu.sem_alloc : memref<!tpu.dma_semaphore, #tpu.memory_space<semaphore_mem>>
      %dma_start3A_254 = tpu.memref_slice %arg5[%add3A_65] : memref<16384xi32, #tpu.memory_space<hbm>> -> memref<128xi32, #tpu.memory_space<hbm>>
      %dma_start3A_255 = tpu.memref_slice %arg5[%add3A_65] : memref<16384xi32, #tpu.memory_space<hbm>> -> memref<128xi32, #tpu.memory_space<hbm>>
      tpu.enqueue_dma source(%dma_start3A_255 : memref<128xi32, #tpu.memory_space<hbm>>) target(%arg12 : memref<128xi32, #tpu.memory_space<vmem>>) target_semaphore(%run_scoped3A : memref<!tpu.dma_semaphore, #tpu.memory_space<semaphore_mem>>)
      %dma_wait3A_256 = tpu.memref_slice %arg5[%add3A_65] : memref<16384xi32, #tpu.memory_space<hbm>> -> memref<128xi32, #tpu.memory_space<hbm>>
      %dma_wait3A_257 = tpu.memref_slice %arg5[%add3A_65] : memref<16384xi32, #tpu.memory_space<hbm>> -> memref<128xi32, #tpu.memory_space<hbm>>
      tpu.wait_dma2 semaphore(%run_scoped3A : memref<!tpu.dma_semaphore, #tpu.memory_space<semaphore_mem>>) src(%dma_wait3A_257 : memref<128xi32, #tpu.memory_space<hbm>>) dst(%arg12 : memref<128xi32, #tpu.memory_space<vmem>>)
      tpu.yield
    }) : () -> ()
    "tpu.region"() ({
      %run_scoped3A = tpu.sem_alloc : memref<!tpu.dma_semaphore, #tpu.memory_space<semaphore_mem>>
      %dma_start3A_254 = tpu.memref_slice %arg6[%add3A_65] : memref<16384xi32, #tpu.memory_space<hbm>> -> memref<128xi32, #tpu.memory_space<hbm>>
      %dma_start3A_255 = tpu.memref_slice %arg6[%add3A_65] : memref<16384xi32, #tpu.memory_space<hbm>> -> memref<128xi32, #tpu.memory_space<hbm>>
      tpu.enqueue_dma source(%dma_start3A_255 : memref<128xi32, #tpu.memory_space<hbm>>) target(%arg13 : memref<128xi32, #tpu.memory_space<vmem>>) target_semaphore(%run_scoped3A : memref<!tpu.dma_semaphore, #tpu.memory_space<semaphore_mem>>)
      %dma_wait3A_256 = tpu.memref_slice %arg6[%add3A_65] : memref<16384xi32, #tpu.memory_space<hbm>> -> memref<128xi32, #tpu.memory_space<hbm>>
      %dma_wait3A_257 = tpu.memref_slice %arg6[%add3A_65] : memref<16384xi32, #tpu.memory_space<hbm>> -> memref<128xi32, #tpu.memory_space<hbm>>
      tpu.wait_dma2 semaphore(%run_scoped3A : memref<!tpu.dma_semaphore, #tpu.memory_space<semaphore_mem>>) src(%dma_wait3A_257 : memref<128xi32, #tpu.memory_space<hbm>>) dst(%arg13 : memref<128xi32, #tpu.memory_space<vmem>>)
      tpu.yield
    }) : () -> ()
    "tpu.region"() ({
      %run_scoped3A = tpu.sem_alloc : memref<!tpu.dma_semaphore, #tpu.memory_space<semaphore_mem>>
      %dma_start3A_254 = tpu.memref_slice %arg7[%add3A_65] : memref<16384xi32, #tpu.memory_space<hbm>> -> memref<128xi32, #tpu.memory_space<hbm>>
      %dma_start3A_255 = tpu.memref_slice %arg7[%add3A_65] : memref<16384xi32, #tpu.memory_space<hbm>> -> memref<128xi32, #tpu.memory_space<hbm>>
      tpu.enqueue_dma source(%dma_start3A_255 : memref<128xi32, #tpu.memory_space<hbm>>) target(%arg14 : memref<128xi32, #tpu.memory_space<vmem>>) target_semaphore(%run_scoped3A : memref<!tpu.dma_semaphore, #tpu.memory_space<semaphore_mem>>)
      %dma_wait3A_256 = tpu.memref_slice %arg7[%add3A_65] : memref<16384xi32, #tpu.memory_space<hbm>> -> memref<128xi32, #tpu.memory_space<hbm>>
      %dma_wait3A_257 = tpu.memref_slice %arg7[%add3A_65] : memref<16384xi32, #tpu.memory_space<hbm>> -> memref<128xi32, #tpu.memory_space<hbm>>
      tpu.wait_dma2 semaphore(%run_scoped3A : memref<!tpu.dma_semaphore, #tpu.memory_space<semaphore_mem>>) src(%dma_wait3A_257 : memref<128xi32, #tpu.memory_space<hbm>>) dst(%arg14 : memref<128xi32, #tpu.memory_space<vmem>>)
      tpu.yield
    }) : () -> ()
    %dma_start3A_97 = arith.constant 0 : i32
    %dma_start3A_98 = arith.constant 0 : i32
    %dma_start3A_99 = tpu.memref_slice %arg8[%dma_start3A_97, %dma_start3A_98] : memref<1000000x64xf32, #tpu.memory_space<hbm>> -> memref<1000000x64xf32, #tpu.memory_space<hbm>>
    tpu.enqueue_indirect_dma source(%dma_start3A_99 : memref<1000000x64xf32, #tpu.memory_space<hbm>>) target(%arg15 : memref<128x64xf32, #tpu.memory_space<vmem>>) offsets(%arg12 : memref<128xi32, #tpu.memory_space<vmem>>) semaphore(%arg21 : memref<!tpu.dma_semaphore, #tpu.memory_space<semaphore_mem>>)
    %dma_start3A_100 = arith.constant 0 : i32
    %dma_start3A_101 = arith.constant 0 : i32
    %dma_start3A_102 = tpu.memref_slice %arg8[%dma_start3A_100, %dma_start3A_101] : memref<1000000x64xf32, #tpu.memory_space<hbm>> -> memref<1000000x64xf32, #tpu.memory_space<hbm>>
    tpu.enqueue_indirect_dma source(%dma_start3A_102 : memref<1000000x64xf32, #tpu.memory_space<hbm>>) target(%arg16 : memref<128x64xf32, #tpu.memory_space<vmem>>) offsets(%arg13 : memref<128xi32, #tpu.memory_space<vmem>>) semaphore(%arg21 : memref<!tpu.dma_semaphore, #tpu.memory_space<semaphore_mem>>)
    %dma_start3A_103 = arith.constant 0 : i32
    %dma_start3A_104 = arith.constant 0 : i32
    %dma_start3A_105 = tpu.memref_slice %arg9[%dma_start3A_103, %dma_start3A_104] : memref<1000x64xf32, #tpu.memory_space<hbm>> -> memref<1000x64xf32, #tpu.memory_space<hbm>>
    tpu.enqueue_indirect_dma source(%dma_start3A_105 : memref<1000x64xf32, #tpu.memory_space<hbm>>) target(%arg17 : memref<128x64xf32, #tpu.memory_space<vmem>>) offsets(%arg14 : memref<128xi32, #tpu.memory_space<vmem>>) semaphore(%arg21 : memref<!tpu.dma_semaphore, #tpu.memory_space<semaphore_mem>>)
    %dma_start3A_106 = arith.constant 0 : i32
    %dma_start3A_107 = arith.constant 0 : i32
    %dma_start3A_108 = tpu.memref_slice %arg10[%dma_start3A_106, %dma_start3A_107] : memref<1000x64xf32, #tpu.memory_space<hbm>> -> memref<1000x64xf32, #tpu.memory_space<hbm>>
    tpu.enqueue_indirect_dma source(%dma_start3A_108 : memref<1000x64xf32, #tpu.memory_space<hbm>>) target(%arg18 : memref<128x64xf32, #tpu.memory_space<vmem>>) offsets(%arg14 : memref<128xi32, #tpu.memory_space<vmem>>) semaphore(%arg21 : memref<!tpu.dma_semaphore, #tpu.memory_space<semaphore_mem>>)
    %dma_wait3A_109 = arith.constant 0 : i32
    %dma_wait3A_110 = arith.constant 0 : i32
    %dma_wait3A_111 = tpu.memref_slice %arg8[%dma_wait3A_109, %dma_wait3A_110] : memref<1000000x64xf32, #tpu.memory_space<hbm>> -> memref<1000000x64xf32, #tpu.memory_space<hbm>>
    tpu.wait_indirect_dma semaphore(%arg21 : memref<!tpu.dma_semaphore, #tpu.memory_space<semaphore_mem>>) src(%dma_wait3A_111 : memref<1000000x64xf32, #tpu.memory_space<hbm>>) dst(%arg15 : memref<128x64xf32, #tpu.memory_space<vmem>>)
    %dma_wait3A_112 = arith.constant 0 : i32
    %dma_wait3A_113 = arith.constant 0 : i32
    %dma_wait3A_114 = tpu.memref_slice %arg8[%dma_wait3A_112, %dma_wait3A_113] : memref<1000000x64xf32, #tpu.memory_space<hbm>> -> memref<1000000x64xf32, #tpu.memory_space<hbm>>
    tpu.wait_indirect_dma semaphore(%arg21 : memref<!tpu.dma_semaphore, #tpu.memory_space<semaphore_mem>>) src(%dma_wait3A_114 : memref<1000000x64xf32, #tpu.memory_space<hbm>>) dst(%arg16 : memref<128x64xf32, #tpu.memory_space<vmem>>)
    %dma_wait3A_115 = arith.constant 0 : i32
    %dma_wait3A_116 = arith.constant 0 : i32
    %dma_wait3A_117 = tpu.memref_slice %arg9[%dma_wait3A_115, %dma_wait3A_116] : memref<1000x64xf32, #tpu.memory_space<hbm>> -> memref<1000x64xf32, #tpu.memory_space<hbm>>
    tpu.wait_indirect_dma semaphore(%arg21 : memref<!tpu.dma_semaphore, #tpu.memory_space<semaphore_mem>>) src(%dma_wait3A_117 : memref<1000x64xf32, #tpu.memory_space<hbm>>) dst(%arg17 : memref<128x64xf32, #tpu.memory_space<vmem>>)
    %dma_wait3A_118 = arith.constant 0 : i32
    %dma_wait3A_119 = arith.constant 0 : i32
    %dma_wait3A_120 = tpu.memref_slice %arg10[%dma_wait3A_118, %dma_wait3A_119] : memref<1000x64xf32, #tpu.memory_space<hbm>> -> memref<1000x64xf32, #tpu.memory_space<hbm>>
    tpu.wait_indirect_dma semaphore(%arg21 : memref<!tpu.dma_semaphore, #tpu.memory_space<semaphore_mem>>) src(%dma_wait3A_120 : memref<1000x64xf32, #tpu.memory_space<hbm>>) dst(%arg18 : memref<128x64xf32, #tpu.memory_space<vmem>>)
    %scan3A_121 = arith.constant 0 : i32
    %scan3A_122 = arith.constant 8 : i32
    %scan3A_123 = arith.addi %scan3A_121, %scan3A_122 : i32
    %scan3A_124 = arith.constant 1 : i32
    %scan3A_125 = scf.for %scan3A_254 = %scan3A_121 to %scan3A_123 step %scan3A_124 iter_args(%scan3A_255 = %scan3A_62) -> (vector<16xf32>)  : i32 {
      %mul3A_256 = arith.constant 16 : i32
      %mul3A_257 = arith.muli %scan3A_254, %mul3A_256 : i32
      %add3A_258 = vector.broadcast %mul3A_257 : i32 to vector<16xi32>
      %add3A_259 = arith.addi %add3A_258, %iota3A : vector<16xi32>
      %scan3A_260 = arith.constant 0 : i32
      %scan3A_261 = arith.constant 64 : i32
      %scan3A_262 = arith.addi %scan3A_260, %scan3A_261 : i32
      %scan3A_263 = arith.constant 1 : i32
      %scan3A_264:3 = scf.for %scan3A_285 = %scan3A_260 to %scan3A_262 step %scan3A_263 iter_args(%scan3A_286 = %broadcast_in_dim3A_3, %scan3A_287 = %broadcast_in_dim3A_3, %scan3A_288 = %broadcast_in_dim3A_3) -> (vector<16xf32>, vector<16xf32>, vector<16xf32>)  : i32 {
        %broadcast_in_dim3A_289 = vector.broadcast %scan3A_285 : i32 to vector<16xi32>
        %gather3A = tpu.vector_load_idx %arg15[%add3A_259, %broadcast_in_dim3A_289] : memref<128x64xf32, #tpu.memory_space<vmem>>[vector<16xi32>, vector<16xi32>], vector<16xf32>,
        %gather3A_290 = tpu.vector_load_idx %arg16[%add3A_259, %broadcast_in_dim3A_289] : memref<128x64xf32, #tpu.memory_space<vmem>>[vector<16xi32>, vector<16xi32>], vector<16xf32>,
        %gather3A_291 = tpu.vector_load_idx %arg17[%add3A_259, %broadcast_in_dim3A_289] : memref<128x64xf32, #tpu.memory_space<vmem>>[vector<16xi32>, vector<16xi32>], vector<16xf32>,
        %gather3A_292 = tpu.vector_load_idx %arg18[%add3A_259, %broadcast_in_dim3A_289] : memref<128x64xf32, #tpu.memory_space<vmem>>[vector<16xi32>, vector<16xi32>], vector<16xf32>,
        %sub3A_293 = arith.subf %gather3A, %gather3A_290 : vector<16xf32>
        %add3A_294 = arith.addf %sub3A_293, %gather3A_291 : vector<16xf32>
        tpu.vector_store_idx %arg15[%add3A_259, %broadcast_in_dim3A_289], %add3A_294 : memref<128x64xf32, #tpu.memory_space<vmem>>[vector<16xi32>, vector<16xi32>], vector<16xf32>,
        %mul3A_295 = arith.mulf %gather3A_292, %gather3A : vector<16xf32>
        %add3A_296 = arith.addf %scan3A_286, %mul3A_295 : vector<16xf32>
        %mul3A_297 = arith.mulf %gather3A_292, %gather3A_290 : vector<16xf32>
        %add3A_298 = arith.addf %scan3A_287, %mul3A_297 : vector<16xf32>
        %mul3A_299 = arith.mulf %gather3A_292, %gather3A_292 : vector<16xf32>
        %add3A_300 = arith.addf %scan3A_288, %mul3A_299 : vector<16xf32>
        scf.yield %add3A_296, %add3A_298, %add3A_300 : vector<16xf32>, vector<16xf32>, vector<16xf32>
      }
      %scan3A_265 = arith.constant 64 : i32
      %sub3A = arith.subf %scan3A_264#0, %scan3A_264#1 : vector<16xf32>
      %div3A = arith.divf %sub3A, %scan3A_264#2 : vector<16xf32>
      %scan3A_266 = arith.constant 0 : i32
      %scan3A_267 = arith.constant 64 : i32
      %scan3A_268 = arith.addi %scan3A_266, %scan3A_267 : i32
      %scan3A_269 = arith.constant 1 : i32
      %scan3A_270 = scf.for %scan3A_285 = %scan3A_266 to %scan3A_268 step %scan3A_269 iter_args(%scan3A_286 = %broadcast_in_dim3A_3) -> (vector<16xf32>)  : i32 {
        %broadcast_in_dim3A_287 = vector.broadcast %scan3A_285 : i32 to vector<16xi32>
        %gather3A = tpu.vector_load_idx %arg15[%add3A_259, %broadcast_in_dim3A_287] : memref<128x64xf32, #tpu.memory_space<vmem>>[vector<16xi32>, vector<16xi32>], vector<16xf32>,
        %gather3A_288 = tpu.vector_load_idx %arg18[%add3A_259, %broadcast_in_dim3A_287] : memref<128x64xf32, #tpu.memory_space<vmem>>[vector<16xi32>, vector<16xi32>], vector<16xf32>,
        %mul3A_289 = arith.mulf %div3A, %gather3A_288 : vector<16xf32>
        %sub3A_290 = arith.subf %gather3A, %mul3A_289 : vector<16xf32>
        %abs3A = math.absf %sub3A_290 : vector<16xf32>
        %add3A_291 = arith.addf %scan3A_286, %abs3A : vector<16xf32>
        scf.yield %add3A_291 : vector<16xf32>
      }
      %scan3A_271 = arith.constant 64 : i32
      %mul3A_272 = arith.mulf %scan3A_270, %scan3A_270 : vector<16xf32>
      %neg3A = arith.constant 0.000000e+00 : f32
      %neg3A_273 = vector.broadcast %neg3A : f32 to vector<16xf32>
      %neg3A_274 = arith.subf %neg3A_273, %mul3A_272 : vector<16xf32>
      %mul3A_275 = arith.constant 16 : i32
      %mul3A_276 = arith.muli %scan3A_254, %mul3A_275 : i32
      %get3A = arith.index_cast %mul3A_276 : i32 to index
      %get3A_277 = tpu.vector_load %arg19[%get3A] {strides = array<i32>} : memref<128xf32, #tpu.memory_space<vmem>>, vector<16xf32>,
      %sub3A_278 = arith.subf %get3A_277, %neg3A_274 : vector<16xf32>
      %add3A_279 = arith.constant 1.000000e+00 : f32
      %add3A_280 = vector.broadcast %add3A_279 : f32 to vector<16xf32>
      %add3A_281 = arith.addf %sub3A_278, %add3A_280 : vector<16xf32>
      %max3A = arith.constant 0.000000e+00 : f32
      %max3A_282 = vector.broadcast %max3A : f32 to vector<16xf32>
      %max3A_283 = arith.maximumf %add3A_281, %max3A_282 : vector<16xf32>
      %add3A_284 = arith.addf %scan3A_255, %max3A_283 : vector<16xf32>
      scf.yield %add3A_284 : vector<16xf32>
    }
    %scan3A_126 = arith.constant 8 : i32
    %add3A_127 = arith.constant 256 : i32
    %add3A_128 = arith.addi %mul3A_2, %add3A_127 : i32
    "tpu.region"() ({
      %run_scoped3A = tpu.sem_alloc : memref<!tpu.dma_semaphore, #tpu.memory_space<semaphore_mem>>
      %dma_start3A_254 = tpu.memref_slice %arg2[%add3A_128] : memref<16384xi32, #tpu.memory_space<hbm>> -> memref<128xi32, #tpu.memory_space<hbm>>
      %dma_start3A_255 = tpu.memref_slice %arg2[%add3A_128] : memref<16384xi32, #tpu.memory_space<hbm>> -> memref<128xi32, #tpu.memory_space<hbm>>
      tpu.enqueue_dma source(%dma_start3A_255 : memref<128xi32, #tpu.memory_space<hbm>>) target(%arg12 : memref<128xi32, #tpu.memory_space<vmem>>) target_semaphore(%run_scoped3A : memref<!tpu.dma_semaphore, #tpu.memory_space<semaphore_mem>>)
      %dma_wait3A_256 = tpu.memref_slice %arg2[%add3A_128] : memref<16384xi32, #tpu.memory_space<hbm>> -> memref<128xi32, #tpu.memory_space<hbm>>
      %dma_wait3A_257 = tpu.memref_slice %arg2[%add3A_128] : memref<16384xi32, #tpu.memory_space<hbm>> -> memref<128xi32, #tpu.memory_space<hbm>>
      tpu.wait_dma2 semaphore(%run_scoped3A : memref<!tpu.dma_semaphore, #tpu.memory_space<semaphore_mem>>) src(%dma_wait3A_257 : memref<128xi32, #tpu.memory_space<hbm>>) dst(%arg12 : memref<128xi32, #tpu.memory_space<vmem>>)
      tpu.yield
    }) : () -> ()
    "tpu.region"() ({
      %run_scoped3A = tpu.sem_alloc : memref<!tpu.dma_semaphore, #tpu.memory_space<semaphore_mem>>
      %dma_start3A_254 = tpu.memref_slice %arg3[%add3A_128] : memref<16384xi32, #tpu.memory_space<hbm>> -> memref<128xi32, #tpu.memory_space<hbm>>
      %dma_start3A_255 = tpu.memref_slice %arg3[%add3A_128] : memref<16384xi32, #tpu.memory_space<hbm>> -> memref<128xi32, #tpu.memory_space<hbm>>
      tpu.enqueue_dma source(%dma_start3A_255 : memref<128xi32, #tpu.memory_space<hbm>>) target(%arg13 : memref<128xi32, #tpu.memory_space<vmem>>) target_semaphore(%run_scoped3A : memref<!tpu.dma_semaphore, #tpu.memory_space<semaphore_mem>>)
      %dma_wait3A_256 = tpu.memref_slice %arg3[%add3A_128] : memref<16384xi32, #tpu.memory_space<hbm>> -> memref<128xi32, #tpu.memory_space<hbm>>
      %dma_wait3A_257 = tpu.memref_slice %arg3[%add3A_128] : memref<16384xi32, #tpu.memory_space<hbm>> -> memref<128xi32, #tpu.memory_space<hbm>>
      tpu.wait_dma2 semaphore(%run_scoped3A : memref<!tpu.dma_semaphore, #tpu.memory_space<semaphore_mem>>) src(%dma_wait3A_257 : memref<128xi32, #tpu.memory_space<hbm>>) dst(%arg13 : memref<128xi32, #tpu.memory_space<vmem>>)
      tpu.yield
    }) : () -> ()
    "tpu.region"() ({
      %run_scoped3A = tpu.sem_alloc : memref<!tpu.dma_semaphore, #tpu.memory_space<semaphore_mem>>
      %dma_start3A_254 = tpu.memref_slice %arg4[%add3A_128] : memref<16384xi32, #tpu.memory_space<hbm>> -> memref<128xi32, #tpu.memory_space<hbm>>
      %dma_start3A_255 = tpu.memref_slice %arg4[%add3A_128] : memref<16384xi32, #tpu.memory_space<hbm>> -> memref<128xi32, #tpu.memory_space<hbm>>
      tpu.enqueue_dma source(%dma_start3A_255 : memref<128xi32, #tpu.memory_space<hbm>>) target(%arg14 : memref<128xi32, #tpu.memory_space<vmem>>) target_semaphore(%run_scoped3A : memref<!tpu.dma_semaphore, #tpu.memory_space<semaphore_mem>>)
      %dma_wait3A_256 = tpu.memref_slice %arg4[%add3A_128] : memref<16384xi32, #tpu.memory_space<hbm>> -> memref<128xi32, #tpu.memory_space<hbm>>
      %dma_wait3A_257 = tpu.memref_slice %arg4[%add3A_128] : memref<16384xi32, #tpu.memory_space<hbm>> -> memref<128xi32, #tpu.memory_space<hbm>>
      tpu.wait_dma2 semaphore(%run_scoped3A : memref<!tpu.dma_semaphore, #tpu.memory_space<semaphore_mem>>) src(%dma_wait3A_257 : memref<128xi32, #tpu.memory_space<hbm>>) dst(%arg14 : memref<128xi32, #tpu.memory_space<vmem>>)
      tpu.yield
    }) : () -> ()
    %dma_start3A_129 = arith.constant 0 : i32
    %dma_start3A_130 = arith.constant 0 : i32
    %dma_start3A_131 = tpu.memref_slice %arg8[%dma_start3A_129, %dma_start3A_130] : memref<1000000x64xf32, #tpu.memory_space<hbm>> -> memref<1000000x64xf32, #tpu.memory_space<hbm>>
    tpu.enqueue_indirect_dma source(%dma_start3A_131 : memref<1000000x64xf32, #tpu.memory_space<hbm>>) target(%arg15 : memref<128x64xf32, #tpu.memory_space<vmem>>) offsets(%arg12 : memref<128xi32, #tpu.memory_space<vmem>>) semaphore(%arg21 : memref<!tpu.dma_semaphore, #tpu.memory_space<semaphore_mem>>)
    %dma_start3A_132 = arith.constant 0 : i32
    %dma_start3A_133 = arith.constant 0 : i32
    %dma_start3A_134 = tpu.memref_slice %arg8[%dma_start3A_132, %dma_start3A_133] : memref<1000000x64xf32, #tpu.memory_space<hbm>> -> memref<1000000x64xf32, #tpu.memory_space<hbm>>
    tpu.enqueue_indirect_dma source(%dma_start3A_134 : memref<1000000x64xf32, #tpu.memory_space<hbm>>) target(%arg16 : memref<128x64xf32, #tpu.memory_space<vmem>>) offsets(%arg13 : memref<128xi32, #tpu.memory_space<vmem>>) semaphore(%arg21 : memref<!tpu.dma_semaphore, #tpu.memory_space<semaphore_mem>>)
    %dma_start3A_135 = arith.constant 0 : i32
    %dma_start3A_136 = arith.constant 0 : i32
    %dma_start3A_137 = tpu.memref_slice %arg9[%dma_start3A_135, %dma_start3A_136] : memref<1000x64xf32, #tpu.memory_space<hbm>> -> memref<1000x64xf32, #tpu.memory_space<hbm>>
    tpu.enqueue_indirect_dma source(%dma_start3A_137 : memref<1000x64xf32, #tpu.memory_space<hbm>>) target(%arg17 : memref<128x64xf32, #tpu.memory_space<vmem>>) offsets(%arg14 : memref<128xi32, #tpu.memory_space<vmem>>) semaphore(%arg21 : memref<!tpu.dma_semaphore, #tpu.memory_space<semaphore_mem>>)
    %dma_start3A_138 = arith.constant 0 : i32
    %dma_start3A_139 = arith.constant 0 : i32
    %dma_start3A_140 = tpu.memref_slice %arg10[%dma_start3A_138, %dma_start3A_139] : memref<1000x64xf32, #tpu.memory_space<hbm>> -> memref<1000x64xf32, #tpu.memory_space<hbm>>
    tpu.enqueue_indirect_dma source(%dma_start3A_140 : memref<1000x64xf32, #tpu.memory_space<hbm>>) target(%arg18 : memref<128x64xf32, #tpu.memory_space<vmem>>) offsets(%arg14 : memref<128xi32, #tpu.memory_space<vmem>>) semaphore(%arg21 : memref<!tpu.dma_semaphore, #tpu.memory_space<semaphore_mem>>)
    %dma_wait3A_141 = arith.constant 0 : i32
    %dma_wait3A_142 = arith.constant 0 : i32
    %dma_wait3A_143 = tpu.memref_slice %arg8[%dma_wait3A_141, %dma_wait3A_142] : memref<1000000x64xf32, #tpu.memory_space<hbm>> -> memref<1000000x64xf32, #tpu.memory_space<hbm>>
    tpu.wait_indirect_dma semaphore(%arg21 : memref<!tpu.dma_semaphore, #tpu.memory_space<semaphore_mem>>) src(%dma_wait3A_143 : memref<1000000x64xf32, #tpu.memory_space<hbm>>) dst(%arg15 : memref<128x64xf32, #tpu.memory_space<vmem>>)
    %dma_wait3A_144 = arith.constant 0 : i32
    %dma_wait3A_145 = arith.constant 0 : i32
    %dma_wait3A_146 = tpu.memref_slice %arg8[%dma_wait3A_144, %dma_wait3A_145] : memref<1000000x64xf32, #tpu.memory_space<hbm>> -> memref<1000000x64xf32, #tpu.memory_space<hbm>>
    tpu.wait_indirect_dma semaphore(%arg21 : memref<!tpu.dma_semaphore, #tpu.memory_space<semaphore_mem>>) src(%dma_wait3A_146 : memref<1000000x64xf32, #tpu.memory_space<hbm>>) dst(%arg16 : memref<128x64xf32, #tpu.memory_space<vmem>>)
    %dma_wait3A_147 = arith.constant 0 : i32
    %dma_wait3A_148 = arith.constant 0 : i32
    %dma_wait3A_149 = tpu.memref_slice %arg9[%dma_wait3A_147, %dma_wait3A_148] : memref<1000x64xf32, #tpu.memory_space<hbm>> -> memref<1000x64xf32, #tpu.memory_space<hbm>>
    tpu.wait_indirect_dma semaphore(%arg21 : memref<!tpu.dma_semaphore, #tpu.memory_space<semaphore_mem>>) src(%dma_wait3A_149 : memref<1000x64xf32, #tpu.memory_space<hbm>>) dst(%arg17 : memref<128x64xf32, #tpu.memory_space<vmem>>)
    %dma_wait3A_150 = arith.constant 0 : i32
    %dma_wait3A_151 = arith.constant 0 : i32
    %dma_wait3A_152 = tpu.memref_slice %arg10[%dma_wait3A_150, %dma_wait3A_151] : memref<1000x64xf32, #tpu.memory_space<hbm>> -> memref<1000x64xf32, #tpu.memory_space<hbm>>
    tpu.wait_indirect_dma semaphore(%arg21 : memref<!tpu.dma_semaphore, #tpu.memory_space<semaphore_mem>>) src(%dma_wait3A_152 : memref<1000x64xf32, #tpu.memory_space<hbm>>) dst(%arg18 : memref<128x64xf32, #tpu.memory_space<vmem>>)
    %scan3A_153 = arith.constant 0 : i32
    %scan3A_154 = arith.constant 0 : i32
    %scan3A_155 = arith.constant 8 : i32
    %scan3A_156 = arith.addi %scan3A_154, %scan3A_155 : i32
    %scan3A_157 = arith.constant 1 : i32
    %scan3A_158 = scf.for %scan3A_254 = %scan3A_154 to %scan3A_156 step %scan3A_157 iter_args(%scan3A_255 = %scan3A_153) -> (i32)  : i32 {
      %mul3A_256 = arith.constant 16 : i32
      %mul3A_257 = arith.muli %scan3A_254, %mul3A_256 : i32
      %add3A_258 = vector.broadcast %mul3A_257 : i32 to vector<16xi32>
      %add3A_259 = arith.addi %add3A_258, %iota3A : vector<16xi32>
      %scan3A_260 = arith.constant 0 : i32
      %scan3A_261 = arith.constant 64 : i32
      %scan3A_262 = arith.addi %scan3A_260, %scan3A_261 : i32
      %scan3A_263 = arith.constant 1 : i32
      %scan3A_264:3 = scf.for %scan3A_280 = %scan3A_260 to %scan3A_262 step %scan3A_263 iter_args(%scan3A_281 = %broadcast_in_dim3A_3, %scan3A_282 = %broadcast_in_dim3A_3, %scan3A_283 = %broadcast_in_dim3A_3) -> (vector<16xf32>, vector<16xf32>, vector<16xf32>)  : i32 {
        %broadcast_in_dim3A_284 = vector.broadcast %scan3A_280 : i32 to vector<16xi32>
        %gather3A = tpu.vector_load_idx %arg15[%add3A_259, %broadcast_in_dim3A_284] : memref<128x64xf32, #tpu.memory_space<vmem>>[vector<16xi32>, vector<16xi32>], vector<16xf32>,
        %gather3A_285 = tpu.vector_load_idx %arg16[%add3A_259, %broadcast_in_dim3A_284] : memref<128x64xf32, #tpu.memory_space<vmem>>[vector<16xi32>, vector<16xi32>], vector<16xf32>,
        %gather3A_286 = tpu.vector_load_idx %arg17[%add3A_259, %broadcast_in_dim3A_284] : memref<128x64xf32, #tpu.memory_space<vmem>>[vector<16xi32>, vector<16xi32>], vector<16xf32>,
        %gather3A_287 = tpu.vector_load_idx %arg18[%add3A_259, %broadcast_in_dim3A_284] : memref<128x64xf32, #tpu.memory_space<vmem>>[vector<16xi32>, vector<16xi32>], vector<16xf32>,
        %sub3A_288 = arith.subf %gather3A, %gather3A_285 : vector<16xf32>
        %add3A_289 = arith.addf %sub3A_288, %gather3A_286 : vector<16xf32>
        tpu.vector_store_idx %arg15[%add3A_259, %broadcast_in_dim3A_284], %add3A_289 : memref<128x64xf32, #tpu.memory_space<vmem>>[vector<16xi32>, vector<16xi32>], vector<16xf32>,
        %mul3A_290 = arith.mulf %gather3A_287, %gather3A : vector<16xf32>
        %add3A_291 = arith.addf %scan3A_281, %mul3A_290 : vector<16xf32>
        %mul3A_292 = arith.mulf %gather3A_287, %gather3A_285 : vector<16xf32>
        %add3A_293 = arith.addf %scan3A_282, %mul3A_292 : vector<16xf32>
        %mul3A_294 = arith.mulf %gather3A_287, %gather3A_287 : vector<16xf32>
        %add3A_295 = arith.addf %scan3A_283, %mul3A_294 : vector<16xf32>
        scf.yield %add3A_291, %add3A_293, %add3A_295 : vector<16xf32>, vector<16xf32>, vector<16xf32>
      }
      %scan3A_265 = arith.constant 64 : i32
      %sub3A = arith.subf %scan3A_264#0, %scan3A_264#1 : vector<16xf32>
      %div3A = arith.divf %sub3A, %scan3A_264#2 : vector<16xf32>
      %scan3A_266 = arith.constant 0 : i32
      %scan3A_267 = arith.constant 64 : i32
      %scan3A_268 = arith.addi %scan3A_266, %scan3A_267 : i32
      %scan3A_269 = arith.constant 1 : i32
      %scan3A_270 = scf.for %scan3A_280 = %scan3A_266 to %scan3A_268 step %scan3A_269 iter_args(%scan3A_281 = %broadcast_in_dim3A_3) -> (vector<16xf32>)  : i32 {
        %broadcast_in_dim3A_282 = vector.broadcast %scan3A_280 : i32 to vector<16xi32>
        %gather3A = tpu.vector_load_idx %arg15[%add3A_259, %broadcast_in_dim3A_282] : memref<128x64xf32, #tpu.memory_space<vmem>>[vector<16xi32>, vector<16xi32>], vector<16xf32>,
        %gather3A_283 = tpu.vector_load_idx %arg18[%add3A_259, %broadcast_in_dim3A_282] : memref<128x64xf32, #tpu.memory_space<vmem>>[vector<16xi32>, vector<16xi32>], vector<16xf32>,
        %mul3A_284 = arith.mulf %div3A, %gather3A_283 : vector<16xf32>
        %sub3A_285 = arith.subf %gather3A, %mul3A_284 : vector<16xf32>
        %abs3A = math.absf %sub3A_285 : vector<16xf32>
        %add3A_286 = arith.addf %scan3A_281, %abs3A : vector<16xf32>
        scf.yield %add3A_286 : vector<16xf32>
      }
      %scan3A_271 = arith.constant 64 : i32
      %mul3A_272 = arith.mulf %scan3A_270, %scan3A_270 : vector<16xf32>
      %neg3A = arith.constant 0.000000e+00 : f32
      %neg3A_273 = vector.broadcast %neg3A : f32 to vector<16xf32>
      %neg3A_274 = arith.subf %neg3A_273, %mul3A_272 : vector<16xf32>
      %mul3A_275 = arith.constant 16 : i32
      %mul3A_276 = arith.muli %scan3A_254, %mul3A_275 : i32
      %swap3A_277 = arith.index_cast %mul3A_276 : i32 to index
      %swap3A_278 = tpu.vector_load %arg19[%swap3A_277] {strides = array<i32>} : memref<128xf32, #tpu.memory_space<vmem>>, vector<16xf32>,
      tpu.vector_store %arg19[%swap3A_277], %neg3A_274 {strides = array<i32>} : memref<128xf32, #tpu.memory_space<vmem>>, vector<16xf32>,
      %scan3A_279 = arith.constant 0 : i32
      scf.yield %scan3A_279 : i32
    }
    %scan3A_159 = arith.constant 8 : i32
    "tpu.region"() ({
      %run_scoped3A = tpu.sem_alloc : memref<!tpu.dma_semaphore, #tpu.memory_space<semaphore_mem>>
      %dma_start3A_254 = tpu.memref_slice %arg5[%add3A_128] : memref<16384xi32, #tpu.memory_space<hbm>> -> memref<128xi32, #tpu.memory_space<hbm>>
      %dma_start3A_255 = tpu.memref_slice %arg5[%add3A_128] : memref<16384xi32, #tpu.memory_space<hbm>> -> memref<128xi32, #tpu.memory_space<hbm>>
      tpu.enqueue_dma source(%dma_start3A_255 : memref<128xi32, #tpu.memory_space<hbm>>) target(%arg12 : memref<128xi32, #tpu.memory_space<vmem>>) target_semaphore(%run_scoped3A : memref<!tpu.dma_semaphore, #tpu.memory_space<semaphore_mem>>)
      %dma_wait3A_256 = tpu.memref_slice %arg5[%add3A_128] : memref<16384xi32, #tpu.memory_space<hbm>> -> memref<128xi32, #tpu.memory_space<hbm>>
      %dma_wait3A_257 = tpu.memref_slice %arg5[%add3A_128] : memref<16384xi32, #tpu.memory_space<hbm>> -> memref<128xi32, #tpu.memory_space<hbm>>
      tpu.wait_dma2 semaphore(%run_scoped3A : memref<!tpu.dma_semaphore, #tpu.memory_space<semaphore_mem>>) src(%dma_wait3A_257 : memref<128xi32, #tpu.memory_space<hbm>>) dst(%arg12 : memref<128xi32, #tpu.memory_space<vmem>>)
      tpu.yield
    }) : () -> ()
    "tpu.region"() ({
      %run_scoped3A = tpu.sem_alloc : memref<!tpu.dma_semaphore, #tpu.memory_space<semaphore_mem>>
      %dma_start3A_254 = tpu.memref_slice %arg6[%add3A_128] : memref<16384xi32, #tpu.memory_space<hbm>> -> memref<128xi32, #tpu.memory_space<hbm>>
      %dma_start3A_255 = tpu.memref_slice %arg6[%add3A_128] : memref<16384xi32, #tpu.memory_space<hbm>> -> memref<128xi32, #tpu.memory_space<hbm>>
      tpu.enqueue_dma source(%dma_start3A_255 : memref<128xi32, #tpu.memory_space<hbm>>) target(%arg13 : memref<128xi32, #tpu.memory_space<vmem>>) target_semaphore(%run_scoped3A : memref<!tpu.dma_semaphore, #tpu.memory_space<semaphore_mem>>)
      %dma_wait3A_256 = tpu.memref_slice %arg6[%add3A_128] : memref<16384xi32, #tpu.memory_space<hbm>> -> memref<128xi32, #tpu.memory_space<hbm>>
      %dma_wait3A_257 = tpu.memref_slice %arg6[%add3A_128] : memref<16384xi32, #tpu.memory_space<hbm>> -> memref<128xi32, #tpu.memory_space<hbm>>
      tpu.wait_dma2 semaphore(%run_scoped3A : memref<!tpu.dma_semaphore, #tpu.memory_space<semaphore_mem>>) src(%dma_wait3A_257 : memref<128xi32, #tpu.memory_space<hbm>>) dst(%arg13 : memref<128xi32, #tpu.memory_space<vmem>>)
      tpu.yield
    }) : () -> ()
    "tpu.region"() ({
      %run_scoped3A = tpu.sem_alloc : memref<!tpu.dma_semaphore, #tpu.memory_space<semaphore_mem>>
      %dma_start3A_254 = tpu.memref_slice %arg7[%add3A_128] : memref<16384xi32, #tpu.memory_space<hbm>> -> memref<128xi32, #tpu.memory_space<hbm>>
      %dma_start3A_255 = tpu.memref_slice %arg7[%add3A_128] : memref<16384xi32, #tpu.memory_space<hbm>> -> memref<128xi32, #tpu.memory_space<hbm>>
      tpu.enqueue_dma source(%dma_start3A_255 : memref<128xi32, #tpu.memory_space<hbm>>) target(%arg14 : memref<128xi32, #tpu.memory_space<vmem>>) target_semaphore(%run_scoped3A : memref<!tpu.dma_semaphore, #tpu.memory_space<semaphore_mem>>)
      %dma_wait3A_256 = tpu.memref_slice %arg7[%add3A_128] : memref<16384xi32, #tpu.memory_space<hbm>> -> memref<128xi32, #tpu.memory_space<hbm>>
      %dma_wait3A_257 = tpu.memref_slice %arg7[%add3A_128] : memref<16384xi32, #tpu.memory_space<hbm>> -> memref<128xi32, #tpu.memory_space<hbm>>
      tpu.wait_dma2 semaphore(%run_scoped3A : memref<!tpu.dma_semaphore, #tpu.memory_space<semaphore_mem>>) src(%dma_wait3A_257 : memref<128xi32, #tpu.memory_space<hbm>>) dst(%arg14 : memref<128xi32, #tpu.memory_space<vmem>>)
      tpu.yield
    }) : () -> ()
    %dma_start3A_160 = arith.constant 0 : i32
    %dma_start3A_161 = arith.constant 0 : i32
    %dma_start3A_162 = tpu.memref_slice %arg8[%dma_start3A_160, %dma_start3A_161] : memref<1000000x64xf32, #tpu.memory_space<hbm>> -> memref<1000000x64xf32, #tpu.memory_space<hbm>>
    tpu.enqueue_indirect_dma source(%dma_start3A_162 : memref<1000000x64xf32, #tpu.memory_space<hbm>>) target(%arg15 : memref<128x64xf32, #tpu.memory_space<vmem>>) offsets(%arg12 : memref<128xi32, #tpu.memory_space<vmem>>) semaphore(%arg21 : memref<!tpu.dma_semaphore, #tpu.memory_space<semaphore_mem>>)
    %dma_start3A_163 = arith.constant 0 : i32
    %dma_start3A_164 = arith.constant 0 : i32
    %dma_start3A_165 = tpu.memref_slice %arg8[%dma_start3A_163, %dma_start3A_164] : memref<1000000x64xf32, #tpu.memory_space<hbm>> -> memref<1000000x64xf32, #tpu.memory_space<hbm>>
    tpu.enqueue_indirect_dma source(%dma_start3A_165 : memref<1000000x64xf32, #tpu.memory_space<hbm>>) target(%arg16 : memref<128x64xf32, #tpu.memory_space<vmem>>) offsets(%arg13 : memref<128xi32, #tpu.memory_space<vmem>>) semaphore(%arg21 : memref<!tpu.dma_semaphore, #tpu.memory_space<semaphore_mem>>)
    %dma_start3A_166 = arith.constant 0 : i32
    %dma_start3A_167 = arith.constant 0 : i32
    %dma_start3A_168 = tpu.memref_slice %arg9[%dma_start3A_166, %dma_start3A_167] : memref<1000x64xf32, #tpu.memory_space<hbm>> -> memref<1000x64xf32, #tpu.memory_space<hbm>>
    tpu.enqueue_indirect_dma source(%dma_start3A_168 : memref<1000x64xf32, #tpu.memory_space<hbm>>) target(%arg17 : memref<128x64xf32, #tpu.memory_space<vmem>>) offsets(%arg14 : memref<128xi32, #tpu.memory_space<vmem>>) semaphore(%arg21 : memref<!tpu.dma_semaphore, #tpu.memory_space<semaphore_mem>>)
    %dma_start3A_169 = arith.constant 0 : i32
    %dma_start3A_170 = arith.constant 0 : i32
    %dma_start3A_171 = tpu.memref_slice %arg10[%dma_start3A_169, %dma_start3A_170] : memref<1000x64xf32, #tpu.memory_space<hbm>> -> memref<1000x64xf32, #tpu.memory_space<hbm>>
    tpu.enqueue_indirect_dma source(%dma_start3A_171 : memref<1000x64xf32, #tpu.memory_space<hbm>>) target(%arg18 : memref<128x64xf32, #tpu.memory_space<vmem>>) offsets(%arg14 : memref<128xi32, #tpu.memory_space<vmem>>) semaphore(%arg21 : memref<!tpu.dma_semaphore, #tpu.memory_space<semaphore_mem>>)
    %dma_wait3A_172 = arith.constant 0 : i32
    %dma_wait3A_173 = arith.constant 0 : i32
    %dma_wait3A_174 = tpu.memref_slice %arg8[%dma_wait3A_172, %dma_wait3A_173] : memref<1000000x64xf32, #tpu.memory_space<hbm>> -> memref<1000000x64xf32, #tpu.memory_space<hbm>>
    tpu.wait_indirect_dma semaphore(%arg21 : memref<!tpu.dma_semaphore, #tpu.memory_space<semaphore_mem>>) src(%dma_wait3A_174 : memref<1000000x64xf32, #tpu.memory_space<hbm>>) dst(%arg15 : memref<128x64xf32, #tpu.memory_space<vmem>>)
    %dma_wait3A_175 = arith.constant 0 : i32
    %dma_wait3A_176 = arith.constant 0 : i32
    %dma_wait3A_177 = tpu.memref_slice %arg8[%dma_wait3A_175, %dma_wait3A_176] : memref<1000000x64xf32, #tpu.memory_space<hbm>> -> memref<1000000x64xf32, #tpu.memory_space<hbm>>
    tpu.wait_indirect_dma semaphore(%arg21 : memref<!tpu.dma_semaphore, #tpu.memory_space<semaphore_mem>>) src(%dma_wait3A_177 : memref<1000000x64xf32, #tpu.memory_space<hbm>>) dst(%arg16 : memref<128x64xf32, #tpu.memory_space<vmem>>)
    %dma_wait3A_178 = arith.constant 0 : i32
    %dma_wait3A_179 = arith.constant 0 : i32
    %dma_wait3A_180 = tpu.memref_slice %arg9[%dma_wait3A_178, %dma_wait3A_179] : memref<1000x64xf32, #tpu.memory_space<hbm>> -> memref<1000x64xf32, #tpu.memory_space<hbm>>
    tpu.wait_indirect_dma semaphore(%arg21 : memref<!tpu.dma_semaphore, #tpu.memory_space<semaphore_mem>>) src(%dma_wait3A_180 : memref<1000x64xf32, #tpu.memory_space<hbm>>) dst(%arg17 : memref<128x64xf32, #tpu.memory_space<vmem>>)
    %dma_wait3A_181 = arith.constant 0 : i32
    %dma_wait3A_182 = arith.constant 0 : i32
    %dma_wait3A_183 = tpu.memref_slice %arg10[%dma_wait3A_181, %dma_wait3A_182] : memref<1000x64xf32, #tpu.memory_space<hbm>> -> memref<1000x64xf32, #tpu.memory_space<hbm>>
    tpu.wait_indirect_dma semaphore(%arg21 : memref<!tpu.dma_semaphore, #tpu.memory_space<semaphore_mem>>) src(%dma_wait3A_183 : memref<1000x64xf32, #tpu.memory_space<hbm>>) dst(%arg18 : memref<128x64xf32, #tpu.memory_space<vmem>>)
    %scan3A_184 = arith.constant 0 : i32
    %scan3A_185 = arith.constant 8 : i32
    %scan3A_186 = arith.addi %scan3A_184, %scan3A_185 : i32
    %scan3A_187 = arith.constant 1 : i32
    %scan3A_188 = scf.for %scan3A_254 = %scan3A_184 to %scan3A_186 step %scan3A_187 iter_args(%scan3A_255 = %scan3A_125) -> (vector<16xf32>)  : i32 {
      %mul3A_256 = arith.constant 16 : i32
      %mul3A_257 = arith.muli %scan3A_254, %mul3A_256 : i32
      %add3A_258 = vector.broadcast %mul3A_257 : i32 to vector<16xi32>
      %add3A_259 = arith.addi %add3A_258, %iota3A : vector<16xi32>
      %scan3A_260 = arith.constant 0 : i32
      %scan3A_261 = arith.constant 64 : i32
      %scan3A_262 = arith.addi %scan3A_260, %scan3A_261 : i32
      %scan3A_263 = arith.constant 1 : i32
      %scan3A_264:3 = scf.for %scan3A_285 = %scan3A_260 to %scan3A_262 step %scan3A_263 iter_args(%scan3A_286 = %broadcast_in_dim3A_3, %scan3A_287 = %broadcast_in_dim3A_3, %scan3A_288 = %broadcast_in_dim3A_3) -> (vector<16xf32>, vector<16xf32>, vector<16xf32>)  : i32 {
        %broadcast_in_dim3A_289 = vector.broadcast %scan3A_285 : i32 to vector<16xi32>
        %gather3A = tpu.vector_load_idx %arg15[%add3A_259, %broadcast_in_dim3A_289] : memref<128x64xf32, #tpu.memory_space<vmem>>[vector<16xi32>, vector<16xi32>], vector<16xf32>,
        %gather3A_290 = tpu.vector_load_idx %arg16[%add3A_259, %broadcast_in_dim3A_289] : memref<128x64xf32, #tpu.memory_space<vmem>>[vector<16xi32>, vector<16xi32>], vector<16xf32>,
        %gather3A_291 = tpu.vector_load_idx %arg17[%add3A_259, %broadcast_in_dim3A_289] : memref<128x64xf32, #tpu.memory_space<vmem>>[vector<16xi32>, vector<16xi32>], vector<16xf32>,
        %gather3A_292 = tpu.vector_load_idx %arg18[%add3A_259, %broadcast_in_dim3A_289] : memref<128x64xf32, #tpu.memory_space<vmem>>[vector<16xi32>, vector<16xi32>], vector<16xf32>,
        %sub3A_293 = arith.subf %gather3A, %gather3A_290 : vector<16xf32>
        %add3A_294 = arith.addf %sub3A_293, %gather3A_291 : vector<16xf32>
        tpu.vector_store_idx %arg15[%add3A_259, %broadcast_in_dim3A_289], %add3A_294 : memref<128x64xf32, #tpu.memory_space<vmem>>[vector<16xi32>, vector<16xi32>], vector<16xf32>,
        %mul3A_295 = arith.mulf %gather3A_292, %gather3A : vector<16xf32>
        %add3A_296 = arith.addf %scan3A_286, %mul3A_295 : vector<16xf32>
        %mul3A_297 = arith.mulf %gather3A_292, %gather3A_290 : vector<16xf32>
        %add3A_298 = arith.addf %scan3A_287, %mul3A_297 : vector<16xf32>
        %mul3A_299 = arith.mulf %gather3A_292, %gather3A_292 : vector<16xf32>
        %add3A_300 = arith.addf %scan3A_288, %mul3A_299 : vector<16xf32>
        scf.yield %add3A_296, %add3A_298, %add3A_300 : vector<16xf32>, vector<16xf32>, vector<16xf32>
      }
      %scan3A_265 = arith.constant 64 : i32
      %sub3A = arith.subf %scan3A_264#0, %scan3A_264#1 : vector<16xf32>
      %div3A = arith.divf %sub3A, %scan3A_264#2 : vector<16xf32>
      %scan3A_266 = arith.constant 0 : i32
      %scan3A_267 = arith.constant 64 : i32
      %scan3A_268 = arith.addi %scan3A_266, %scan3A_267 : i32
      %scan3A_269 = arith.constant 1 : i32
      %scan3A_270 = scf.for %scan3A_285 = %scan3A_266 to %scan3A_268 step %scan3A_269 iter_args(%scan3A_286 = %broadcast_in_dim3A_3) -> (vector<16xf32>)  : i32 {
        %broadcast_in_dim3A_287 = vector.broadcast %scan3A_285 : i32 to vector<16xi32>
        %gather3A = tpu.vector_load_idx %arg15[%add3A_259, %broadcast_in_dim3A_287] : memref<128x64xf32, #tpu.memory_space<vmem>>[vector<16xi32>, vector<16xi32>], vector<16xf32>,
        %gather3A_288 = tpu.vector_load_idx %arg18[%add3A_259, %broadcast_in_dim3A_287] : memref<128x64xf32, #tpu.memory_space<vmem>>[vector<16xi32>, vector<16xi32>], vector<16xf32>,
        %mul3A_289 = arith.mulf %div3A, %gather3A_288 : vector<16xf32>
        %sub3A_290 = arith.subf %gather3A, %mul3A_289 : vector<16xf32>
        %abs3A = math.absf %sub3A_290 : vector<16xf32>
        %add3A_291 = arith.addf %scan3A_286, %abs3A : vector<16xf32>
        scf.yield %add3A_291 : vector<16xf32>
      }
      %scan3A_271 = arith.constant 64 : i32
      %mul3A_272 = arith.mulf %scan3A_270, %scan3A_270 : vector<16xf32>
      %neg3A = arith.constant 0.000000e+00 : f32
      %neg3A_273 = vector.broadcast %neg3A : f32 to vector<16xf32>
      %neg3A_274 = arith.subf %neg3A_273, %mul3A_272 : vector<16xf32>
      %mul3A_275 = arith.constant 16 : i32
      %mul3A_276 = arith.muli %scan3A_254, %mul3A_275 : i32
      %get3A = arith.index_cast %mul3A_276 : i32 to index
      %get3A_277 = tpu.vector_load %arg19[%get3A] {strides = array<i32>} : memref<128xf32, #tpu.memory_space<vmem>>, vector<16xf32>,
      %sub3A_278 = arith.subf %get3A_277, %neg3A_274 : vector<16xf32>
      %add3A_279 = arith.constant 1.000000e+00 : f32
      %add3A_280 = vector.broadcast %add3A_279 : f32 to vector<16xf32>
      %add3A_281 = arith.addf %sub3A_278, %add3A_280 : vector<16xf32>
      %max3A = arith.constant 0.000000e+00 : f32
      %max3A_282 = vector.broadcast %max3A : f32 to vector<16xf32>
      %max3A_283 = arith.maximumf %add3A_281, %max3A_282 : vector<16xf32>
      %add3A_284 = arith.addf %scan3A_255, %max3A_283 : vector<16xf32>
      scf.yield %add3A_284 : vector<16xf32>
    }
    %scan3A_189 = arith.constant 8 : i32
    %add3A_190 = arith.constant 384 : i32
    %add3A_191 = arith.addi %mul3A_2, %add3A_190 : i32
    "tpu.region"() ({
      %run_scoped3A = tpu.sem_alloc : memref<!tpu.dma_semaphore, #tpu.memory_space<semaphore_mem>>
      %dma_start3A_254 = tpu.memref_slice %arg2[%add3A_191] : memref<16384xi32, #tpu.memory_space<hbm>> -> memref<128xi32, #tpu.memory_space<hbm>>
      %dma_start3A_255 = tpu.memref_slice %arg2[%add3A_191] : memref<16384xi32, #tpu.memory_space<hbm>> -> memref<128xi32, #tpu.memory_space<hbm>>
      tpu.enqueue_dma source(%dma_start3A_255 : memref<128xi32, #tpu.memory_space<hbm>>) target(%arg12 : memref<128xi32, #tpu.memory_space<vmem>>) target_semaphore(%run_scoped3A : memref<!tpu.dma_semaphore, #tpu.memory_space<semaphore_mem>>)
      %dma_wait3A_256 = tpu.memref_slice %arg2[%add3A_191] : memref<16384xi32, #tpu.memory_space<hbm>> -> memref<128xi32, #tpu.memory_space<hbm>>
      %dma_wait3A_257 = tpu.memref_slice %arg2[%add3A_191] : memref<16384xi32, #tpu.memory_space<hbm>> -> memref<128xi32, #tpu.memory_space<hbm>>
      tpu.wait_dma2 semaphore(%run_scoped3A : memref<!tpu.dma_semaphore, #tpu.memory_space<semaphore_mem>>) src(%dma_wait3A_257 : memref<128xi32, #tpu.memory_space<hbm>>) dst(%arg12 : memref<128xi32, #tpu.memory_space<vmem>>)
      tpu.yield
    }) : () -> ()
    "tpu.region"() ({
      %run_scoped3A = tpu.sem_alloc : memref<!tpu.dma_semaphore, #tpu.memory_space<semaphore_mem>>
      %dma_start3A_254 = tpu.memref_slice %arg3[%add3A_191] : memref<16384xi32, #tpu.memory_space<hbm>> -> memref<128xi32, #tpu.memory_space<hbm>>
      %dma_start3A_255 = tpu.memref_slice %arg3[%add3A_191] : memref<16384xi32, #tpu.memory_space<hbm>> -> memref<128xi32, #tpu.memory_space<hbm>>
      tpu.enqueue_dma source(%dma_start3A_255 : memref<128xi32, #tpu.memory_space<hbm>>) target(%arg13 : memref<128xi32, #tpu.memory_space<vmem>>) target_semaphore(%run_scoped3A : memref<!tpu.dma_semaphore, #tpu.memory_space<semaphore_mem>>)
      %dma_wait3A_256 = tpu.memref_slice %arg3[%add3A_191] : memref<16384xi32, #tpu.memory_space<hbm>> -> memref<128xi32, #tpu.memory_space<hbm>>
      %dma_wait3A_257 = tpu.memref_slice %arg3[%add3A_191] : memref<16384xi32, #tpu.memory_space<hbm>> -> memref<128xi32, #tpu.memory_space<hbm>>
      tpu.wait_dma2 semaphore(%run_scoped3A : memref<!tpu.dma_semaphore, #tpu.memory_space<semaphore_mem>>) src(%dma_wait3A_257 : memref<128xi32, #tpu.memory_space<hbm>>) dst(%arg13 : memref<128xi32, #tpu.memory_space<vmem>>)
      tpu.yield
    }) : () -> ()
    "tpu.region"() ({
      %run_scoped3A = tpu.sem_alloc : memref<!tpu.dma_semaphore, #tpu.memory_space<semaphore_mem>>
      %dma_start3A_254 = tpu.memref_slice %arg4[%add3A_191] : memref<16384xi32, #tpu.memory_space<hbm>> -> memref<128xi32, #tpu.memory_space<hbm>>
      %dma_start3A_255 = tpu.memref_slice %arg4[%add3A_191] : memref<16384xi32, #tpu.memory_space<hbm>> -> memref<128xi32, #tpu.memory_space<hbm>>
      tpu.enqueue_dma source(%dma_start3A_255 : memref<128xi32, #tpu.memory_space<hbm>>) target(%arg14 : memref<128xi32, #tpu.memory_space<vmem>>) target_semaphore(%run_scoped3A : memref<!tpu.dma_semaphore, #tpu.memory_space<semaphore_mem>>)
      %dma_wait3A_256 = tpu.memref_slice %arg4[%add3A_191] : memref<16384xi32, #tpu.memory_space<hbm>> -> memref<128xi32, #tpu.memory_space<hbm>>
      %dma_wait3A_257 = tpu.memref_slice %arg4[%add3A_191] : memref<16384xi32, #tpu.memory_space<hbm>> -> memref<128xi32, #tpu.memory_space<hbm>>
      tpu.wait_dma2 semaphore(%run_scoped3A : memref<!tpu.dma_semaphore, #tpu.memory_space<semaphore_mem>>) src(%dma_wait3A_257 : memref<128xi32, #tpu.memory_space<hbm>>) dst(%arg14 : memref<128xi32, #tpu.memory_space<vmem>>)
      tpu.yield
    }) : () -> ()
    %dma_start3A_192 = arith.constant 0 : i32
    %dma_start3A_193 = arith.constant 0 : i32
    %dma_start3A_194 = tpu.memref_slice %arg8[%dma_start3A_192, %dma_start3A_193] : memref<1000000x64xf32, #tpu.memory_space<hbm>> -> memref<1000000x64xf32, #tpu.memory_space<hbm>>
    tpu.enqueue_indirect_dma source(%dma_start3A_194 : memref<1000000x64xf32, #tpu.memory_space<hbm>>) target(%arg15 : memref<128x64xf32, #tpu.memory_space<vmem>>) offsets(%arg12 : memref<128xi32, #tpu.memory_space<vmem>>) semaphore(%arg21 : memref<!tpu.dma_semaphore, #tpu.memory_space<semaphore_mem>>)
    %dma_start3A_195 = arith.constant 0 : i32
    %dma_start3A_196 = arith.constant 0 : i32
    %dma_start3A_197 = tpu.memref_slice %arg8[%dma_start3A_195, %dma_start3A_196] : memref<1000000x64xf32, #tpu.memory_space<hbm>> -> memref<1000000x64xf32, #tpu.memory_space<hbm>>
    tpu.enqueue_indirect_dma source(%dma_start3A_197 : memref<1000000x64xf32, #tpu.memory_space<hbm>>) target(%arg16 : memref<128x64xf32, #tpu.memory_space<vmem>>) offsets(%arg13 : memref<128xi32, #tpu.memory_space<vmem>>) semaphore(%arg21 : memref<!tpu.dma_semaphore, #tpu.memory_space<semaphore_mem>>)
    %dma_start3A_198 = arith.constant 0 : i32
    %dma_start3A_199 = arith.constant 0 : i32
    %dma_start3A_200 = tpu.memref_slice %arg9[%dma_start3A_198, %dma_start3A_199] : memref<1000x64xf32, #tpu.memory_space<hbm>> -> memref<1000x64xf32, #tpu.memory_space<hbm>>
    tpu.enqueue_indirect_dma source(%dma_start3A_200 : memref<1000x64xf32, #tpu.memory_space<hbm>>) target(%arg17 : memref<128x64xf32, #tpu.memory_space<vmem>>) offsets(%arg14 : memref<128xi32, #tpu.memory_space<vmem>>) semaphore(%arg21 : memref<!tpu.dma_semaphore, #tpu.memory_space<semaphore_mem>>)
    %dma_start3A_201 = arith.constant 0 : i32
    %dma_start3A_202 = arith.constant 0 : i32
    %dma_start3A_203 = tpu.memref_slice %arg10[%dma_start3A_201, %dma_start3A_202] : memref<1000x64xf32, #tpu.memory_space<hbm>> -> memref<1000x64xf32, #tpu.memory_space<hbm>>
    tpu.enqueue_indirect_dma source(%dma_start3A_203 : memref<1000x64xf32, #tpu.memory_space<hbm>>) target(%arg18 : memref<128x64xf32, #tpu.memory_space<vmem>>) offsets(%arg14 : memref<128xi32, #tpu.memory_space<vmem>>) semaphore(%arg21 : memref<!tpu.dma_semaphore, #tpu.memory_space<semaphore_mem>>)
    %dma_wait3A_204 = arith.constant 0 : i32
    %dma_wait3A_205 = arith.constant 0 : i32
    %dma_wait3A_206 = tpu.memref_slice %arg8[%dma_wait3A_204, %dma_wait3A_205] : memref<1000000x64xf32, #tpu.memory_space<hbm>> -> memref<1000000x64xf32, #tpu.memory_space<hbm>>
    tpu.wait_indirect_dma semaphore(%arg21 : memref<!tpu.dma_semaphore, #tpu.memory_space<semaphore_mem>>) src(%dma_wait3A_206 : memref<1000000x64xf32, #tpu.memory_space<hbm>>) dst(%arg15 : memref<128x64xf32, #tpu.memory_space<vmem>>)
    %dma_wait3A_207 = arith.constant 0 : i32
    %dma_wait3A_208 = arith.constant 0 : i32
    %dma_wait3A_209 = tpu.memref_slice %arg8[%dma_wait3A_207, %dma_wait3A_208] : memref<1000000x64xf32, #tpu.memory_space<hbm>> -> memref<1000000x64xf32, #tpu.memory_space<hbm>>
    tpu.wait_indirect_dma semaphore(%arg21 : memref<!tpu.dma_semaphore, #tpu.memory_space<semaphore_mem>>) src(%dma_wait3A_209 : memref<1000000x64xf32, #tpu.memory_space<hbm>>) dst(%arg16 : memref<128x64xf32, #tpu.memory_space<vmem>>)
    %dma_wait3A_210 = arith.constant 0 : i32
    %dma_wait3A_211 = arith.constant 0 : i32
    %dma_wait3A_212 = tpu.memref_slice %arg9[%dma_wait3A_210, %dma_wait3A_211] : memref<1000x64xf32, #tpu.memory_space<hbm>> -> memref<1000x64xf32, #tpu.memory_space<hbm>>
    tpu.wait_indirect_dma semaphore(%arg21 : memref<!tpu.dma_semaphore, #tpu.memory_space<semaphore_mem>>) src(%dma_wait3A_212 : memref<1000x64xf32, #tpu.memory_space<hbm>>) dst(%arg17 : memref<128x64xf32, #tpu.memory_space<vmem>>)
    %dma_wait3A_213 = arith.constant 0 : i32
    %dma_wait3A_214 = arith.constant 0 : i32
    %dma_wait3A_215 = tpu.memref_slice %arg10[%dma_wait3A_213, %dma_wait3A_214] : memref<1000x64xf32, #tpu.memory_space<hbm>> -> memref<1000x64xf32, #tpu.memory_space<hbm>>
    tpu.wait_indirect_dma semaphore(%arg21 : memref<!tpu.dma_semaphore, #tpu.memory_space<semaphore_mem>>) src(%dma_wait3A_215 : memref<1000x64xf32, #tpu.memory_space<hbm>>) dst(%arg18 : memref<128x64xf32, #tpu.memory_space<vmem>>)
    %scan3A_216 = arith.constant 0 : i32
    %scan3A_217 = arith.constant 0 : i32
    %scan3A_218 = arith.constant 8 : i32
    %scan3A_219 = arith.addi %scan3A_217, %scan3A_218 : i32
    %scan3A_220 = arith.constant 1 : i32
    %scan3A_221 = scf.for %scan3A_254 = %scan3A_217 to %scan3A_219 step %scan3A_220 iter_args(%scan3A_255 = %scan3A_216) -> (i32)  : i32 {
      %mul3A_256 = arith.constant 16 : i32
      %mul3A_257 = arith.muli %scan3A_254, %mul3A_256 : i32
      %add3A_258 = vector.broadcast %mul3A_257 : i32 to vector<16xi32>
      %add3A_259 = arith.addi %add3A_258, %iota3A : vector<16xi32>
      %scan3A_260 = arith.constant 0 : i32
      %scan3A_261 = arith.constant 64 : i32
      %scan3A_262 = arith.addi %scan3A_260, %scan3A_261 : i32
      %scan3A_263 = arith.constant 1 : i32
      %scan3A_264:3 = scf.for %scan3A_280 = %scan3A_260 to %scan3A_262 step %scan3A_263 iter_args(%scan3A_281 = %broadcast_in_dim3A_3, %scan3A_282 = %broadcast_in_dim3A_3, %scan3A_283 = %broadcast_in_dim3A_3) -> (vector<16xf32>, vector<16xf32>, vector<16xf32>)  : i32 {
        %broadcast_in_dim3A_284 = vector.broadcast %scan3A_280 : i32 to vector<16xi32>
        %gather3A = tpu.vector_load_idx %arg15[%add3A_259, %broadcast_in_dim3A_284] : memref<128x64xf32, #tpu.memory_space<vmem>>[vector<16xi32>, vector<16xi32>], vector<16xf32>,
        %gather3A_285 = tpu.vector_load_idx %arg16[%add3A_259, %broadcast_in_dim3A_284] : memref<128x64xf32, #tpu.memory_space<vmem>>[vector<16xi32>, vector<16xi32>], vector<16xf32>,
        %gather3A_286 = tpu.vector_load_idx %arg17[%add3A_259, %broadcast_in_dim3A_284] : memref<128x64xf32, #tpu.memory_space<vmem>>[vector<16xi32>, vector<16xi32>], vector<16xf32>,
        %gather3A_287 = tpu.vector_load_idx %arg18[%add3A_259, %broadcast_in_dim3A_284] : memref<128x64xf32, #tpu.memory_space<vmem>>[vector<16xi32>, vector<16xi32>], vector<16xf32>,
        %sub3A_288 = arith.subf %gather3A, %gather3A_285 : vector<16xf32>
        %add3A_289 = arith.addf %sub3A_288, %gather3A_286 : vector<16xf32>
        tpu.vector_store_idx %arg15[%add3A_259, %broadcast_in_dim3A_284], %add3A_289 : memref<128x64xf32, #tpu.memory_space<vmem>>[vector<16xi32>, vector<16xi32>], vector<16xf32>,
        %mul3A_290 = arith.mulf %gather3A_287, %gather3A : vector<16xf32>
        %add3A_291 = arith.addf %scan3A_281, %mul3A_290 : vector<16xf32>
        %mul3A_292 = arith.mulf %gather3A_287, %gather3A_285 : vector<16xf32>
        %add3A_293 = arith.addf %scan3A_282, %mul3A_292 : vector<16xf32>
        %mul3A_294 = arith.mulf %gather3A_287, %gather3A_287 : vector<16xf32>
        %add3A_295 = arith.addf %scan3A_283, %mul3A_294 : vector<16xf32>
        scf.yield %add3A_291, %add3A_293, %add3A_295 : vector<16xf32>, vector<16xf32>, vector<16xf32>
      }
      %scan3A_265 = arith.constant 64 : i32
      %sub3A = arith.subf %scan3A_264#0, %scan3A_264#1 : vector<16xf32>
      %div3A = arith.divf %sub3A, %scan3A_264#2 : vector<16xf32>
      %scan3A_266 = arith.constant 0 : i32
      %scan3A_267 = arith.constant 64 : i32
      %scan3A_268 = arith.addi %scan3A_266, %scan3A_267 : i32
      %scan3A_269 = arith.constant 1 : i32
      %scan3A_270 = scf.for %scan3A_280 = %scan3A_266 to %scan3A_268 step %scan3A_269 iter_args(%scan3A_281 = %broadcast_in_dim3A_3) -> (vector<16xf32>)  : i32 {
        %broadcast_in_dim3A_282 = vector.broadcast %scan3A_280 : i32 to vector<16xi32>
        %gather3A = tpu.vector_load_idx %arg15[%add3A_259, %broadcast_in_dim3A_282] : memref<128x64xf32, #tpu.memory_space<vmem>>[vector<16xi32>, vector<16xi32>], vector<16xf32>,
        %gather3A_283 = tpu.vector_load_idx %arg18[%add3A_259, %broadcast_in_dim3A_282] : memref<128x64xf32, #tpu.memory_space<vmem>>[vector<16xi32>, vector<16xi32>], vector<16xf32>,
        %mul3A_284 = arith.mulf %div3A, %gather3A_283 : vector<16xf32>
        %sub3A_285 = arith.subf %gather3A, %mul3A_284 : vector<16xf32>
        %abs3A = math.absf %sub3A_285 : vector<16xf32>
        %add3A_286 = arith.addf %scan3A_281, %abs3A : vector<16xf32>
        scf.yield %add3A_286 : vector<16xf32>
      }
      %scan3A_271 = arith.constant 64 : i32
      %mul3A_272 = arith.mulf %scan3A_270, %scan3A_270 : vector<16xf32>
      %neg3A = arith.constant 0.000000e+00 : f32
      %neg3A_273 = vector.broadcast %neg3A : f32 to vector<16xf32>
      %neg3A_274 = arith.subf %neg3A_273, %mul3A_272 : vector<16xf32>
      %mul3A_275 = arith.constant 16 : i32
      %mul3A_276 = arith.muli %scan3A_254, %mul3A_275 : i32
      %swap3A_277 = arith.index_cast %mul3A_276 : i32 to index
      %swap3A_278 = tpu.vector_load %arg19[%swap3A_277] {strides = array<i32>} : memref<128xf32, #tpu.memory_space<vmem>>, vector<16xf32>,
      tpu.vector_store %arg19[%swap3A_277], %neg3A_274 {strides = array<i32>} : memref<128xf32, #tpu.memory_space<vmem>>, vector<16xf32>,
      %scan3A_279 = arith.constant 0 : i32
      scf.yield %scan3A_279 : i32
    }
    %scan3A_222 = arith.constant 8 : i32
    "tpu.region"() ({
      %run_scoped3A = tpu.sem_alloc : memref<!tpu.dma_semaphore, #tpu.memory_space<semaphore_mem>>
      %dma_start3A_254 = tpu.memref_slice %arg5[%add3A_191] : memref<16384xi32, #tpu.memory_space<hbm>> -> memref<128xi32, #tpu.memory_space<hbm>>
      %dma_start3A_255 = tpu.memref_slice %arg5[%add3A_191] : memref<16384xi32, #tpu.memory_space<hbm>> -> memref<128xi32, #tpu.memory_space<hbm>>
      tpu.enqueue_dma source(%dma_start3A_255 : memref<128xi32, #tpu.memory_space<hbm>>) target(%arg12 : memref<128xi32, #tpu.memory_space<vmem>>) target_semaphore(%run_scoped3A : memref<!tpu.dma_semaphore, #tpu.memory_space<semaphore_mem>>)
      %dma_wait3A_256 = tpu.memref_slice %arg5[%add3A_191] : memref<16384xi32, #tpu.memory_space<hbm>> -> memref<128xi32, #tpu.memory_space<hbm>>
      %dma_wait3A_257 = tpu.memref_slice %arg5[%add3A_191] : memref<16384xi32, #tpu.memory_space<hbm>> -> memref<128xi32, #tpu.memory_space<hbm>>
      tpu.wait_dma2 semaphore(%run_scoped3A : memref<!tpu.dma_semaphore, #tpu.memory_space<semaphore_mem>>) src(%dma_wait3A_257 : memref<128xi32, #tpu.memory_space<hbm>>) dst(%arg12 : memref<128xi32, #tpu.memory_space<vmem>>)
      tpu.yield
    }) : () -> ()
    "tpu.region"() ({
      %run_scoped3A = tpu.sem_alloc : memref<!tpu.dma_semaphore, #tpu.memory_space<semaphore_mem>>
      %dma_start3A_254 = tpu.memref_slice %arg6[%add3A_191] : memref<16384xi32, #tpu.memory_space<hbm>> -> memref<128xi32, #tpu.memory_space<hbm>>
      %dma_start3A_255 = tpu.memref_slice %arg6[%add3A_191] : memref<16384xi32, #tpu.memory_space<hbm>> -> memref<128xi32, #tpu.memory_space<hbm>>
      tpu.enqueue_dma source(%dma_start3A_255 : memref<128xi32, #tpu.memory_space<hbm>>) target(%arg13 : memref<128xi32, #tpu.memory_space<vmem>>) target_semaphore(%run_scoped3A : memref<!tpu.dma_semaphore, #tpu.memory_space<semaphore_mem>>)
      %dma_wait3A_256 = tpu.memref_slice %arg6[%add3A_191] : memref<16384xi32, #tpu.memory_space<hbm>> -> memref<128xi32, #tpu.memory_space<hbm>>
      %dma_wait3A_257 = tpu.memref_slice %arg6[%add3A_191] : memref<16384xi32, #tpu.memory_space<hbm>> -> memref<128xi32, #tpu.memory_space<hbm>>
      tpu.wait_dma2 semaphore(%run_scoped3A : memref<!tpu.dma_semaphore, #tpu.memory_space<semaphore_mem>>) src(%dma_wait3A_257 : memref<128xi32, #tpu.memory_space<hbm>>) dst(%arg13 : memref<128xi32, #tpu.memory_space<vmem>>)
      tpu.yield
    }) : () -> ()
    "tpu.region"() ({
      %run_scoped3A = tpu.sem_alloc : memref<!tpu.dma_semaphore, #tpu.memory_space<semaphore_mem>>
      %dma_start3A_254 = tpu.memref_slice %arg7[%add3A_191] : memref<16384xi32, #tpu.memory_space<hbm>> -> memref<128xi32, #tpu.memory_space<hbm>>
      %dma_start3A_255 = tpu.memref_slice %arg7[%add3A_191] : memref<16384xi32, #tpu.memory_space<hbm>> -> memref<128xi32, #tpu.memory_space<hbm>>
      tpu.enqueue_dma source(%dma_start3A_255 : memref<128xi32, #tpu.memory_space<hbm>>) target(%arg14 : memref<128xi32, #tpu.memory_space<vmem>>) target_semaphore(%run_scoped3A : memref<!tpu.dma_semaphore, #tpu.memory_space<semaphore_mem>>)
      %dma_wait3A_256 = tpu.memref_slice %arg7[%add3A_191] : memref<16384xi32, #tpu.memory_space<hbm>> -> memref<128xi32, #tpu.memory_space<hbm>>
      %dma_wait3A_257 = tpu.memref_slice %arg7[%add3A_191] : memref<16384xi32, #tpu.memory_space<hbm>> -> memref<128xi32, #tpu.memory_space<hbm>>
      tpu.wait_dma2 semaphore(%run_scoped3A : memref<!tpu.dma_semaphore, #tpu.memory_space<semaphore_mem>>) src(%dma_wait3A_257 : memref<128xi32, #tpu.memory_space<hbm>>) dst(%arg14 : memref<128xi32, #tpu.memory_space<vmem>>)
      tpu.yield
    }) : () -> ()
    %dma_start3A_223 = arith.constant 0 : i32
    %dma_start3A_224 = arith.constant 0 : i32
    %dma_start3A_225 = tpu.memref_slice %arg8[%dma_start3A_223, %dma_start3A_224] : memref<1000000x64xf32, #tpu.memory_space<hbm>> -> memref<1000000x64xf32, #tpu.memory_space<hbm>>
    tpu.enqueue_indirect_dma source(%dma_start3A_225 : memref<1000000x64xf32, #tpu.memory_space<hbm>>) target(%arg15 : memref<128x64xf32, #tpu.memory_space<vmem>>) offsets(%arg12 : memref<128xi32, #tpu.memory_space<vmem>>) semaphore(%arg21 : memref<!tpu.dma_semaphore, #tpu.memory_space<semaphore_mem>>)
    %dma_start3A_226 = arith.constant 0 : i32
    %dma_start3A_227 = arith.constant 0 : i32
    %dma_start3A_228 = tpu.memref_slice %arg8[%dma_start3A_226, %dma_start3A_227] : memref<1000000x64xf32, #tpu.memory_space<hbm>> -> memref<1000000x64xf32, #tpu.memory_space<hbm>>
    tpu.enqueue_indirect_dma source(%dma_start3A_228 : memref<1000000x64xf32, #tpu.memory_space<hbm>>) target(%arg16 : memref<128x64xf32, #tpu.memory_space<vmem>>) offsets(%arg13 : memref<128xi32, #tpu.memory_space<vmem>>) semaphore(%arg21 : memref<!tpu.dma_semaphore, #tpu.memory_space<semaphore_mem>>)
    %dma_start3A_229 = arith.constant 0 : i32
    %dma_start3A_230 = arith.constant 0 : i32
    %dma_start3A_231 = tpu.memref_slice %arg9[%dma_start3A_229, %dma_start3A_230] : memref<1000x64xf32, #tpu.memory_space<hbm>> -> memref<1000x64xf32, #tpu.memory_space<hbm>>
    tpu.enqueue_indirect_dma source(%dma_start3A_231 : memref<1000x64xf32, #tpu.memory_space<hbm>>) target(%arg17 : memref<128x64xf32, #tpu.memory_space<vmem>>) offsets(%arg14 : memref<128xi32, #tpu.memory_space<vmem>>) semaphore(%arg21 : memref<!tpu.dma_semaphore, #tpu.memory_space<semaphore_mem>>)
    %dma_start3A_232 = arith.constant 0 : i32
    %dma_start3A_233 = arith.constant 0 : i32
    %dma_start3A_234 = tpu.memref_slice %arg10[%dma_start3A_232, %dma_start3A_233] : memref<1000x64xf32, #tpu.memory_space<hbm>> -> memref<1000x64xf32, #tpu.memory_space<hbm>>
    tpu.enqueue_indirect_dma source(%dma_start3A_234 : memref<1000x64xf32, #tpu.memory_space<hbm>>) target(%arg18 : memref<128x64xf32, #tpu.memory_space<vmem>>) offsets(%arg14 : memref<128xi32, #tpu.memory_space<vmem>>) semaphore(%arg21 : memref<!tpu.dma_semaphore, #tpu.memory_space<semaphore_mem>>)
    %dma_wait3A_235 = arith.constant 0 : i32
    %dma_wait3A_236 = arith.constant 0 : i32
    %dma_wait3A_237 = tpu.memref_slice %arg8[%dma_wait3A_235, %dma_wait3A_236] : memref<1000000x64xf32, #tpu.memory_space<hbm>> -> memref<1000000x64xf32, #tpu.memory_space<hbm>>
    tpu.wait_indirect_dma semaphore(%arg21 : memref<!tpu.dma_semaphore, #tpu.memory_space<semaphore_mem>>) src(%dma_wait3A_237 : memref<1000000x64xf32, #tpu.memory_space<hbm>>) dst(%arg15 : memref<128x64xf32, #tpu.memory_space<vmem>>)
    %dma_wait3A_238 = arith.constant 0 : i32
    %dma_wait3A_239 = arith.constant 0 : i32
    %dma_wait3A_240 = tpu.memref_slice %arg8[%dma_wait3A_238, %dma_wait3A_239] : memref<1000000x64xf32, #tpu.memory_space<hbm>> -> memref<1000000x64xf32, #tpu.memory_space<hbm>>
    tpu.wait_indirect_dma semaphore(%arg21 : memref<!tpu.dma_semaphore, #tpu.memory_space<semaphore_mem>>) src(%dma_wait3A_240 : memref<1000000x64xf32, #tpu.memory_space<hbm>>) dst(%arg16 : memref<128x64xf32, #tpu.memory_space<vmem>>)
    %dma_wait3A_241 = arith.constant 0 : i32
    %dma_wait3A_242 = arith.constant 0 : i32
    %dma_wait3A_243 = tpu.memref_slice %arg9[%dma_wait3A_241, %dma_wait3A_242] : memref<1000x64xf32, #tpu.memory_space<hbm>> -> memref<1000x64xf32, #tpu.memory_space<hbm>>
    tpu.wait_indirect_dma semaphore(%arg21 : memref<!tpu.dma_semaphore, #tpu.memory_space<semaphore_mem>>) src(%dma_wait3A_243 : memref<1000x64xf32, #tpu.memory_space<hbm>>) dst(%arg17 : memref<128x64xf32, #tpu.memory_space<vmem>>)
    %dma_wait3A_244 = arith.constant 0 : i32
    %dma_wait3A_245 = arith.constant 0 : i32
    %dma_wait3A_246 = tpu.memref_slice %arg10[%dma_wait3A_244, %dma_wait3A_245] : memref<1000x64xf32, #tpu.memory_space<hbm>> -> memref<1000x64xf32, #tpu.memory_space<hbm>>
    tpu.wait_indirect_dma semaphore(%arg21 : memref<!tpu.dma_semaphore, #tpu.memory_space<semaphore_mem>>) src(%dma_wait3A_246 : memref<1000x64xf32, #tpu.memory_space<hbm>>) dst(%arg18 : memref<128x64xf32, #tpu.memory_space<vmem>>)
    %scan3A_247 = arith.constant 0 : i32
    %scan3A_248 = arith.constant 8 : i32
    %scan3A_249 = arith.addi %scan3A_247, %scan3A_248 : i32
    %scan3A_250 = arith.constant 1 : i32
    %scan3A_251 = scf.for %scan3A_254 = %scan3A_247 to %scan3A_249 step %scan3A_250 iter_args(%scan3A_255 = %scan3A_188) -> (vector<16xf32>)  : i32 {
      %mul3A_256 = arith.constant 16 : i32
      %mul3A_257 = arith.muli %scan3A_254, %mul3A_256 : i32
      %add3A_258 = vector.broadcast %mul3A_257 : i32 to vector<16xi32>
      %add3A_259 = arith.addi %add3A_258, %iota3A : vector<16xi32>
      %scan3A_260 = arith.constant 0 : i32
      %scan3A_261 = arith.constant 64 : i32
      %scan3A_262 = arith.addi %scan3A_260, %scan3A_261 : i32
      %scan3A_263 = arith.constant 1 : i32
      %scan3A_264:3 = scf.for %scan3A_285 = %scan3A_260 to %scan3A_262 step %scan3A_263 iter_args(%scan3A_286 = %broadcast_in_dim3A_3, %scan3A_287 = %broadcast_in_dim3A_3, %scan3A_288 = %broadcast_in_dim3A_3) -> (vector<16xf32>, vector<16xf32>, vector<16xf32>)  : i32 {
        %broadcast_in_dim3A_289 = vector.broadcast %scan3A_285 : i32 to vector<16xi32>
        %gather3A = tpu.vector_load_idx %arg15[%add3A_259, %broadcast_in_dim3A_289] : memref<128x64xf32, #tpu.memory_space<vmem>>[vector<16xi32>, vector<16xi32>], vector<16xf32>,
        %gather3A_290 = tpu.vector_load_idx %arg16[%add3A_259, %broadcast_in_dim3A_289] : memref<128x64xf32, #tpu.memory_space<vmem>>[vector<16xi32>, vector<16xi32>], vector<16xf32>,
        %gather3A_291 = tpu.vector_load_idx %arg17[%add3A_259, %broadcast_in_dim3A_289] : memref<128x64xf32, #tpu.memory_space<vmem>>[vector<16xi32>, vector<16xi32>], vector<16xf32>,
        %gather3A_292 = tpu.vector_load_idx %arg18[%add3A_259, %broadcast_in_dim3A_289] : memref<128x64xf32, #tpu.memory_space<vmem>>[vector<16xi32>, vector<16xi32>], vector<16xf32>,
        %sub3A_293 = arith.subf %gather3A, %gather3A_290 : vector<16xf32>
        %add3A_294 = arith.addf %sub3A_293, %gather3A_291 : vector<16xf32>
        tpu.vector_store_idx %arg15[%add3A_259, %broadcast_in_dim3A_289], %add3A_294 : memref<128x64xf32, #tpu.memory_space<vmem>>[vector<16xi32>, vector<16xi32>], vector<16xf32>,
        %mul3A_295 = arith.mulf %gather3A_292, %gather3A : vector<16xf32>
        %add3A_296 = arith.addf %scan3A_286, %mul3A_295 : vector<16xf32>
        %mul3A_297 = arith.mulf %gather3A_292, %gather3A_290 : vector<16xf32>
        %add3A_298 = arith.addf %scan3A_287, %mul3A_297 : vector<16xf32>
        %mul3A_299 = arith.mulf %gather3A_292, %gather3A_292 : vector<16xf32>
        %add3A_300 = arith.addf %scan3A_288, %mul3A_299 : vector<16xf32>
        scf.yield %add3A_296, %add3A_298, %add3A_300 : vector<16xf32>, vector<16xf32>, vector<16xf32>
      }
      %scan3A_265 = arith.constant 64 : i32
      %sub3A = arith.subf %scan3A_264#0, %scan3A_264#1 : vector<16xf32>
      %div3A = arith.divf %sub3A, %scan3A_264#2 : vector<16xf32>
      %scan3A_266 = arith.constant 0 : i32
      %scan3A_267 = arith.constant 64 : i32
      %scan3A_268 = arith.addi %scan3A_266, %scan3A_267 : i32
      %scan3A_269 = arith.constant 1 : i32
      %scan3A_270 = scf.for %scan3A_285 = %scan3A_266 to %scan3A_268 step %scan3A_269 iter_args(%scan3A_286 = %broadcast_in_dim3A_3) -> (vector<16xf32>)  : i32 {
        %broadcast_in_dim3A_287 = vector.broadcast %scan3A_285 : i32 to vector<16xi32>
        %gather3A = tpu.vector_load_idx %arg15[%add3A_259, %broadcast_in_dim3A_287] : memref<128x64xf32, #tpu.memory_space<vmem>>[vector<16xi32>, vector<16xi32>], vector<16xf32>,
        %gather3A_288 = tpu.vector_load_idx %arg18[%add3A_259, %broadcast_in_dim3A_287] : memref<128x64xf32, #tpu.memory_space<vmem>>[vector<16xi32>, vector<16xi32>], vector<16xf32>,
        %mul3A_289 = arith.mulf %div3A, %gather3A_288 : vector<16xf32>
        %sub3A_290 = arith.subf %gather3A, %mul3A_289 : vector<16xf32>
        %abs3A = math.absf %sub3A_290 : vector<16xf32>
        %add3A_291 = arith.addf %scan3A_286, %abs3A : vector<16xf32>
        scf.yield %add3A_291 : vector<16xf32>
      }
      %scan3A_271 = arith.constant 64 : i32
      %mul3A_272 = arith.mulf %scan3A_270, %scan3A_270 : vector<16xf32>
      %neg3A = arith.constant 0.000000e+00 : f32
      %neg3A_273 = vector.broadcast %neg3A : f32 to vector<16xf32>
      %neg3A_274 = arith.subf %neg3A_273, %mul3A_272 : vector<16xf32>
      %mul3A_275 = arith.constant 16 : i32
      %mul3A_276 = arith.muli %scan3A_254, %mul3A_275 : i32
      %get3A = arith.index_cast %mul3A_276 : i32 to index
      %get3A_277 = tpu.vector_load %arg19[%get3A] {strides = array<i32>} : memref<128xf32, #tpu.memory_space<vmem>>, vector<16xf32>,
      %sub3A_278 = arith.subf %get3A_277, %neg3A_274 : vector<16xf32>
      %add3A_279 = arith.constant 1.000000e+00 : f32
      %add3A_280 = vector.broadcast %add3A_279 : f32 to vector<16xf32>
      %add3A_281 = arith.addf %sub3A_278, %add3A_280 : vector<16xf32>
      %max3A = arith.constant 0.000000e+00 : f32
      %max3A_282 = vector.broadcast %max3A : f32 to vector<16xf32>
      %max3A_283 = arith.maximumf %add3A_281, %max3A_282 : vector<16xf32>
      %add3A_284 = arith.addf %scan3A_255, %max3A_283 : vector<16xf32>
      scf.yield %add3A_284 : vector<16xf32>
    }
    %scan3A_252 = arith.constant 8 : i32
    %swap3A = arith.constant 0 : index
    %swap3A_253 = tpu.vector_load %arg20[%swap3A] {strides = array<i32>} : memref<16xf32, #tpu.memory_space<vmem>>, vector<16xf32>,
    tpu.vector_store %arg20[%swap3A], %scan3A_251 {strides = array<i32>} : memref<16xf32, #tpu.memory_space<vmem>>, vector<16xf32>,
    "tpu.region"() ({
      %run_scoped3A = tpu.sem_alloc : memref<!tpu.dma_semaphore, #tpu.memory_space<semaphore_mem>>
      %dma_start3A_254 = arith.constant 0 : i32
      %dma_start3A_255 = tpu.memref_slice %arg11[%add3A, %dma_start3A_254] : memref<32x16xf32, #tpu.memory_space<hbm>> -> memref<1x16xf32, #tpu.memory_space<hbm>>
      %dma_start3A_256 = tpu.memref_squeeze %dma_start3A_255 : memref<1x16xf32, #tpu.memory_space<hbm>> -> memref<16xf32, #tpu.memory_space<hbm>>
      %dma_start3A_257 = arith.constant 0 : i32
      %dma_start3A_258 = tpu.memref_slice %arg11[%add3A, %dma_start3A_257] : memref<32x16xf32, #tpu.memory_space<hbm>> -> memref<1x16xf32, #tpu.memory_space<hbm>>
      %dma_start3A_259 = tpu.memref_squeeze %dma_start3A_258 : memref<1x16xf32, #tpu.memory_space<hbm>> -> memref<16xf32, #tpu.memory_space<hbm>>
      tpu.enqueue_dma source(%arg20 : memref<16xf32, #tpu.memory_space<vmem>>) target(%dma_start3A_259 : memref<16xf32, #tpu.memory_space<hbm>>) target_semaphore(%run_scoped3A : memref<!tpu.dma_semaphore, #tpu.memory_space<semaphore_mem>>)
      %dma_wait3A_260 = arith.constant 0 : i32
      %dma_wait3A_261 = tpu.memref_slice %arg11[%add3A, %dma_wait3A_260] : memref<32x16xf32, #tpu.memory_space<hbm>> -> memref<1x16xf32, #tpu.memory_space<hbm>>
      %dma_wait3A_262 = tpu.memref_squeeze %dma_wait3A_261 : memref<1x16xf32, #tpu.memory_space<hbm>> -> memref<16xf32, #tpu.memory_space<hbm>>
      %dma_wait3A_263 = arith.constant 0 : i32
      %dma_wait3A_264 = tpu.memref_slice %arg11[%add3A, %dma_wait3A_263] : memref<32x16xf32, #tpu.memory_space<hbm>> -> memref<1x16xf32, #tpu.memory_space<hbm>>
      %dma_wait3A_265 = tpu.memref_squeeze %dma_wait3A_264 : memref<1x16xf32, #tpu.memory_space<hbm>> -> memref<16xf32, #tpu.memory_space<hbm>>
      tpu.wait_dma2 semaphore(%run_scoped3A : memref<!tpu.dma_semaphore, #tpu.memory_space<semaphore_mem>>) src(%arg20 : memref<16xf32, #tpu.memory_space<vmem>>) dst(%dma_wait3A_265 : memref<16xf32, #tpu.memory_space<hbm>>)
      tpu.yield
    }) : () -> ()
    return
  }
}

module attributes {stable_mosaic.version = 14 : i64} {
  func.func @_constraints_body(%arg0: i32, %arg1: memref<4000x128xf32, #tpu.memory_space<vmem>>, %arg2: memref<1000x64xf32, #tpu.memory_space<vmem>>, %arg3: memref<1000x64xf32, #tpu.memory_space<vmem>>, %arg4: memref<1x1xf32, #tpu.memory_space<smem>>, %arg5: memref<1x1xf32, #tpu.memory_space<smem>>) attributes {dimension_semantics = [#tpu.dimension_semantics<arbitrary>], iteration_bounds = array<i64: 125>, scalar_prefetch = 0 : i64, scratch_operands = 1 : i64, tpu.core_type = #tpu.core_type<tc>, window_params = [{transform_indices = @transform_0, window_bounds = array<i64: 4000, 128>}, {pipeline_mode = #tpu.pipeline_mode<synchronous>, transform_indices = @transform_1, window_bounds = array<i64: 1000, 64>}, {pipeline_mode = #tpu.pipeline_mode<synchronous>, transform_indices = @transform_2, window_bounds = array<i64: 1000, 64>}, {transform_indices = @transform_3, window_bounds = array<i64: 1, 1>}]} {
    %eq3A = arith.constant 0 : i32
    %eq3A_0 = arith.cmpi eq, %arg0, %eq3A : i32
    %convert_element_type3A = arith.extui %eq3A_0 : i1 to i32
    %cond3A = arith.constant 0 : i32
    %cond3A_1 = arith.cmpi ne, %convert_element_type3A, %cond3A : i32
    scf.if %cond3A_1 {
      %get3A_30 = arith.constant 0 : index
      %get3A_31 = arith.constant 0 : index
      %get3A_32 = vector.load %arg2[%get3A_30, %get3A_31] : memref<1000x64xf32, #tpu.memory_space<vmem>>, vector<1000x64xf32>
      %get3A_33 = arith.constant 0 : index
      %get3A_34 = arith.constant 0 : index
      %get3A_35 = vector.load %arg3[%get3A_33, %get3A_34] : memref<1000x64xf32, #tpu.memory_space<vmem>>, vector<1000x64xf32>
      %mul3A_36 = arith.mulf %get3A_32, %get3A_32 : vector<1000x64xf32>
      %reduce_sum3A_37 = arith.constant dense<0.000000e+00> : vector<1000xf32>
      %reduce_sum3A_38 = vector.multi_reduction <add>, %mul3A_36, %reduce_sum3A_37 [1] : vector<1000x64xf32> to vector<1000xf32>
      %mul3A_39 = arith.mulf %get3A_32, %get3A_35 : vector<1000x64xf32>
      %reduce_sum3A_40 = arith.constant dense<0.000000e+00> : vector<1000xf32>
      %reduce_sum3A_41 = vector.multi_reduction <add>, %mul3A_39, %reduce_sum3A_40 [1] : vector<1000x64xf32> to vector<1000xf32>
      %mul3A_42 = arith.mulf %get3A_35, %get3A_35 : vector<1000x64xf32>
      %reduce_sum3A_43 = arith.constant dense<0.000000e+00> : vector<1000xf32>
      %reduce_sum3A_44 = vector.multi_reduction <add>, %mul3A_42, %reduce_sum3A_43 [1] : vector<1000x64xf32> to vector<1000xf32>
      %mul3A_45 = arith.mulf %reduce_sum3A_41, %reduce_sum3A_41 : vector<1000xf32>
      %mul3A_46 = arith.mulf %reduce_sum3A_38, %reduce_sum3A_44 : vector<1000xf32>
      %div3A = arith.divf %mul3A_45, %mul3A_46 : vector<1000xf32>
      %sub3A_47 = arith.constant 5.000000e+01 : f32
      %sub3A_48 = vector.broadcast %sub3A_47 : f32 to vector<1000xf32>
      %sub3A_49 = arith.subf %div3A, %sub3A_48 : vector<1000xf32>
      %abs3A_50 = math.absf %sub3A_49 : vector<1000xf32>
      %reduce_sum3A_51 = vector.shape_cast %abs3A_50 : vector<1000xf32> to vector<1x1000xf32>
      %reduce_sum3A_52 = arith.constant dense<0.000000e+00> : vector<1xf32>
      %reduce_sum3A_53 = vector.multi_reduction <add>, %reduce_sum3A_51, %reduce_sum3A_52 [1] : vector<1x1000xf32> to vector<1xf32>
      %reduce_sum3A_54 = vector.shape_cast %reduce_sum3A_53 : vector<1xf32> to vector<1x1xf32>
      %reduce_sum3A_55 = vector.extract %reduce_sum3A_54[0, 0] : f32 from vector<1x1xf32>
      %swap3A_56 = arith.constant 0 : index
      %swap3A_57 = arith.constant 0 : index
      %swap3A_58 = memref.load %arg5[%swap3A_56, %swap3A_57] : memref<1x1xf32, #tpu.memory_space<smem>>
      memref.store %reduce_sum3A_55, %arg5[%swap3A_56, %swap3A_57] : memref<1x1xf32, #tpu.memory_space<smem>>
    } else {
    }
    %get3A = arith.constant 0 : index
    %get3A_2 = arith.constant 0 : index
    %get3A_3 = vector.load %arg1[%get3A, %get3A_2] : memref<4000x128xf32, #tpu.memory_space<vmem>>, vector<4000x128xf32>
    %mul3A = arith.mulf %get3A_3, %get3A_3 : vector<4000x128xf32>
    %slice3A = vector.extract_strided_slice %mul3A {offsets = [0, 0], sizes = [4000, 64], strides = [1, 1]} : vector<4000x128xf32> to vector<4000x64xf32>
    %reduce_sum3A = arith.constant dense<0.000000e+00> : vector<4000xf32>
    %reduce_sum3A_4 = vector.multi_reduction <add>, %slice3A, %reduce_sum3A [1] : vector<4000x64xf32> to vector<4000xf32>
    %sub3A = arith.constant 1.000000e+06 : f32
    %sub3A_5 = vector.broadcast %sub3A : f32 to vector<4000xf32>
    %sub3A_6 = arith.subf %reduce_sum3A_4, %sub3A_5 : vector<4000xf32>
    %abs3A = math.absf %sub3A_6 : vector<4000xf32>
    %slice3A_7 = vector.extract_strided_slice %mul3A {offsets = [0, 64], sizes = [4000, 64], strides = [1, 1]} : vector<4000x128xf32> to vector<4000x64xf32>
    %reduce_sum3A_8 = arith.constant dense<0.000000e+00> : vector<4000xf32>
    %reduce_sum3A_9 = vector.multi_reduction <add>, %slice3A_7, %reduce_sum3A_8 [1] : vector<4000x64xf32> to vector<4000xf32>
    %sub3A_10 = arith.constant 1.000000e+06 : f32
    %sub3A_11 = vector.broadcast %sub3A_10 : f32 to vector<4000xf32>
    %sub3A_12 = arith.subf %reduce_sum3A_9, %sub3A_11 : vector<4000xf32>
    %abs3A_13 = math.absf %sub3A_12 : vector<4000xf32>
    %add3A = arith.addf %abs3A, %abs3A_13 : vector<4000xf32>
    %get3A_14 = arith.constant 0 : index
    %get3A_15 = arith.constant 0 : index
    %get3A_16 = memref.load %arg5[%get3A_14, %get3A_15] : memref<1x1xf32, #tpu.memory_space<smem>>
    %reduce_sum3A_17 = vector.shape_cast %add3A : vector<4000xf32> to vector<1x4000xf32>
    %reduce_sum3A_18 = arith.constant dense<0.000000e+00> : vector<1xf32>
    %reduce_sum3A_19 = vector.multi_reduction <add>, %reduce_sum3A_17, %reduce_sum3A_18 [1] : vector<1x4000xf32> to vector<1xf32>
    %reduce_sum3A_20 = vector.shape_cast %reduce_sum3A_19 : vector<1xf32> to vector<1x1xf32>
    %reduce_sum3A_21 = vector.extract %reduce_sum3A_20[0, 0] : f32 from vector<1x1xf32>
    %add3A_22 = arith.addf %get3A_16, %reduce_sum3A_21 : f32
    %swap3A = arith.constant 0 : index
    %swap3A_23 = arith.constant 0 : index
    %swap3A_24 = memref.load %arg5[%swap3A, %swap3A_23] : memref<1x1xf32, #tpu.memory_space<smem>>
    memref.store %add3A_22, %arg5[%swap3A, %swap3A_23] : memref<1x1xf32, #tpu.memory_space<smem>>
    %eq3A_25 = arith.constant 124 : i32
    %eq3A_26 = arith.cmpi eq, %arg0, %eq3A_25 : i32
    %convert_element_type3A_27 = arith.extui %eq3A_26 : i1 to i32
    %cond3A_28 = arith.constant 0 : i32
    %cond3A_29 = arith.cmpi ne, %convert_element_type3A_27, %cond3A_28 : i32
    scf.if %cond3A_29 {
      %get3A_30 = arith.constant 0 : index
      %get3A_31 = arith.constant 0 : index
      %get3A_32 = memref.load %arg5[%get3A_30, %get3A_31] : memref<1x1xf32, #tpu.memory_space<smem>>
      %swap3A_33 = arith.constant 0 : index
      %swap3A_34 = arith.constant 0 : index
      %swap3A_35 = memref.load %arg4[%swap3A_33, %swap3A_34] : memref<1x1xf32, #tpu.memory_space<smem>>
      memref.store %get3A_32, %arg4[%swap3A_33, %swap3A_34] : memref<1x1xf32, #tpu.memory_space<smem>>
    } else {
    }
    return
  }
  func.func @transform_0(%arg0: i32) -> (i32, i32) {
    %c0_i32 = arith.constant 0 : i32
    %c0_i32_0 = arith.constant 0 : i32
    return %arg0, %c0_i32 : i32, i32
  }
  func.func @transform_1(%arg0: i32) -> (i32, i32) {
    %c0_i32 = arith.constant 0 : i32
    %c0_i32_0 = arith.constant 0 : i32
    %c0_i32_1 = arith.constant 0 : i32
    return %c0_i32, %c0_i32_0 : i32, i32
  }
  func.func @transform_2(%arg0: i32) -> (i32, i32) {
    %c0_i32 = arith.constant 0 : i32
    %c0_i32_0 = arith.constant 0 : i32
    %c0_i32_1 = arith.constant 0 : i32
    return %c0_i32, %c0_i32_0 : i32, i32
  }
  func.func @transform_3(%arg0: i32) -> (i32, i32) {
    %c0_i32 = arith.constant 0 : i32
    %c0_i32_0 = arith.constant 0 : i32
    %c0_i32_1 = arith.constant 0 : i32
    return %c0_i32, %c0_i32_0 : i32, i32
  }
}

</mosaic_0001>

<sc_bundles>
// kernel: kernel.4.cloned.1.call-start
scs
__scs_entry_jumppad:
0x0: {  	(pc) =	sbr.rel $0x88, $3  }
0x1: {  	(tag) =	ssettag $0x0;
	lr =	simm.s32 $0x1  }
0x2: {  	[smem:$0x3F96] =	sst lr;
	_ =	strace $0xD0000000  }
0x3: {  	_ = 	snop  }
0x4: {  	_ = 	snop  }
0x5: {  	_ = 	snop  }
0x6: {  	_ = 	snop  }
0x7: {  	_ = 	snop  }
__scs_overlays_trampoline_lowered:
0x8: {  	[smem:$0x3FA5] =	sst s0  }
0x9: {  	[smem:$0x3FA6] =	sst s1  }
0xa: {  	[smem:$0x3FA7] =	sst s2  }
0xb: {  	[smem:$0x3FA8] =	sst s3  }
0xc: {  	[smem:$0x3FA9] =	sst s4  }
0xd: {  	[smem:$0x3FAA] =	sst s5  }
0xe: {  	[smem:$0x3FAB] =	sst s6  }
0xf: {  	[smem:$0x3FAC] =	sst s7  }
0x10: {  	[smem:$0x3FAD] =	sst s8  }
0x11: {  	[smem:$0x3FAE] =	sst s9;
	s0 =	simm.s32 @!p0 $0x0  }
0x12: {  	s1 =	sld [smem:$0x3F94];
	s0 =	simm.s32 @p0 $0x1  }
0x13: {  	[smem:$0x3FAF] =	sst s0;
	s0 =	simm.s32 @!p1 $0x0  }
0x14: {  	s2 =	sld [smem:$0x3F93];
	s0 =	simm.s32 @p1 $0x1  }
0x15: {  	[smem:$0x3FB0] =	sst s0;
	s0 =	simm.s32 @!p2 $0x0  }
0x16: {  	s3 =	sld [smem:$0x3FDB];
	s0 =	simm.s32 @p2 $0x1  }
0x17: {  	s4 =	simm.s32 $0x1BF5;
	[smem:$0x3FB2] =	sst s0  }
0x18: {  	s0 =	sld [smem:$0x3F95];
	_ =	swait.ge [sflag:s4], $0x0  }
0x19: {  	s7 =	sld [smem:$0x3F96]  }
0x1a: {  	s8 =	sadd.s32 $0xFFFFE003, lr  }
0x1b: {  	s9 =	sadd.s32 $0xFFFFFEF7, lr;
	s5 =	simm.s32 $0xFFFFFFFF;
	p2 =	slt.u32 s8, $0xFFFFF086  }
0x1c: {  	p1 =	slt.u32 s9, $0xF7A;
	s5 =	simm.s32 @!p2 $0x0  }
0x1d: {  	s5 =	simm.s32 @p1 $0x1;
	p0 =	seq.s32 s7, s2  }
0x1e: {  	s7 =	smul.u32 @!p0 $0xF7A, s2;
	p2 =	seq.s32 @!p0 s5, $0x0  }
0x1f: {  	s9 =	smul.u32 $0xF7A, s1;
	s8 =	simm.s32 @!p0 $0x1BF5;
	p2 =	por !p2, p0  }
0x20: {  	[sflag:s8] =	ssyncset.s32 @!p0 $0xFFFFF086;
	s6 =	sadd.s32 @!p0 s3, s7;
	s7 =	simm.s32 @!p0 $0x108  }
0x21: {  	s3 =	sadd.s32 s3, s9;
	s6 =	sadd.s32 @!p0 $0x88, s6;
	s7 =	simm.s32 @p2 $0x1082  }
0x22: {  	[simem:s7], [sflag:s8] =	dma.local @!p0 [hbm:s6], $0xF7A  }
0x23: {  	s9 =	sor.u32 $0xD0000000, s2;
	s6 =	simm.s32 $0x108;
	_ =	swait.ge @!p0 [sflag:s8], $0x0  }
0x24: {  	s3 =	sadd.s32 $0x88, s3;
	s6 =	simm.s32 @!p1 $0x1082;
	[sflag:s4] =	ssyncset.s32 $0xFFFFF086  }
0x25: {  	[simem:s6], [sflag:s4] =	dma.local [hbm:s3], $0xF7A  }
0x26: {  	[smem:$0x3F96] =	sst s1;
	(tag) =	ssettag s2;
	_ =	strace s9  }
0x27: {  	s1 =	sld [smem:$0x3FA6]  }
0x28: {  	s2 =	sld [smem:$0x3FA7]  }
0x29: {  	s4 =	sld [smem:$0x3FA9]  }
0x2a: {  	p0 =	seq.s32 s5, $0x0;
	s5 =	sld [smem:$0x3FAA]  }
0x2b: {  	s6 =	sld [smem:$0x3FAB]  }
0x2c: {  	s7 =	sld [smem:$0x3FAC]  }
0x2d: {  	s3 =	simm.s32 $0x108;
	s8 =	sld [smem:$0x3FAD]  }
0x2e: {  	s3 =	simm.s32 @!p0 $0x1082;
	s9 =	sld [smem:$0x3FAE]  }
0x2f: {  	lr =	sadd.s32 s0, s3;
	s0 =	sld [smem:$0x3FA5]  }
0x30: {  	s3 =	sld [smem:$0x3FA8]  }
0x31: {  	[smem:$0x3FB1] =	sst s10  }
0x32: {  	s10 =	sld [smem:$0x3FAF];
	_ =	sdelay $0x3  }
0x33: {  	p0 =	seq.s32 s10, $0x1;
	s10 =	sld [smem:$0x3FB1];
	_ =	sdelay $0x3  }
0x34: {  	[smem:$0x3FB1] =	sst s10  }
0x35: {  	s10 =	sld [smem:$0x3FB0];
	_ =	sdelay $0x3  }
0x36: {  	p1 =	seq.s32 s10, $0x1;
	s10 =	sld [smem:$0x3FB1];
	_ =	sdelay $0x3  }
0x37: {  	[smem:$0x3FB1] =	sst s10  }
0x38: {  	s10 =	sld [smem:$0x3FB2]  }
0x39: {  	_ = 	snop;
	(pc) =	sbr.ind lr, $3  }
0x3a: {  	_ = 	snop  }
0x3b: {  	_ = 	snop  }
0x3c: {  	p2 =	seq.s32 s10, $0x1;
	s10 =	sld [smem:$0x3FB1]  }
0x3d: {  	_ =	shalt  }
0x3e: {  	_ =	shalt  }
0x3f: {  	_ =	shalt  }
0x40: {  	_ =	shalt  }
0x41: {  	_ =	shalt  }
0x42: {  	_ =	shalt  }
0x43: {  	_ =	shalt  }
0x44: {  	_ =	shalt  }
0x45: {  	_ =	shalt  }
0x46: {  	_ =	shalt  }
0x47: {  	_ =	shalt  }
0x48: {  	_ =	shalt  }
0x49: {  	_ =	shalt  }
0x4a: {  	_ =	shalt  }
0x4b: {  	_ =	shalt  }
0x4c: {  	_ =	shalt  }
0x4d: {  	_ =	shalt  }
0x4e: {  	_ =	shalt  }
0x4f: {  	_ =	shalt  }
0x50: {  	_ =	shalt  }
0x51: {  	_ =	shalt  }
0x52: {  	_ =	shalt  }
0x53: {  	_ =	shalt  }
0x54: {  	_ =	shalt  }
0x55: {  	_ =	shalt  }
0x56: {  	_ =	shalt  }
0x57: {  	_ =	shalt  }
0x58: {  	_ =	shalt  }
0x59: {  	_ =	shalt  }
0x5a: {  	_ =	shalt  }
0x5b: {  	_ =	shalt  }
0x5c: {  	_ =	shalt  }
0x5d: {  	_ =	shalt  }
0x5e: {  	_ =	shalt  }
0x5f: {  	_ =	shalt  }
0x60: {  	_ =	shalt  }
0x61: {  	_ =	shalt  }
0x62: {  	_ =	shalt  }
0x63: {  	_ =	shalt  }
0x64: {  	_ =	shalt  }
0x65: {  	_ =	shalt  }
0x66: {  	_ =	shalt  }
0x67: {  	_ =	shalt  }
0x68: {  	_ =	shalt  }
0x69: {  	_ =	shalt  }
0x6a: {  	_ =	shalt  }
0x6b: {  	_ =	shalt  }
0x6c: {  	_ =	shalt  }
0x6d: {  	_ =	shalt  }
0x6e: {  	_ =	shalt  }
0x6f: {  	_ =	shalt  }
0x70: {  	_ =	shalt  }
0x71: {  	_ =	shalt  }
0x72: {  	_ =	shalt  }
0x73: {  	_ =	shalt  }
0x74: {  	_ =	shalt  }
0x75: {  	_ =	shalt  }
0x76: {  	_ =	shalt  }
0x77: {  	_ =	shalt  }
0x78: {  	_ =	shalt  }
0x79: {  	_ =	shalt  }
0x7a: {  	_ =	shalt  }
0x7b: {  	_ =	shalt  }
0x7c: {  	_ =	shalt  }
0x7d: {  	_ =	shalt  }
0x7e: {  	_ =	shalt  }
0x7f: {  	_ =	shalt  }
0x80: {  	_ =	shalt  }
0x81: {  	_ =	shalt  }
0x82: {  	_ =	shalt  }
0x83: {  	_ =	shalt  }
0x84: {  	_ =	shalt  }
0x85: {  	_ =	shalt  }
0x86: {  	_ =	shalt  }
0x87: {  	_ =	shalt  }
.Lfunc_end0:
.L_simem_size_0:
called_computation_lowered:
.L_overlay_start_0:
0x88: {  	s2 =	sld [smem:$0x3FD9]  }
0x89: {  	s3 =	sld [smem:$0x3FFE];
	_ =	sdelay $0x1  }
0x8a: {  	s1 =	srdreg.scid  }
0x8b: {  	s0 =	sand.u32 $0x1, s1  }
0x8c: {  	s17 =	sshll.u32 s0, $0xA;
	s2 =	sadd.s32 s3, s2  }
0x8d: {  	s2 =	sadd.s32 s2, s17  }
0x8e: {  	[smem:$0x3FBD] =	sst s2  }
0x8f: {  	_ = 	snop  }
0x90: {  	s2 =	sld [smem:$0x3FC9]  }
0x91: {  	s18 =	sld [smem:$0x3FC8]  }
0x92: {  	s4 =	sld [smem:$0x3FC7]  }
0x93: {  	s5 =	sld [smem:$0x3FC6]  }
0x94: {  	s6 =	sld [smem:$0x3FC5]  }
0x95: {  	s7 =	sld [smem:$0x3FC4];
	(tm) =	ssettm $0x1  }
0x96: {  	s8 =	sld [smem:$0x3FFB];
	_ =	sdelay $0x3  }
0x97: {  	_ =	strace s8  }
0x98: {  	s8 =	sld [smem:$0x3FFC];
	_ =	sdelay $0x3  }
0x99: {  	_ =	strace s8  }
0x9a: {  	s8 =	sld [smem:$0x3FFD];
	_ =	sdelay $0x3  }
0x9b: {  	_ =	strace s8  }
0x9c: {  	_ =	strace $0x8FFFFFFF  }
0x9d: {  	s19 =	sld [smem:$0x3FDB];
	_ =	sdelay $0x1  }
0x9e: {  	s9 =	simm.s32 $_scs_section_size  }
0x9f: {  	s10 =	simm.s32 $_size__tile_overlayer_lowered;
	s11 =	simm.s32 $_tile_overlayer_lowered  }
0xa0: {  	s22 =	simm.s32 $0x1BFF;
	s21 =	sshll.u32 s11, $0x1;
	s8 =	sadd.s32 s9, s19  }
0xa1: {  	s12 =	simm.s32 $0x0;
	s20 =	sshll.u32 s10, $0x1;
	s10 =	sadd.s32 s21, s8  }
0xa2: {  	[timem:s12], [sflag:s22] =	dma.local [hbm:s10], s20  }
0xa3: {  	_ =	swait.ge [sflag:s22], s20  }
0xa4: {  	s9 =	ssub.s32 $0x0, s20;
	[sflag:s22] =	ssyncset.done $0x0  }
0xa5: {  	[sflag:s22] =	ssyncadd.s32 s9;
	_ =	sdelay $0x1  }
0xa6: {  	s23 =	simm.s32 $0x1B8B  }
0xa7: {  	_ =	swait.ge [sflag:s23], $0x1  }
0xa8: {  	[sflag:s23] =	ssyncset.done $0x0  }
0xa9: {  	s25 =	simm.s32 $0x1B8E;
	s24 =	sld [smem:$0x3FFE];
	[sflag:s23] =	ssyncadd.s32 $0xFFFFFFFF  }
0xaa: {  	s26 =	simm.s32 $execute0_lowered;
	[smem:$0x3FD2] =	sst s25  }
0xab: {  	s10 =	sshll.u32 s26, $0x1;
	_ =	strace $0x80000046;
	[dreg:$0x1] =	wrdreg $0xFFFFFFFF  }
0xac: {  	s28 =	simm.s32 $_size_execute0_lowered;
	s8 =	sadd.s32 s8, s10;
	[dreg:$0x0] =	wrdreg $0x0  }
0xad: {  	s10 =	sshll.u32 s28, $0x1;
	[dreg:$0x2] =	wrdreg s8  }
0xae: {  	[dreg:$0x3] =	wrdreg s10  }
0xaf: {  	[dreg:$0x4] =	wrdreg $0xC0  }
0xb0: {  	_ =	task [dreg:s12], $0x5FFFF  }
0xb1: {  	[dreg:$0x1] =	wrdreg $0xFFFFFFFF  }
0xb2: {  	[dreg:$0x0] =	wrdreg $0x60  }
0xb3: {  	[dreg:$0x2] =	wrdreg s2  }
0xb4: {  	[dreg:$0x3] =	wrdreg s4  }
0xb5: {  	[dreg:$0x4] =	wrdreg s18  }
0xb6: {  	[dreg:$0x5] =	wrdreg s5  }
0xb7: {  	[dreg:$0x6] =	wrdreg s7  }
0xb8: {  	[dreg:$0x7] =	wrdreg s6  }
0xb9: {  	[dreg:$0x8] =	wrdreg s24  }
0xba: {  	[dreg:$0x9] =	wrdreg $0x9  }
0xbb: {  	_ =	task.clear_ibuf [dreg:s12], $0xAFFFF;
	_ =	strace $0x90000046  }
0xbc: {  	s29 =	simm.s32 $0x9;
	_ =	strace $0x80000048  }
0xbd: {  	_ =	swait.ge [sflag:s29], $0x1  }
0xbe: {  	[sflag:s29] =	ssyncadd.s32 $0xFFFFFFFF  }
0xbf: {  	_ =	strace $0x90000048  }
0xc0: {  	_ =	sfence  }
0xc1: {  	s30 =	sld [smem:$0x0];
	_ =	sdelay $0x2  }
0xc2: {  	s31 =	sshll.u32 s1, $0xD;
	s1 =	sshrl.u32 s1, $0x2  }
0xc3: {  	s3 =	sand.u32 $0x4000, s31;
	s1 =	sadd.s32 s1, s30  }
0xc4: {  	s0 =	sor.u32 s3, s0;
	s1 =	sshll.u32 s1, $0x11  }
0xc5: {  	s0 =	sor.u32 s1, s0  }
0xc6: {  	s0 =	sadd.s32 $0x8F2B, s0  }
0xc7: {  	[sflag:s0] =	ssyncadd.remote.s32 $0x1  }
0xc8: {  	_ =	sfence.sel $0xFFFF  }
0xc9: {  	[dreg:$0x0] =	wrdreg $0xFFFFFFFF;
	(pc) =	sbr.abs _section_cstart, $3  }
0xca: {  	[dreg:$0x1] =	wrdreg $0xFFFFFFFF  }
0xcb: {  	_ =	task.clear_ibuf [dreg:s12], $0x2FFFF;
	_ =	strace $0x9FFFFFFF  }
0xcc: {  	(tm) =	ssettm $0x7FFFFFFF  }
0xcd: {  	_ =	shalt  }
tec
execute0_lowered:
.L_overlay_start_1:
0x0: {  	(tag) =	ssettag $0x1  }
0x1: {  	s0 =	rddreg [dreg:$0x0]  }
0x2: {  	s2 =	rddreg [dreg:$0x1]  }
0x3: {  	s3 =	rddreg [dreg:$0x2]  }
0x4: {  	s4 =	rddreg [dreg:$0x3]  }
0x5: {  	s5 =	rddreg [dreg:$0x4];
	s1 =	srdreg.scid  }
0x6: {  	s8 =	stileid.u32;
	s6 =	rddreg [dreg:$0x5]  }
0x7: {  	s13 =	rddreg [dreg:$0x6];
	s7 =	sand.u32 $0x1, s1;
	s8 =	sshll.u32 s8, $0x1  }
0x8: {  	s1 =	simm.s32 $0x0;
	s28 =	sadd.s32 $0xF42E00, s13;
	s8 =	sor.u32 s7, s8  }
0x9: {  	s29 =	sadd.s32 $0x16E4000, s13;
	s30 =	sadd.s32 $0x16EA000, s13;
	s10 =	sshll.u32 s8, $0x6  }
0xa: {  	s7 =	ssub.s32 $0x2, s7;
	[smem:$0x7FF] =	sst s1;
	s15 =	sadd.s32 s0, s10  }
0xb: {  	s9 =	sshrl.u32 s7, $0x1;
	s16 =	sadd.s32 s2, s10;
	[dreg:$0x8] =	wrdreg s15  }
0xc: {  	s8 =	sshll.u32 s8, $0x1;
	s17 =	sadd.s32 s3, s10;
	[dreg:$0x9] =	wrdreg s16  }
0xd: {  	s7 =	ssub.s32 s7, s9;
	s18 =	sadd.s32 s4, s10;
	[dreg:$0xa] =	wrdreg s17  }
0xe: {  	s19 =	sadd.s32 s5, s10;
	s20 =	sadd.s32 s6, s10;
	[dreg:$0xb] =	wrdreg s18  }
0xf: {  	s21 =	sor.u32 $0x10, s10;
	s26 =	sor.u32 $0x20, s10;
	[dreg:$0xc] =	wrdreg s19  }
0x10: {  	s12 =	sor.u32 $0x30, s10;
	[dreg:$0xd] =	wrdreg s20;
	s11 =	sadd.s32 s0, s21  }
0x11: {  	s22 =	sadd.s32 s2, s21;
	s23 =	sadd.s32 s3, s21;
	s24 =	sadd.s32 s4, s21  }
0x12: {  	s25 =	sadd.s32 s5, s21;
	s9 =	sadd.s32 s6, s21;
	s14 =	sadd.s32 s0, s26  }
0x13: {  	s15 =	sadd.s32 s2, s26;
	s16 =	sadd.s32 s3, s26;
	[dreg:$0xe] =	wrdreg s11  }
0x14: {  	s17 =	sadd.s32 s4, s26;
	s18 =	sadd.s32 s5, s26;
	[dreg:$0xf] =	wrdreg s22  }
0x15: {  	s19 =	sadd.s32 s6, s26;
	s21 =	sadd.s32 s0, s12;
	[dreg:$0x10] =	wrdreg s23  }
0x16: {  	s26 =	sadd.s32 s6, s12;
	s20 =	sadd.s32 s8, s13;
	[dreg:$0x11] =	wrdreg s24  }
0x17: {  	s0 =	simm.s32 $0x2;
	s6 =	simm.s32 $0x4180;
	[dreg:$0x12] =	wrdreg s25  }
0x18: {  	s8 =	simm.s32 $0x1;
	[dreg:$0x13] =	wrdreg s9;
	s22 =	sadd.s32 s2, s12  }
0x19: {  	s23 =	sadd.s32 s3, s12;
	s24 =	sadd.s32 s4, s12;
	s25 =	sadd.s32 s5, s12  }
0x1a: {  	s31 =	sadd.s32 $0x16EC000, s20;
	s20 =	smax.u32 s7, $0x1;
	s2 =	simm.s32 $0x80  }
0x1b: {  	v0 =	vlaneseq.u32;
	s3 =	simm.s32 $0x100;
	s4 =	simm.s32 $0x180;
	s5 =	simm.s32 $0x2180  }
0x1c: {  	v0 =	vmul.u32 $0x40, v0;
	s7 =	simm.s32 $0x6180;
	s9 =	simm.s32 $0x0;
	_ =	strace $0x80000047  }
.LBB2_1:
0x1d: {  	s10 =	rddreg [dreg:$0x8]  }
0x1e: {  	[tilespmem:s1], [sflag:$0x2] =	stream.linear.gather [hbm4b:s10+s1], $0x80, $0x38;
	[tilespmem:$0x8210] =	vst v63  }
0x1f: {  	_ =	swait.ge [sflag:s0], $0x80  }
0x20: {  	[sflag:s0] =	ssyncset.done $0x0  }
0x21: {  	s12 =	rddreg [dreg:$0x9];
	[sflag:s0] =	ssyncadd.s32 $0xFFFFFF80  }
0x22: {  	[tilespmem:s2], [sflag:$0x2] =	stream.linear.gather [hbm4b:s12+s1], $0x80, $0x38;
	[tilespmem:$0x8210] =	vst v63  }
0x23: {  	_ =	swait.ge [sflag:s0], $0x80  }
0x24: {  	[sflag:s0] =	ssyncset.done $0x0  }
0x25: {  	s13 =	rddreg [dreg:$0xa];
	[sflag:s0] =	ssyncadd.s32 $0xFFFFFF80  }
0x26: {  	[tilespmem:s3], [sflag:$0x2] =	stream.linear.gather [hbm4b:s13+s1], $0x80, $0x38;
	[tilespmem:$0x8210] =	vst v63  }
0x27: {  	_ =	swait.ge [sflag:s0], $0x80  }
0x28: {  	[sflag:s0] =	ssyncset.done $0x0  }
0x29: {  	[sflag:s0] =	ssyncadd.s32 $0xFFFFFF80  }
0x2a: {  	[tilespmem:s4], [sflag:$0x1] =	stream.indirect.gather [hbm4b:s28+s2], $0x40, s1, s2, $0xb8;
	[tilespmem:$0x8210] =	vst v63  }
0x2b: {  	_ = 	snop  }
0x2c: {  	[tilespmem:s5], [sflag:$0x1] =	stream.indirect.gather [hbm4b:s28+s2], $0x40, s2, s2, $0xb8;
	[tilespmem:$0x8210] =	vst v63  }
0x2d: {  	_ = 	snop  }
0x2e: {  	[tilespmem:s6], [sflag:$0x1] =	stream.indirect.gather [hbm4b:s29+s2], $0x40, s3, s2, $0xb8;
	[tilespmem:$0x8210] =	vst v63  }
0x2f: {  	_ = 	snop  }
0x30: {  	[tilespmem:s7], [sflag:$0x1] =	stream.indirect.gather [hbm4b:s30+s2], $0x40, s3, s2, $0xb8;
	[tilespmem:$0x8210] =	vst v63  }
0x31: {  	_ =	swait.ge [sflag:s8], $0x2000  }
0x32: {  	[sflag:s8] =	ssyncset.done $0x0  }
0x33: {  	[sflag:s8] =	ssyncadd.s32 $0xFFFFE000  }
0x34: {  	_ =	swait.ge [sflag:s8], $0x2000  }
0x35: {  	[sflag:s8] =	ssyncset.done $0x0  }
0x36: {  	[sflag:s8] =	ssyncadd.s32 $0xFFFFE000  }
0x37: {  	_ =	swait.ge [sflag:s8], $0x2000  }
0x38: {  	[sflag:s8] =	ssyncset.done $0x0  }
0x39: {  	[sflag:s8] =	ssyncadd.s32 $0xFFFFE000  }
0x3a: {  	_ =	swait.ge [sflag:s8], $0x2000  }
0x3b: {  	[sflag:s8] =	ssyncset.done $0x0  }
0x3c: {  	s10 =	simm.s32 $0x0;
	[sflag:s8] =	ssyncadd.s32 $0xFFFFE000  }
.LBB2_2:
0x3d: {  	s12 =	simm.s32 $0x0  }
0x3e: {  	s11 =	sshll.u32 s10, $0x4;
	v1 =	vmov s12  }
0x3f: {  	v2 =	vmov s11;
	v1 =	vand.u32 $0x3F, v1  }
0x40: {  	v2 =	vshll.u32 v2, $0x6;
	v3 =	vbroadcast v1, $0x0  }
0x41: {  	v1 =	vor.u32 v0, v2  }
0x42: {  	v3 =	vor.u32 v1, v3;
	_ =	sdelay $0x4  }
0x43: {  	v2 =	vld.idx.msk [tilespmem:v3+s5+$0x0], $0xffff  }
0x44: {  	s13 =	simm.s32 $0x1;
	v4 =	vld.idx.msk [tilespmem:v3+s4+$0x0], $0xffff  }
0x45: {  	v5 =	vmov s13  }
0x46: {  	v5 =	vand.u32 $0x3F, v5;
	v7 =	vld.idx.msk [tilespmem:v3+s6+$0x0], $0xffff  }
0x47: {  	v5 =	vbroadcast v5, $0x0;
	_ =	sdelay $0x1  }
0x48: {  	v6 =	vor.u32 v1, v5;
	v5 =	vsub.f32 v4, v2;
	_ =	sdelay $0x1  }
0x49: {  	v5 =	vadd.f32 v7, v5;
	_ =	sdelay $0x1  }
0x4a: {  	v8 =	vld.idx.msk [tilespmem:v3+s7+$0x0], $0xffff;
	[tilespmem:v3+s4+$0x0] =	vst.idx.msk $0xffff, v5  }
0x4b: {  	v7 =	vld.idx.msk [tilespmem:v6+s5+$0x0], $0xffff  }
0x4c: {  	s13 =	simm.s32 $0x2;
	v9 =	vld.idx.msk [tilespmem:v6+s4+$0x0], $0xffff  }
0x4d: {  	v10 =	vimm.f32 $0.0e+00;
	v5 =	vmov s13  }
0x4e: {  	s12 =	simm.s32 $0x3;
	v3 =	vimm.f32 $0.0e+00;
	v11 =	vld.idx.msk [tilespmem:v6+s6+$0x0], $0xffff;
	v12 =	vand.u32 $0x3F, v5;
	v5 =	vimm.f32 $0.0e+00  }
.LBB2_3:
0x4f: {  	p0 =	sne.s32 s12, $0x3F;
	v12 =	vbroadcast v12, $0x0;
	v14 =	vmul.f32 v8, v4  }
0x50: {  	v13 =	vmul.f32 v8, v2;
	v8 =	vmul.f32 v8, v8;
	v2 =	vmov v7  }
0x51: {  	v7 =	vsub.f32 v9, v2;
	v4 =	vmovc v9;
	v12 =	vor.u32 v1, v12;
	v3 =	vadd.f32 v14, v3  }
0x52: {  	v5 =	vadd.f32 v13, v5;
	v10 =	vadd.f32 v8, v10  }
0x53: {  	v7 =	vadd.f32 v11, v7;
	_ =	sdelay $0x1  }
0x54: {  	v8 =	vld.idx.msk [tilespmem:v6+s7+$0x0], $0xffff;
	[tilespmem:v6+s4+$0x0] =	vst.idx.msk $0xffff, v7;
	v6 =	vmov v12  }
.Ltmp0:
0x55: {  	v7 =	vld.idx.msk [tilespmem:v12+s5+$0x0], $0xffff;
	(pc) =	sbr.rel @p0 .LBB2_3-.Ltmp0, $3  }
0x56: {  	v9 =	vld.idx.msk [tilespmem:v12+s4+$0x0], $0xffff;
	_ =	sdelay $0x1  }
0x57: {  	v13 =	vmov s12;
	v11 =	vld.idx.msk [tilespmem:v12+s6+$0x0], $0xffff  }
0x58: {  	s12 =	sadd.s32 $0x1, s12;
	v12 =	vand.u32 $0x3F, v13  }
0x59: {  	v12 =	vbroadcast v12, $0x0;
	_ =	sdelay $0x1  }
0x5a: {  	v13 =	vsub.f32 v9, v7;
	v12 =	vor.u32 v1, v12;
	_ =	sdelay $0x1  }
0x5b: {  	v11 =	vadd.f32 v11, v13  }
0x5c: {  	v63 =	vld.idx.msk [tilespmem:v6+s7+$0x0], $0xffff  }
0x5d: {  	[tilespmem:v6+s4+$0x0] =	vst.idx.msk $0xffff, v11  }
0x5e: {  	v6 =	vld.idx.msk [tilespmem:v12+s7+$0x0], $0xffff  }
0x5f: {  	v11 =	vmul.f32 v8, v8;
	_ =	sdelay $0x1  }
0x60: {  	v10 =	vadd.f32 v11, v10;
	v11 =	vmul.f32 v63, v63  }
0x61: {  	v14 =	vld.idx.msk [tilespmem:v12+s5+$0x0], $0xffff  }
0x62: {  	v15 =	vld.idx.msk [tilespmem:v12+s4+$0x0], $0xffff;
	v10 =	vadd.f32 v11, v10;
	v11 =	vmul.f32 v6, v6  }
0x63: {  	s12 =	simm.s32 $0x0;
	v4 =	vmul.f32 v8, v4  }
0x64: {  	v2 =	vmul.f32 v8, v2;
	v16 =	vmov s12;
	v10 =	vadd.f32 v11, v10;
	v11 =	vld.idx.msk [tilespmem:v12+s6+$0x0], $0xffff  }
0x65: {  	v3 =	vadd.f32 v4, v3;
	v8 =	vand.u32 $0x3F, v16;
	v4 =	vmul.f32 v63, v9  }
0x66: {  	v8 =	vbroadcast v8, $0x0;
	(erf) = vrcp.f32 v10  }
0x67: {  	v2 =	vadd.f32 v2, v5;
	v5 =	vmul.f32 v63, v7;
	v7 =	vsub.f32 v15, v14  }
0x68: {  	v3 =	vadd.f32 v4, v3;
	v4 =	vor.u32 v1, v8  }
0x69: {  	s13 =	simm.s32 $0x1;
	v2 =	vadd.f32 v5, v2;
	v5 =	vadd.f32 v11, v7;
	v7 =	vmul.f32 v6, v15  }
0x6a: {  	v8 =	vmov s13;
	v6 =	vmul.f32 v6, v14  }
0x6b: {  	v8 =	vand.u32 $0x3F, v8;
	v3 =	vadd.f32 v7, v3  }
0x6c: {  	[tilespmem:v12+s4+$0x0] =	vst.idx.msk $0xffff, v5;
	v2 =	vadd.f32 v6, v2;
	v5 =	vbroadcast v8, $0x0  }
0x6d: {  	v6 =	vld.idx.msk [tilespmem:v4+s7+$0x0], $0xffff  }
0x6e: {  	s13 =	simm.s32 $0x2;
	v2 =	vsub.f32 v3, v2;
	v5 =	vor.u32 v1, v5  }
0x6f: {  	v7 =	vld.idx.msk [tilespmem:v4+s4+$0x0], $0xffff;
	v4 =	vmov s13;
	v3 =	vpop (erf)  }
0x70: {  	v2 =	vmul.f32 v3, v2;
	v3 =	vand.u32 $0x3F, v4  }
0x71: {  	v3 =	vbroadcast v3, $0x0  }
0x72: {  	v8 =	vmul.f32 v6, v2  }
0x73: {  	v4 =	vld.idx.msk [tilespmem:v5+s7+$0x0], $0xffff;
	v6 =	vor.u32 v1, v3  }
0x74: {  	s12 =	simm.s32 $0x3;
	v5 =	vld.idx.msk [tilespmem:v5+s4+$0x0], $0xffff;
	v3 =	vimm.f32 $0.0e+00;
	v8 =	vsub.f32 v7, v8;
	v7 =	vmov v6  }
.LBB2_5:
0x75: {  	v9 =	vmov s12;
	p0 =	sne.s32 s12, $0x3F;
	s12 =	sadd.s32 $0x1, s12  }
.Ltmp1:
0x76: {  	v9 =	vand.u32 $0x3F, v9;
	v8 =	vand.u32 $0x7FFFFFFF, v8;
	(pc) =	sbr.rel @p0 .LBB2_5-.Ltmp1, $4  }
0x77: {  	v9 =	vbroadcast v9, $0x0;
	v3 =	vadd.f32 v8, v3  }
0x78: {  	v8 =	vmul.f32 v4, v2;
	v4 =	vld.idx.msk [tilespmem:v6+s7+$0x0], $0xffff  }
0x79: {  	v6 =	vor.u32 v1, v9  }
0x7a: {  	v8 =	vsub.f32 v5, v8;
	v5 =	vld.idx.msk [tilespmem:v7+s4+$0x0], $0xffff;
	v7 =	vmov v6  }
0x7b: {  	_ =	sdelay $0x3  }
0x7c: {  	v1 =	vld.idx.msk [tilespmem:v6+s7+$0x0], $0xffff;
	_ =	sdelay $0x1  }
0x7d: {  	v62 =	vld.idx.msk [tilespmem:v7+s4+$0x0], $0xffff  }
0x7e: {  	v4 =	vmul.f32 v4, v2;
	_ =	sdelay $0x1  }
0x7f: {  	v63 =	vand.u32 $0x7FFFFFFF, v8;
	v4 =	vsub.f32 v5, v4;
	v1 =	vmul.f32 v1, v2  }
0x80: {  	v2 =	vadd.f32 v63, v3  }
0x81: {  	v3 =	vand.u32 $0x7FFFFFFF, v4;
	v1 =	vsub.f32 v62, v1  }
0x82: {  	v2 =	vadd.f32 v3, v2  }
0x83: {  	v1 =	vand.u32 $0x7FFFFFFF, v1  }
0x84: {  	s10 =	sadd.s32 $0x1, s10;
	v1 =	vadd.f32 v1, v2  }
0x85: {  	p0 =	sne.s32 s10, $0x8  }
.Ltmp2:
0x86: {  	v1 =	vmul.f32 v1, v1;
	(pc) =	sbr.rel @p0 .LBB2_2-.Ltmp2, $3  }
0x87: {  	_ = 	snop  }
0x88: {  	v1 =	vsub.f32 $0.0e+00, v1;
	_ =	sdelay $0x1  }
0x89: {  	[tilespmem:s11+$0x8180] =	vst v1  }
0x8a: {  	s10 =	simm.s32 $0x0;
	s11 =	rddreg [dreg:$0xb]  }
0x8b: {  	[tilespmem:s10], [sflag:$0x2] =	stream.linear.gather [hbm4b:s11+s10], $0x80, $0x38;
	[tilespmem:$0x8210] =	vst v63  }
0x8c: {  	_ =	swait.ge [sflag:s0], $0x80  }
0x8d: {  	[sflag:s0] =	ssyncset.done $0x0  }
0x8e: {  	s12 =	rddreg [dreg:$0xc];
	[sflag:s0] =	ssyncadd.s32 $0xFFFFFF80  }
0x8f: {  	[tilespmem:s2], [sflag:$0x2] =	stream.linear.gather [hbm4b:s12+s10], $0x80, $0x38;
	[tilespmem:$0x8210] =	vst v63  }
0x90: {  	_ =	swait.ge [sflag:s0], $0x80  }
0x91: {  	[sflag:s0] =	ssyncset.done $0x0  }
0x92: {  	s13 =	rddreg [dreg:$0xd];
	[sflag:s0] =	ssyncadd.s32 $0xFFFFFF80  }
0x93: {  	[tilespmem:s3], [sflag:$0x2] =	stream.linear.gather [hbm4b:s13+s10], $0x80, $0x38;
	[tilespmem:$0x8210] =	vst v63  }
0x94: {  	_ =	swait.ge [sflag:s0], $0x80  }
0x95: {  	[sflag:s0] =	ssyncset.done $0x0  }
0x96: {  	[sflag:s0] =	ssyncadd.s32 $0xFFFFFF80  }
0x97: {  	[tilespmem:s4], [sflag:$0x1] =	stream.indirect.gather [hbm4b:s28+s2], $0x40, s10, s2, $0xb8;
	[tilespmem:$0x8210] =	vst v63  }
0x98: {  	_ = 	snop  }
0x99: {  	[tilespmem:s5], [sflag:$0x1] =	stream.indirect.gather [hbm4b:s28+s2], $0x40, s2, s2, $0xb8;
	[tilespmem:$0x8210] =	vst v63  }
0x9a: {  	_ = 	snop  }
0x9b: {  	[tilespmem:s6], [sflag:$0x1] =	stream.indirect.gather [hbm4b:s29+s2], $0x40, s3, s2, $0xb8;
	[tilespmem:$0x8210] =	vst v63  }
0x9c: {  	_ = 	snop  }
0x9d: {  	[tilespmem:s7], [sflag:$0x1] =	stream.indirect.gather [hbm4b:s30+s2], $0x40, s3, s2, $0xb8;
	[tilespmem:$0x8210] =	vst v63  }
0x9e: {  	_ =	swait.ge [sflag:s8], $0x2000  }
0x9f: {  	[sflag:s8] =	ssyncset.done $0x0  }
0xa0: {  	[sflag:s8] =	ssyncadd.s32 $0xFFFFE000  }
0xa1: {  	_ =	swait.ge [sflag:s8], $0x2000  }
0xa2: {  	[sflag:s8] =	ssyncset.done $0x0  }
0xa3: {  	[sflag:s8] =	ssyncadd.s32 $0xFFFFE000  }
0xa4: {  	_ =	swait.ge [sflag:s8], $0x2000  }
0xa5: {  	[sflag:s8] =	ssyncset.done $0x0  }
0xa6: {  	[sflag:s8] =	ssyncadd.s32 $0xFFFFE000  }
0xa7: {  	_ =	swait.ge [sflag:s8], $0x2000  }
0xa8: {  	[sflag:s8] =	ssyncset.done $0x0  }
0xa9: {  	v1 =	vimm.f32 $0.0e+00;
	s11 =	simm.s32 $0x0;
	[sflag:s8] =	ssyncadd.s32 $0xFFFFE000  }
.LBB2_8:
0xaa: {  	s12 =	sshll.u32 s11, $0x4;
	v2 =	vmov s10  }
0xab: {  	v3 =	vmov s12;
	v2 =	vand.u32 $0x3F, v2  }
0xac: {  	v3 =	vshll.u32 v3, $0x6;
	v4 =	vbroadcast v2, $0x0  }
0xad: {  	v2 =	vor.u32 v0, v3  }
0xae: {  	v5 =	vor.u32 v2, v4;
	_ =	sdelay $0x4  }
0xaf: {  	v3 =	vld.idx.msk [tilespmem:v5+s5+$0x0], $0xffff  }
0xb0: {  	s13 =	simm.s32 $0x1;
	v4 =	vld.idx.msk [tilespmem:v5+s4+$0x0], $0xffff  }
0xb1: {  	v6 =	vmov s13  }
0xb2: {  	v6 =	vand.u32 $0x3F, v6;
	v8 =	vld.idx.msk [tilespmem:v5+s6+$0x0], $0xffff  }
0xb3: {  	v6 =	vbroadcast v6, $0x0;
	_ =	sdelay $0x1  }
0xb4: {  	v7 =	vor.u32 v2, v6;
	v6 =	vsub.f32 v4, v3;
	_ =	sdelay $0x1  }
0xb5: {  	v6 =	vadd.f32 v8, v6;
	_ =	sdelay $0x1  }
0xb6: {  	v9 =	vld.idx.msk [tilespmem:v5+s7+$0x0], $0xffff;
	[tilespmem:v5+s4+$0x0] =	vst.idx.msk $0xffff, v6  }
0xb7: {  	v8 =	vld.idx.msk [tilespmem:v7+s5+$0x0], $0xffff  }
0xb8: {  	s13 =	simm.s32 $0x2;
	v10 =	vld.idx.msk [tilespmem:v7+s4+$0x0], $0xffff  }
0xb9: {  	v11 =	vimm.f32 $0.0e+00;
	v5 =	vmov s13  }
0xba: {  	s13 =	simm.s32 $0x3;
	v6 =	vimm.f32 $0.0e+00;
	v13 =	vand.u32 $0x3F, v5;
	v12 =	vld.idx.msk [tilespmem:v7+s6+$0x0], $0xffff;
	v5 =	vimm.f32 $0.0e+00  }
.LBB2_9:
0xbb: {  	p0 =	sne.s32 s13, $0x3F;
	v13 =	vbroadcast v13, $0x0;
	v15 =	vmul.f32 v9, v4  }
0xbc: {  	v14 =	vmul.f32 v9, v3;
	v9 =	vmul.f32 v9, v9;
	v3 =	vmov v8  }
0xbd: {  	v8 =	vsub.f32 v10, v3;
	v4 =	vmovc v10;
	v13 =	vor.u32 v2, v13;
	v6 =	vadd.f32 v15, v6  }
0xbe: {  	v5 =	vadd.f32 v14, v5;
	v11 =	vadd.f32 v9, v11  }
0xbf: {  	v8 =	vadd.f32 v12, v8;
	_ =	sdelay $0x1  }
0xc0: {  	v9 =	vld.idx.msk [tilespmem:v7+s7+$0x0], $0xffff;
	[tilespmem:v7+s4+$0x0] =	vst.idx.msk $0xffff, v8;
	v7 =	vmov v13  }
.Ltmp3:
0xc1: {  	v8 =	vld.idx.msk [tilespmem:v13+s5+$0x0], $0xffff;
	(pc) =	sbr.rel @p0 .LBB2_9-.Ltmp3, $3  }
0xc2: {  	v10 =	vld.idx.msk [tilespmem:v13+s4+$0x0], $0xffff;
	_ =	sdelay $0x1  }
0xc3: {  	v14 =	vmov s13;
	v12 =	vld.idx.msk [tilespmem:v13+s6+$0x0], $0xffff  }
0xc4: {  	s13 =	sadd.s32 $0x1, s13;
	v13 =	vand.u32 $0x3F, v14  }
0xc5: {  	v13 =	vbroadcast v13, $0x0;
	_ =	sdelay $0x1  }
0xc6: {  	v14 =	vsub.f32 v10, v8;
	v13 =	vor.u32 v2, v13;
	_ =	sdelay $0x1  }
0xc7: {  	v12 =	vadd.f32 v12, v14  }
0xc8: {  	v59 =	vld.idx.msk [tilespmem:v7+s7+$0x0], $0xffff  }
0xc9: {  	[tilespmem:v7+s4+$0x0] =	vst.idx.msk $0xffff, v12  }
0xca: {  	v7 =	vld.idx.msk [tilespmem:v13+s7+$0x0], $0xffff  }
0xcb: {  	v60 =	vmul.f32 v9, v9;
	_ =	sdelay $0x1  }
0xcc: {  	v11 =	vadd.f32 v60, v11;
	v61 =	vmul.f32 v59, v59  }
0xcd: {  	v15 =	vld.idx.msk [tilespmem:v13+s5+$0x0], $0xffff  }
0xce: {  	s13 =	simm.s32 $0x0;
	v11 =	vadd.f32 v61, v11;
	v16 =	vld.idx.msk [tilespmem:v13+s4+$0x0], $0xffff;
	v62 =	vmul.f32 v7, v7  }
0xcf: {  	v4 =	vmul.f32 v9, v4;
	v17 =	vmov s13  }
0xd0: {  	v3 =	vmul.f32 v9, v3;
	v9 =	vand.u32 $0x3F, v17;
	v63 =	vld.idx.msk [tilespmem:v13+s6+$0x0], $0xffff;
	v11 =	vadd.f32 v62, v11  }
0xd1: {  	v9 =	vbroadcast v9, $0x0  }
0xd2: {  	v4 =	vadd.f32 v4, v6;
	v6 =	vmul.f32 v59, v10;
	(erf) = vrcp.f32 v11  }
0xd3: {  	v3 =	vadd.f32 v3, v5;
	v5 =	vmul.f32 v59, v8;
	v8 =	vsub.f32 v16, v15  }
0xd4: {  	v4 =	vadd.f32 v6, v4;
	v6 =	vor.u32 v2, v9  }
0xd5: {  	s13 =	simm.s32 $0x1;
	v3 =	vadd.f32 v5, v3;
	v5 =	vadd.f32 v63, v8;
	v8 =	vmul.f32 v7, v16  }
0xd6: {  	v9 =	vmov s13;
	v7 =	vmul.f32 v7, v15  }
0xd7: {  	v9 =	vand.u32 $0x3F, v9;
	v4 =	vadd.f32 v8, v4  }
0xd8: {  	[tilespmem:v13+s4+$0x0] =	vst.idx.msk $0xffff, v5;
	v3 =	vadd.f32 v7, v3;
	v5 =	vbroadcast v9, $0x0  }
0xd9: {  	v7 =	vld.idx.msk [tilespmem:v6+s7+$0x0], $0xffff  }
0xda: {  	s13 =	simm.s32 $0x2;
	v3 =	vsub.f32 v4, v3;
	v8 =	vor.u32 v2, v5  }
0xdb: {  	v9 =	vld.idx.msk [tilespmem:v6+s4+$0x0], $0xffff;
	v5 =	vmov s13;
	v4 =	vpop (erf)  }
0xdc: {  	v3 =	vmul.f32 v4, v3;
	v4 =	vand.u32 $0x3F, v5  }
0xdd: {  	v4 =	vbroadcast v4, $0x0  }
0xde: {  	v10 =	vmul.f32 v7, v3  }
0xdf: {  	v5 =	vld.idx.msk [tilespmem:v8+s7+$0x0], $0xffff;
	v7 =	vor.u32 v2, v4  }
0xe0: {  	s13 =	simm.s32 $0x3;
	v6 =	vld.idx.msk [tilespmem:v8+s4+$0x0], $0xffff;
	v4 =	vimm.f32 $0.0e+00;
	v9 =	vsub.f32 v9, v10;
	v8 =	vmov v7  }
.LBB2_11:
0xe1: {  	v10 =	vmov s13;
	p0 =	sne.s32 s13, $0x3F;
	s13 =	sadd.s32 $0x1, s13  }
.Ltmp4:
0xe2: {  	v10 =	vand.u32 $0x3F, v10;
	v9 =	vand.u32 $0x7FFFFFFF, v9;
	(pc) =	sbr.rel @p0 .LBB2_11-.Ltmp4, $4  }
0xe3: {  	v10 =	vbroadcast v10, $0x0;
	v4 =	vadd.f32 v9, v4  }
0xe4: {  	v9 =	vmul.f32 v5, v3;
	v5 =	vld.idx.msk [tilespmem:v7+s7+$0x0], $0xffff  }
0xe5: {  	v7 =	vor.u32 v2, v10  }
0xe6: {  	v9 =	vsub.f32 v6, v9;
	v6 =	vld.idx.msk [tilespmem:v8+s4+$0x0], $0xffff;
	v8 =	vmov v7  }
0xe7: {  	_ =	sdelay $0x3  }
0xe8: {  	v2 =	vld.idx.msk [tilespmem:v7+s7+$0x0], $0xffff;
	_ =	sdelay $0x1  }
0xe9: {  	v61 =	vld.idx.msk [tilespmem:v8+s4+$0x0], $0xffff  }
0xea: {  	v5 =	vmul.f32 v5, v3;
	_ =	sdelay $0x1  }
0xeb: {  	v62 =	vand.u32 $0x7FFFFFFF, v9;
	v5 =	vsub.f32 v6, v5;
	v2 =	vmul.f32 v2, v3  }
0xec: {  	v3 =	vadd.f32 v62, v4  }
0xed: {  	v63 =	vand.u32 $0x7FFFFFFF, v5;
	v2 =	vsub.f32 v61, v2  }
0xee: {  	v3 =	vadd.f32 v63, v3  }
0xef: {  	v2 =	vand.u32 $0x7FFFFFFF, v2  }
0xf0: {  	v2 =	vadd.f32 v2, v3  }
0xf1: {  	v3 =	vld [tilespmem:s12+$0x8180]  }
0xf2: {  	v2 =	vmul.f32 v2, v2;
	_ =	sdelay $0x1  }
0xf3: {  	v2 =	vsub.f32 $0.0e+00, v2  }
0xf4: {  	s11 =	sadd.s32 $0x1, s11  }
0xf5: {  	p0 =	sne.s32 s11, $0x8;
	v2 =	vsub.f32 v3, v2  }
.Ltmp5:
0xf6: {  	_ = 	snop;
	(pc) =	sbr.rel @p0 .LBB2_8-.Ltmp5, $3  }
0xf7: {  	v2 =	vadd.f32 $1.000000000e+00, v2;
	_ =	sdelay $0x1  }
0xf8: {  	v2 =	vmax.f32 v2, $0.0e+00  }
0xf9: {  	v1 =	vadd.f32 v2, v1  }
0xfa: {  	s10 =	simm.s32 $0x0;
	s11 =	rddreg [dreg:$0xe]  }
0xfb: {  	[tilespmem:s10], [sflag:$0x2] =	stream.linear.gather [hbm4b:s11+s10], $0x80, $0x38;
	[tilespmem:$0x8210] =	vst v63  }
0xfc: {  	_ =	swait.ge [sflag:s0], $0x80  }
0xfd: {  	[sflag:s0] =	ssyncset.done $0x0  }
0xfe: {  	s12 =	rddreg [dreg:$0xf];
	[sflag:s0] =	ssyncadd.s32 $0xFFFFFF80  }
0xff: {  	[tilespmem:s2], [sflag:$0x2] =	stream.linear.gather [hbm4b:s12+s10], $0x80, $0x38;
	[tilespmem:$0x8210] =	vst v63  }
0x100: {  	_ =	swait.ge [sflag:s0], $0x80  }
0x101: {  	[sflag:s0] =	ssyncset.done $0x0  }
0x102: {  	s13 =	rddreg [dreg:$0x10];
	[sflag:s0] =	ssyncadd.s32 $0xFFFFFF80  }
0x103: {  	[tilespmem:s3], [sflag:$0x2] =	stream.linear.gather [hbm4b:s13+s10], $0x80, $0x38;
	[tilespmem:$0x8210] =	vst v63  }
0x104: {  	_ =	swait.ge [sflag:s0], $0x80  }
0x105: {  	[sflag:s0] =	ssyncset.done $0x0  }
0x106: {  	[sflag:s0] =	ssyncadd.s32 $0xFFFFFF80  }
0x107: {  	[tilespmem:s4], [sflag:$0x1] =	stream.indirect.gather [hbm4b:s28+s2], $0x40, s10, s2, $0xb8;
	[tilespmem:$0x8210] =	vst v63  }
0x108: {  	_ = 	snop  }
0x109: {  	[tilespmem:s5], [sflag:$0x1] =	stream.indirect.gather [hbm4b:s28+s2], $0x40, s2, s2, $0xb8;
	[tilespmem:$0x8210] =	vst v63  }
0x10a: {  	_ = 	snop  }
0x10b: {  	[tilespmem:s6], [sflag:$0x1] =	stream.indirect.gather [hbm4b:s29+s2], $0x40, s3, s2, $0xb8;
	[tilespmem:$0x8210] =	vst v63  }
0x10c: {  	_ = 	snop  }
0x10d: {  	[tilespmem:s7], [sflag:$0x1] =	stream.indirect.gather [hbm4b:s30+s2], $0x40, s3, s2, $0xb8;
	[tilespmem:$0x8210] =	vst v63  }
0x10e: {  	_ =	swait.ge [sflag:s8], $0x2000  }
0x10f: {  	[sflag:s8] =	ssyncset.done $0x0  }
0x110: {  	[sflag:s8] =	ssyncadd.s32 $0xFFFFE000  }
0x111: {  	_ =	swait.ge [sflag:s8], $0x2000  }
0x112: {  	[sflag:s8] =	ssyncset.done $0x0  }
0x113: {  	[sflag:s8] =	ssyncadd.s32 $0xFFFFE000  }
0x114: {  	_ =	swait.ge [sflag:s8], $0x2000  }
0x115: {  	[sflag:s8] =	ssyncset.done $0x0  }
0x116: {  	[sflag:s8] =	ssyncadd.s32 $0xFFFFE000  }
0x117: {  	_ =	swait.ge [sflag:s8], $0x2000  }
0x118: {  	[sflag:s8] =	ssyncset.done $0x0  }
0x119: {  	s11 =	simm.s32 $0x0;
	[sflag:s8] =	ssyncadd.s32 $0xFFFFE000  }
.LBB2_14:
0x11a: {  	s12 =	sshll.u32 s11, $0x4;
	v2 =	vmov s10  }
0x11b: {  	v3 =	vmov s12;
	v2 =	vand.u32 $0x3F, v2  }
0x11c: {  	v3 =	vshll.u32 v3, $0x6;
	v4 =	vbroadcast v2, $0x0  }
0x11d: {  	v2 =	vor.u32 v0, v3  }
0x11e: {  	v4 =	vor.u32 v2, v4;
	_ =	sdelay $0x4  }
0x11f: {  	v3 =	vld.idx.msk [tilespmem:v4+s5+$0x0], $0xffff  }
0x120: {  	s13 =	simm.s32 $0x1;
	v5 =	vld.idx.msk [tilespmem:v4+s4+$0x0], $0xffff  }
0x121: {  	v6 =	vmov s13  }
0x122: {  	v6 =	vand.u32 $0x3F, v6;
	v8 =	vld.idx.msk [tilespmem:v4+s6+$0x0], $0xffff  }
0x123: {  	v6 =	vbroadcast v6, $0x0;
	_ =	sdelay $0x1  }
0x124: {  	v7 =	vor.u32 v2, v6;
	v6 =	vsub.f32 v5, v3;
	_ =	sdelay $0x1  }
0x125: {  	v6 =	vadd.f32 v8, v6;
	_ =	sdelay $0x1  }
0x126: {  	v9 =	vld.idx.msk [tilespmem:v4+s7+$0x0], $0xffff;
	[tilespmem:v4+s4+$0x0] =	vst.idx.msk $0xffff, v6  }
0x127: {  	v8 =	vld.idx.msk [tilespmem:v7+s5+$0x0], $0xffff  }
0x128: {  	s13 =	simm.s32 $0x2;
	v10 =	vld.idx.msk [tilespmem:v7+s4+$0x0], $0xffff  }
0x129: {  	v11 =	vimm.f32 $0.0e+00;
	v6 =	vmov s13  }
0x12a: {  	v4 =	vimm.f32 $0.0e+00;
	s13 =	simm.s32 $0x3;
	v12 =	vld.idx.msk [tilespmem:v7+s6+$0x0], $0xffff;
	v13 =	vand.u32 $0x3F, v6;
	v6 =	vimm.f32 $0.0e+00  }
.LBB2_15:
0x12b: {  	p0 =	sne.s32 s13, $0x3F;
	v13 =	vbroadcast v13, $0x0;
	v15 =	vmul.f32 v9, v5  }
0x12c: {  	v14 =	vmul.f32 v9, v3;
	v9 =	vmul.f32 v9, v9;
	v3 =	vmov v8  }
0x12d: {  	v8 =	vsub.f32 v10, v3;
	v5 =	vmovc v10;
	v13 =	vor.u32 v2, v13;
	v4 =	vadd.f32 v15, v4  }
0x12e: {  	v6 =	vadd.f32 v14, v6;
	v11 =	vadd.f32 v9, v11  }
0x12f: {  	v8 =	vadd.f32 v12, v8;
	_ =	sdelay $0x1  }
0x130: {  	v9 =	vld.idx.msk [tilespmem:v7+s7+$0x0], $0xffff;
	[tilespmem:v7+s4+$0x0] =	vst.idx.msk $0xffff, v8;
	v7 =	vmov v13  }
.Ltmp6:
0x131: {  	v8 =	vld.idx.msk [tilespmem:v13+s5+$0x0], $0xffff;
	(pc) =	sbr.rel @p0 .LBB2_15-.Ltmp6, $3  }
0x132: {  	v10 =	vld.idx.msk [tilespmem:v13+s4+$0x0], $0xffff;
	_ =	sdelay $0x1  }
0x133: {  	v14 =	vmov s13;
	v12 =	vld.idx.msk [tilespmem:v13+s6+$0x0], $0xffff  }
0x134: {  	s13 =	sadd.s32 $0x1, s13;
	v13 =	vand.u32 $0x3F, v14  }
0x135: {  	v13 =	vbroadcast v13, $0x0;
	_ =	sdelay $0x1  }
0x136: {  	v14 =	vsub.f32 v10, v8;
	v13 =	vor.u32 v2, v13;
	_ =	sdelay $0x1  }
0x137: {  	v12 =	vadd.f32 v12, v14  }
0x138: {  	v59 =	vld.idx.msk [tilespmem:v7+s7+$0x0], $0xffff  }
0x139: {  	[tilespmem:v7+s4+$0x0] =	vst.idx.msk $0xffff, v12  }
0x13a: {  	v7 =	vld.idx.msk [tilespmem:v13+s7+$0x0], $0xffff  }
0x13b: {  	v60 =	vmul.f32 v9, v9;
	_ =	sdelay $0x1  }
0x13c: {  	v11 =	vadd.f32 v60, v11;
	v61 =	vmul.f32 v59, v59  }
0x13d: {  	v15 =	vld.idx.msk [tilespmem:v13+s5+$0x0], $0xffff  }
0x13e: {  	s13 =	simm.s32 $0x0;
	v11 =	vadd.f32 v61, v11;
	v16 =	vld.idx.msk [tilespmem:v13+s4+$0x0], $0xffff;
	v62 =	vmul.f32 v7, v7  }
0x13f: {  	v5 =	vmul.f32 v9, v5;
	v17 =	vmov s13  }
0x140: {  	v3 =	vmul.f32 v9, v3;
	v9 =	vand.u32 $0x3F, v17;
	v63 =	vld.idx.msk [tilespmem:v13+s6+$0x0], $0xffff;
	v11 =	vadd.f32 v62, v11  }
0x141: {  	v9 =	vbroadcast v9, $0x0  }
0x142: {  	v4 =	vadd.f32 v5, v4;
	v5 =	vmul.f32 v59, v10;
	(erf) = vrcp.f32 v11  }
0x143: {  	v3 =	vadd.f32 v3, v6;
	v6 =	vmul.f32 v59, v8;
	v8 =	vsub.f32 v16, v15  }
0x144: {  	v4 =	vadd.f32 v5, v4;
	v5 =	vor.u32 v2, v9  }
0x145: {  	s13 =	simm.s32 $0x1;
	v3 =	vadd.f32 v6, v3;
	v6 =	vadd.f32 v63, v8;
	v8 =	vmul.f32 v7, v16  }
0x146: {  	v9 =	vmov s13;
	v7 =	vmul.f32 v7, v15  }
0x147: {  	v9 =	vand.u32 $0x3F, v9;
	v4 =	vadd.f32 v8, v4  }
0x148: {  	[tilespmem:v13+s4+$0x0] =	vst.idx.msk $0xffff, v6;
	v3 =	vadd.f32 v7, v3;
	v6 =	vbroadcast v9, $0x0  }
0x149: {  	v7 =	vld.idx.msk [tilespmem:v5+s7+$0x0], $0xffff  }
0x14a: {  	s13 =	simm.s32 $0x2;
	v3 =	vsub.f32 v4, v3;
	v6 =	vor.u32 v2, v6  }
0x14b: {  	v8 =	vld.idx.msk [tilespmem:v5+s4+$0x0], $0xffff;
	v5 =	vmov s13;
	v4 =	vpop (erf)  }
0x14c: {  	v3 =	vmul.f32 v4, v3;
	v4 =	vand.u32 $0x3F, v5  }
0x14d: {  	v4 =	vbroadcast v4, $0x0  }
0x14e: {  	v9 =	vmul.f32 v7, v3  }
0x14f: {  	v5 =	vld.idx.msk [tilespmem:v6+s7+$0x0], $0xffff;
	v7 =	vor.u32 v2, v4  }
0x150: {  	s13 =	simm.s32 $0x3;
	v6 =	vld.idx.msk [tilespmem:v6+s4+$0x0], $0xffff;
	v4 =	vimm.f32 $0.0e+00;
	v9 =	vsub.f32 v8, v9;
	v8 =	vmov v7  }
.LBB2_17:
0x151: {  	v10 =	vmov s13;
	p0 =	sne.s32 s13, $0x3F;
	s13 =	sadd.s32 $0x1, s13  }
.Ltmp7:
0x152: {  	v10 =	vand.u32 $0x3F, v10;
	v9 =	vand.u32 $0x7FFFFFFF, v9;
	(pc) =	sbr.rel @p0 .LBB2_17-.Ltmp7, $4  }
0x153: {  	v10 =	vbroadcast v10, $0x0;
	v4 =	vadd.f32 v9, v4  }
0x154: {  	v9 =	vmul.f32 v5, v3;
	v5 =	vld.idx.msk [tilespmem:v7+s7+$0x0], $0xffff  }
0x155: {  	v7 =	vor.u32 v2, v10  }
0x156: {  	v9 =	vsub.f32 v6, v9;
	v6 =	vld.idx.msk [tilespmem:v8+s4+$0x0], $0xffff;
	v8 =	vmov v7  }
0x157: {  	_ =	sdelay $0x3  }
0x158: {  	v2 =	vld.idx.msk [tilespmem:v7+s7+$0x0], $0xffff;
	_ =	sdelay $0x1  }
0x159: {  	v61 =	vld.idx.msk [tilespmem:v8+s4+$0x0], $0xffff  }
0x15a: {  	v5 =	vmul.f32 v5, v3;
	_ =	sdelay $0x1  }
0x15b: {  	v62 =	vand.u32 $0x7FFFFFFF, v9;
	v5 =	vsub.f32 v6, v5;
	v2 =	vmul.f32 v2, v3  }
0x15c: {  	v3 =	vadd.f32 v62, v4  }
0x15d: {  	v63 =	vand.u32 $0x7FFFFFFF, v5;
	v2 =	vsub.f32 v61, v2  }
0x15e: {  	v3 =	vadd.f32 v63, v3  }
0x15f: {  	v2 =	vand.u32 $0x7FFFFFFF, v2  }
0x160: {  	s11 =	sadd.s32 $0x1, s11;
	v2 =	vadd.f32 v2, v3  }
0x161: {  	p0 =	sne.s32 s11, $0x8  }
.Ltmp8:
0x162: {  	v2 =	vmul.f32 v2, v2;
	(pc) =	sbr.rel @p0 .LBB2_14-.Ltmp8, $3  }
0x163: {  	_ = 	snop  }
0x164: {  	v2 =	vsub.f32 $0.0e+00, v2;
	_ =	sdelay $0x1  }
0x165: {  	[tilespmem:s12+$0x8180] =	vst v2  }
0x166: {  	s10 =	simm.s32 $0x0;
	s11 =	rddreg [dreg:$0x11]  }
0x167: {  	[tilespmem:s10], [sflag:$0x2] =	stream.linear.gather [hbm4b:s11+s10], $0x80, $0x38;
	[tilespmem:$0x8210] =	vst v63  }
0x168: {  	_ =	swait.ge [sflag:s0], $0x80  }
0x169: {  	[sflag:s0] =	ssyncset.done $0x0  }
0x16a: {  	s12 =	rddreg [dreg:$0x12];
	[sflag:s0] =	ssyncadd.s32 $0xFFFFFF80  }
0x16b: {  	[tilespmem:s2], [sflag:$0x2] =	stream.linear.gather [hbm4b:s12+s10], $0x80, $0x38;
	[tilespmem:$0x8210] =	vst v63  }
0x16c: {  	_ =	swait.ge [sflag:s0], $0x80  }
0x16d: {  	[sflag:s0] =	ssyncset.done $0x0  }
0x16e: {  	s13 =	rddreg [dreg:$0x13];
	[sflag:s0] =	ssyncadd.s32 $0xFFFFFF80  }
0x16f: {  	[tilespmem:s3], [sflag:$0x2] =	stream.linear.gather [hbm4b:s13+s10], $0x80, $0x38;
	[tilespmem:$0x8210] =	vst v63  }
0x170: {  	_ =	swait.ge [sflag:s0], $0x80  }
0x171: {  	[sflag:s0] =	ssyncset.done $0x0  }
0x172: {  	[sflag:s0] =	ssyncadd.s32 $0xFFFFFF80  }
0x173: {  	[tilespmem:s4], [sflag:$0x1] =	stream.indirect.gather [hbm4b:s28+s2], $0x40, s10, s2, $0xb8;
	[tilespmem:$0x8210] =	vst v63  }
0x174: {  	_ = 	snop  }
0x175: {  	[tilespmem:s5], [sflag:$0x1] =	stream.indirect.gather [hbm4b:s28+s2], $0x40, s2, s2, $0xb8;
	[tilespmem:$0x8210] =	vst v63  }
0x176: {  	_ = 	snop  }
0x177: {  	[tilespmem:s6], [sflag:$0x1] =	stream.indirect.gather [hbm4b:s29+s2], $0x40, s3, s2, $0xb8;
	[tilespmem:$0x8210] =	vst v63  }
0x178: {  	_ = 	snop  }
0x179: {  	[tilespmem:s7], [sflag:$0x1] =	stream.indirect.gather [hbm4b:s30+s2], $0x40, s3, s2, $0xb8;
	[tilespmem:$0x8210] =	vst v63  }
0x17a: {  	_ =	swait.ge [sflag:s8], $0x2000  }
0x17b: {  	[sflag:s8] =	ssyncset.done $0x0  }
0x17c: {  	[sflag:s8] =	ssyncadd.s32 $0xFFFFE000  }
0x17d: {  	_ =	swait.ge [sflag:s8], $0x2000  }
0x17e: {  	[sflag:s8] =	ssyncset.done $0x0  }
0x17f: {  	[sflag:s8] =	ssyncadd.s32 $0xFFFFE000  }
0x180: {  	_ =	swait.ge [sflag:s8], $0x2000  }
0x181: {  	[sflag:s8] =	ssyncset.done $0x0  }
0x182: {  	[sflag:s8] =	ssyncadd.s32 $0xFFFFE000  }
0x183: {  	_ =	swait.ge [sflag:s8], $0x2000  }
0x184: {  	[sflag:s8] =	ssyncset.done $0x0  }
0x185: {  	s11 =	simm.s32 $0x0;
	[sflag:s8] =	ssyncadd.s32 $0xFFFFE000  }
.LBB2_20:
0x186: {  	s12 =	sshll.u32 s11, $0x4;
	v2 =	vmov s10  }
0x187: {  	v3 =	vmov s12;
	v2 =	vand.u32 $0x3F, v2  }
0x188: {  	v3 =	vshll.u32 v3, $0x6;
	v4 =	vbroadcast v2, $0x0  }
0x189: {  	v2 =	vor.u32 v0, v3  }
0x18a: {  	v4 =	vor.u32 v2, v4;
	_ =	sdelay $0x4  }
0x18b: {  	v3 =	vld.idx.msk [tilespmem:v4+s5+$0x0], $0xffff  }
0x18c: {  	s13 =	simm.s32 $0x1;
	v5 =	vld.idx.msk [tilespmem:v4+s4+$0x0], $0xffff  }
0x18d: {  	v6 =	vmov s13  }
0x18e: {  	v6 =	vand.u32 $0x3F, v6;
	v8 =	vld.idx.msk [tilespmem:v4+s6+$0x0], $0xffff  }
0x18f: {  	v6 =	vbroadcast v6, $0x0;
	_ =	sdelay $0x1  }
0x190: {  	v7 =	vor.u32 v2, v6;
	v6 =	vsub.f32 v5, v3;
	_ =	sdelay $0x1  }
0x191: {  	v6 =	vadd.f32 v8, v6;
	_ =	sdelay $0x1  }
0x192: {  	v9 =	vld.idx.msk [tilespmem:v4+s7+$0x0], $0xffff;
	[tilespmem:v4+s4+$0x0] =	vst.idx.msk $0xffff, v6  }
0x193: {  	v8 =	vld.idx.msk [tilespmem:v7+s5+$0x0], $0xffff  }
0x194: {  	s13 =	simm.s32 $0x2;
	v10 =	vld.idx.msk [tilespmem:v7+s4+$0x0], $0xffff  }
0x195: {  	v11 =	vimm.f32 $0.0e+00;
	v6 =	vmov s13  }
0x196: {  	v4 =	vimm.f32 $0.0e+00;
	s13 =	simm.s32 $0x3;
	v12 =	vld.idx.msk [tilespmem:v7+s6+$0x0], $0xffff;
	v13 =	vand.u32 $0x3F, v6;
	v6 =	vimm.f32 $0.0e+00  }
.LBB2_21:
0x197: {  	p0 =	sne.s32 s13, $0x3F;
	v13 =	vbroadcast v13, $0x0;
	v15 =	vmul.f32 v9, v5  }
0x198: {  	v14 =	vmul.f32 v9, v3;
	v9 =	vmul.f32 v9, v9;
	v3 =	vmov v8  }
0x199: {  	v8 =	vsub.f32 v10, v3;
	v5 =	vmovc v10;
	v13 =	vor.u32 v2, v13;
	v4 =	vadd.f32 v15, v4  }
0x19a: {  	v6 =	vadd.f32 v14, v6;
	v11 =	vadd.f32 v9, v11  }
0x19b: {  	v8 =	vadd.f32 v12, v8;
	_ =	sdelay $0x1  }
0x19c: {  	v9 =	vld.idx.msk [tilespmem:v7+s7+$0x0], $0xffff;
	[tilespmem:v7+s4+$0x0] =	vst.idx.msk $0xffff, v8;
	v7 =	vmov v13  }
.Ltmp9:
0x19d: {  	v8 =	vld.idx.msk [tilespmem:v13+s5+$0x0], $0xffff;
	(pc) =	sbr.rel @p0 .LBB2_21-.Ltmp9, $3  }
0x19e: {  	v10 =	vld.idx.msk [tilespmem:v13+s4+$0x0], $0xffff;
	_ =	sdelay $0x1  }
0x19f: {  	v14 =	vmov s13;
	v12 =	vld.idx.msk [tilespmem:v13+s6+$0x0], $0xffff  }
0x1a0: {  	s13 =	sadd.s32 $0x1, s13;
	v13 =	vand.u32 $0x3F, v14  }
0x1a1: {  	v13 =	vbroadcast v13, $0x0;
	_ =	sdelay $0x1  }
0x1a2: {  	v14 =	vsub.f32 v10, v8;
	v13 =	vor.u32 v2, v13;
	_ =	sdelay $0x1  }
0x1a3: {  	v12 =	vadd.f32 v12, v14  }
0x1a4: {  	v59 =	vld.idx.msk [tilespmem:v7+s7+$0x0], $0xffff  }
0x1a5: {  	[tilespmem:v7+s4+$0x0] =	vst.idx.msk $0xffff, v12  }
0x1a6: {  	v7 =	vld.idx.msk [tilespmem:v13+s7+$0x0], $0xffff  }
0x1a7: {  	v60 =	vmul.f32 v9, v9;
	_ =	sdelay $0x1  }
0x1a8: {  	v11 =	vadd.f32 v60, v11;
	v61 =	vmul.f32 v59, v59  }
0x1a9: {  	v15 =	vld.idx.msk [tilespmem:v13+s5+$0x0], $0xffff  }
0x1aa: {  	s13 =	simm.s32 $0x0;
	v11 =	vadd.f32 v61, v11;
	v16 =	vld.idx.msk [tilespmem:v13+s4+$0x0], $0xffff;
	v62 =	vmul.f32 v7, v7  }
0x1ab: {  	v5 =	vmul.f32 v9, v5;
	v17 =	vmov s13  }
0x1ac: {  	v3 =	vmul.f32 v9, v3;
	v9 =	vand.u32 $0x3F, v17;
	v63 =	vld.idx.msk [tilespmem:v13+s6+$0x0], $0xffff;
	v11 =	vadd.f32 v62, v11  }
0x1ad: {  	v9 =	vbroadcast v9, $0x0  }
0x1ae: {  	v4 =	vadd.f32 v5, v4;
	v5 =	vmul.f32 v59, v10;
	(erf) = vrcp.f32 v11  }
0x1af: {  	v3 =	vadd.f32 v3, v6;
	v6 =	vmul.f32 v59, v8;
	v8 =	vsub.f32 v16, v15  }
0x1b0: {  	v4 =	vadd.f32 v5, v4;
	v5 =	vor.u32 v2, v9  }
0x1b1: {  	s13 =	simm.s32 $0x1;
	v3 =	vadd.f32 v6, v3;
	v6 =	vadd.f32 v63, v8;
	v8 =	vmul.f32 v7, v16  }
0x1b2: {  	v9 =	vmov s13;
	v7 =	vmul.f32 v7, v15  }
0x1b3: {  	v9 =	vand.u32 $0x3F, v9;
	v4 =	vadd.f32 v8, v4  }
0x1b4: {  	[tilespmem:v13+s4+$0x0] =	vst.idx.msk $0xffff, v6;
	v3 =	vadd.f32 v7, v3;
	v6 =	vbroadcast v9, $0x0  }
0x1b5: {  	v7 =	vld.idx.msk [tilespmem:v5+s7+$0x0], $0xffff  }
0x1b6: {  	s13 =	simm.s32 $0x2;
	v3 =	vsub.f32 v4, v3;
	v6 =	vor.u32 v2, v6  }
0x1b7: {  	v8 =	vld.idx.msk [tilespmem:v5+s4+$0x0], $0xffff;
	v5 =	vmov s13;
	v4 =	vpop (erf)  }
0x1b8: {  	v3 =	vmul.f32 v4, v3;
	v4 =	vand.u32 $0x3F, v5  }
0x1b9: {  	v4 =	vbroadcast v4, $0x0  }
0x1ba: {  	v9 =	vmul.f32 v7, v3  }
0x1bb: {  	v5 =	vld.idx.msk [tilespmem:v6+s7+$0x0], $0xffff;
	v7 =	vor.u32 v2, v4  }
0x1bc: {  	s13 =	simm.s32 $0x3;
	v6 =	vld.idx.msk [tilespmem:v6+s4+$0x0], $0xffff;
	v4 =	vimm.f32 $0.0e+00;
	v9 =	vsub.f32 v8, v9;
	v8 =	vmov v7  }
.LBB2_23:
0x1bd: {  	v10 =	vmov s13;
	p0 =	sne.s32 s13, $0x3F;
	s13 =	sadd.s32 $0x1, s13  }
.Ltmp10:
0x1be: {  	v10 =	vand.u32 $0x3F, v10;
	v9 =	vand.u32 $0x7FFFFFFF, v9;
	(pc) =	sbr.rel @p0 .LBB2_23-.Ltmp10, $4  }
0x1bf: {  	v10 =	vbroadcast v10, $0x0;
	v4 =	vadd.f32 v9, v4  }
0x1c0: {  	v9 =	vmul.f32 v5, v3;
	v5 =	vld.idx.msk [tilespmem:v7+s7+$0x0], $0xffff  }
0x1c1: {  	v7 =	vor.u32 v2, v10  }
0x1c2: {  	v9 =	vsub.f32 v6, v9;
	v6 =	vld.idx.msk [tilespmem:v8+s4+$0x0], $0xffff;
	v8 =	vmov v7  }
0x1c3: {  	_ =	sdelay $0x3  }
0x1c4: {  	v2 =	vld.idx.msk [tilespmem:v7+s7+$0x0], $0xffff;
	_ =	sdelay $0x1  }
0x1c5: {  	v61 =	vld.idx.msk [tilespmem:v8+s4+$0x0], $0xffff  }
0x1c6: {  	v5 =	vmul.f32 v5, v3;
	_ =	sdelay $0x1  }
0x1c7: {  	v62 =	vand.u32 $0x7FFFFFFF, v9;
	v5 =	vsub.f32 v6, v5;
	v2 =	vmul.f32 v2, v3  }
0x1c8: {  	v3 =	vadd.f32 v62, v4  }
0x1c9: {  	v63 =	vand.u32 $0x7FFFFFFF, v5;
	v2 =	vsub.f32 v61, v2  }
0x1ca: {  	v3 =	vadd.f32 v63, v3  }
0x1cb: {  	v2 =	vand.u32 $0x7FFFFFFF, v2  }
0x1cc: {  	v2 =	vadd.f32 v2, v3  }
0x1cd: {  	v3 =	vld [tilespmem:s12+$0x8180]  }
0x1ce: {  	v2 =	vmul.f32 v2, v2;
	_ =	sdelay $0x1  }
0x1cf: {  	v2 =	vsub.f32 $0.0e+00, v2  }
0x1d0: {  	s11 =	sadd.s32 $0x1, s11  }
0x1d1: {  	p0 =	sne.s32 s11, $0x8;
	v2 =	vsub.f32 v3, v2  }
.Ltmp11:
0x1d2: {  	_ = 	snop;
	(pc) =	sbr.rel @p0 .LBB2_20-.Ltmp11, $3  }
0x1d3: {  	v2 =	vadd.f32 $1.000000000e+00, v2;
	_ =	sdelay $0x1  }
0x1d4: {  	v2 =	vmax.f32 v2, $0.0e+00  }
0x1d5: {  	v1 =	vadd.f32 v2, v1  }
0x1d6: {  	s10 =	simm.s32 $0x0  }
0x1d7: {  	[tilespmem:s10], [sflag:$0x2] =	stream.linear.gather [hbm4b:s14+s10], $0x80, $0x38;
	[tilespmem:$0x8210] =	vst v63  }
0x1d8: {  	_ =	swait.ge [sflag:s0], $0x80  }
0x1d9: {  	[sflag:s0] =	ssyncset.done $0x0  }
0x1da: {  	[sflag:s0] =	ssyncadd.s32 $0xFFFFFF80  }
0x1db: {  	[tilespmem:s2], [sflag:$0x2] =	stream.linear.gather [hbm4b:s15+s10], $0x80, $0x38;
	[tilespmem:$0x8210] =	vst v63  }
0x1dc: {  	_ =	swait.ge [sflag:s0], $0x80  }
0x1dd: {  	[sflag:s0] =	ssyncset.done $0x0  }
0x1de: {  	[sflag:s0] =	ssyncadd.s32 $0xFFFFFF80  }
0x1df: {  	[tilespmem:s3], [sflag:$0x2] =	stream.linear.gather [hbm4b:s16+s10], $0x80, $0x38;
	[tilespmem:$0x8210] =	vst v63  }
0x1e0: {  	_ =	swait.ge [sflag:s0], $0x80  }
0x1e1: {  	[sflag:s0] =	ssyncset.done $0x0  }
0x1e2: {  	[sflag:s0] =	ssyncadd.s32 $0xFFFFFF80  }
0x1e3: {  	[tilespmem:s4], [sflag:$0x1] =	stream.indirect.gather [hbm4b:s28+s2], $0x40, s10, s2, $0xb8;
	[tilespmem:$0x8210] =	vst v63  }
0x1e4: {  	_ = 	snop  }
0x1e5: {  	[tilespmem:s5], [sflag:$0x1] =	stream.indirect.gather [hbm4b:s28+s2], $0x40, s2, s2, $0xb8;
	[tilespmem:$0x8210] =	vst v63  }
0x1e6: {  	_ = 	snop  }
0x1e7: {  	[tilespmem:s6], [sflag:$0x1] =	stream.indirect.gather [hbm4b:s29+s2], $0x40, s3, s2, $0xb8;
	[tilespmem:$0x8210] =	vst v63  }
0x1e8: {  	_ = 	snop  }
0x1e9: {  	[tilespmem:s7], [sflag:$0x1] =	stream.indirect.gather [hbm4b:s30+s2], $0x40, s3, s2, $0xb8;
	[tilespmem:$0x8210] =	vst v63  }
0x1ea: {  	_ =	swait.ge [sflag:s8], $0x2000  }
0x1eb: {  	[sflag:s8] =	ssyncset.done $0x0  }
0x1ec: {  	[sflag:s8] =	ssyncadd.s32 $0xFFFFE000  }
0x1ed: {  	_ =	swait.ge [sflag:s8], $0x2000  }
0x1ee: {  	[sflag:s8] =	ssyncset.done $0x0  }
0x1ef: {  	[sflag:s8] =	ssyncadd.s32 $0xFFFFE000  }
0x1f0: {  	_ =	swait.ge [sflag:s8], $0x2000  }
0x1f1: {  	[sflag:s8] =	ssyncset.done $0x0  }
0x1f2: {  	[sflag:s8] =	ssyncadd.s32 $0xFFFFE000  }
0x1f3: {  	_ =	swait.ge [sflag:s8], $0x2000  }
0x1f4: {  	[sflag:s8] =	ssyncset.done $0x0  }
0x1f5: {  	s11 =	simm.s32 $0x0;
	[sflag:s8] =	ssyncadd.s32 $0xFFFFE000  }
.LBB2_26:
0x1f6: {  	s12 =	sshll.u32 s11, $0x4;
	v2 =	vmov s10  }
0x1f7: {  	v3 =	vmov s12;
	v2 =	vand.u32 $0x3F, v2  }
0x1f8: {  	v3 =	vshll.u32 v3, $0x6;
	v4 =	vbroadcast v2, $0x0  }
0x1f9: {  	v2 =	vor.u32 v0, v3  }
0x1fa: {  	v4 =	vor.u32 v2, v4;
	_ =	sdelay $0x4  }
0x1fb: {  	v3 =	vld.idx.msk [tilespmem:v4+s5+$0x0], $0xffff  }
0x1fc: {  	s13 =	simm.s32 $0x1;
	v5 =	vld.idx.msk [tilespmem:v4+s4+$0x0], $0xffff  }
0x1fd: {  	v6 =	vmov s13  }
0x1fe: {  	v6 =	vand.u32 $0x3F, v6;
	v8 =	vld.idx.msk [tilespmem:v4+s6+$0x0], $0xffff  }
0x1ff: {  	v6 =	vbroadcast v6, $0x0;
	_ =	sdelay $0x1  }
0x200: {  	v7 =	vor.u32 v2, v6;
	v6 =	vsub.f32 v5, v3;
	_ =	sdelay $0x1  }
0x201: {  	v6 =	vadd.f32 v8, v6;
	_ =	sdelay $0x1  }
0x202: {  	v9 =	vld.idx.msk [tilespmem:v4+s7+$0x0], $0xffff;
	[tilespmem:v4+s4+$0x0] =	vst.idx.msk $0xffff, v6  }
0x203: {  	v8 =	vld.idx.msk [tilespmem:v7+s5+$0x0], $0xffff  }
0x204: {  	s13 =	simm.s32 $0x2;
	v10 =	vld.idx.msk [tilespmem:v7+s4+$0x0], $0xffff  }
0x205: {  	v11 =	vimm.f32 $0.0e+00;
	v6 =	vmov s13  }
0x206: {  	v4 =	vimm.f32 $0.0e+00;
	s13 =	simm.s32 $0x3;
	v12 =	vld.idx.msk [tilespmem:v7+s6+$0x0], $0xffff;
	v13 =	vand.u32 $0x3F, v6;
	v6 =	vimm.f32 $0.0e+00  }
.LBB2_27:
0x207: {  	p0 =	sne.s32 s13, $0x3F;
	v13 =	vbroadcast v13, $0x0;
	v15 =	vmul.f32 v9, v5  }
0x208: {  	v14 =	vmul.f32 v9, v3;
	v9 =	vmul.f32 v9, v9;
	v3 =	vmov v8  }
0x209: {  	v8 =	vsub.f32 v10, v3;
	v5 =	vmovc v10;
	v13 =	vor.u32 v2, v13;
	v4 =	vadd.f32 v15, v4  }
0x20a: {  	v6 =	vadd.f32 v14, v6;
	v11 =	vadd.f32 v9, v11  }
0x20b: {  	v8 =	vadd.f32 v12, v8;
	_ =	sdelay $0x1  }
0x20c: {  	v9 =	vld.idx.msk [tilespmem:v7+s7+$0x0], $0xffff;
	[tilespmem:v7+s4+$0x0] =	vst.idx.msk $0xffff, v8;
	v7 =	vmov v13  }
.Ltmp12:
0x20d: {  	v8 =	vld.idx.msk [tilespmem:v13+s5+$0x0], $0xffff;
	(pc) =	sbr.rel @p0 .LBB2_27-.Ltmp12, $3  }
0x20e: {  	v10 =	vld.idx.msk [tilespmem:v13+s4+$0x0], $0xffff;
	_ =	sdelay $0x1  }
0x20f: {  	v14 =	vmov s13;
	v12 =	vld.idx.msk [tilespmem:v13+s6+$0x0], $0xffff  }
0x210: {  	s13 =	sadd.s32 $0x1, s13;
	v13 =	vand.u32 $0x3F, v14  }
0x211: {  	v13 =	vbroadcast v13, $0x0;
	_ =	sdelay $0x1  }
0x212: {  	v14 =	vsub.f32 v10, v8;
	v13 =	vor.u32 v2, v13;
	_ =	sdelay $0x1  }
0x213: {  	v12 =	vadd.f32 v12, v14  }
0x214: {  	v59 =	vld.idx.msk [tilespmem:v7+s7+$0x0], $0xffff  }
0x215: {  	[tilespmem:v7+s4+$0x0] =	vst.idx.msk $0xffff, v12  }
0x216: {  	v7 =	vld.idx.msk [tilespmem:v13+s7+$0x0], $0xffff  }
0x217: {  	v60 =	vmul.f32 v9, v9;
	_ =	sdelay $0x1  }
0x218: {  	v11 =	vadd.f32 v60, v11;
	v61 =	vmul.f32 v59, v59  }
0x219: {  	v15 =	vld.idx.msk [tilespmem:v13+s5+$0x0], $0xffff  }
0x21a: {  	s13 =	simm.s32 $0x0;
	v11 =	vadd.f32 v61, v11;
	v16 =	vld.idx.msk [tilespmem:v13+s4+$0x0], $0xffff;
	v62 =	vmul.f32 v7, v7  }
0x21b: {  	v5 =	vmul.f32 v9, v5;
	v17 =	vmov s13  }
0x21c: {  	v3 =	vmul.f32 v9, v3;
	v9 =	vand.u32 $0x3F, v17;
	v63 =	vld.idx.msk [tilespmem:v13+s6+$0x0], $0xffff;
	v11 =	vadd.f32 v62, v11  }
0x21d: {  	v9 =	vbroadcast v9, $0x0  }
0x21e: {  	v4 =	vadd.f32 v5, v4;
	v5 =	vmul.f32 v59, v10;
	(erf) = vrcp.f32 v11  }
0x21f: {  	v3 =	vadd.f32 v3, v6;
	v6 =	vmul.f32 v59, v8;
	v8 =	vsub.f32 v16, v15  }
0x220: {  	v4 =	vadd.f32 v5, v4;
	v5 =	vor.u32 v2, v9  }
0x221: {  	s13 =	simm.s32 $0x1;
	v3 =	vadd.f32 v6, v3;
	v6 =	vadd.f32 v63, v8;
	v8 =	vmul.f32 v7, v16  }
0x222: {  	v9 =	vmov s13;
	v7 =	vmul.f32 v7, v15  }
0x223: {  	v9 =	vand.u32 $0x3F, v9;
	v4 =	vadd.f32 v8, v4  }
0x224: {  	[tilespmem:v13+s4+$0x0] =	vst.idx.msk $0xffff, v6;
	v3 =	vadd.f32 v7, v3;
	v6 =	vbroadcast v9, $0x0  }
0x225: {  	v7 =	vld.idx.msk [tilespmem:v5+s7+$0x0], $0xffff  }
0x226: {  	s13 =	simm.s32 $0x2;
	v3 =	vsub.f32 v4, v3;
	v6 =	vor.u32 v2, v6  }
0x227: {  	v8 =	vld.idx.msk [tilespmem:v5+s4+$0x0], $0xffff;
	v5 =	vmov s13;
	v4 =	vpop (erf)  }
0x228: {  	v3 =	vmul.f32 v4, v3;
	v4 =	vand.u32 $0x3F, v5  }
0x229: {  	v4 =	vbroadcast v4, $0x0  }
0x22a: {  	v9 =	vmul.f32 v7, v3  }
0x22b: {  	v5 =	vld.idx.msk [tilespmem:v6+s7+$0x0], $0xffff;
	v7 =	vor.u32 v2, v4  }
0x22c: {  	s13 =	simm.s32 $0x3;
	v6 =	vld.idx.msk [tilespmem:v6+s4+$0x0], $0xffff;
	v4 =	vimm.f32 $0.0e+00;
	v9 =	vsub.f32 v8, v9;
	v8 =	vmov v7  }
.LBB2_29:
0x22d: {  	v10 =	vmov s13;
	p0 =	sne.s32 s13, $0x3F;
	s13 =	sadd.s32 $0x1, s13  }
.Ltmp13:
0x22e: {  	v10 =	vand.u32 $0x3F, v10;
	v9 =	vand.u32 $0x7FFFFFFF, v9;
	(pc) =	sbr.rel @p0 .LBB2_29-.Ltmp13, $4  }
0x22f: {  	v10 =	vbroadcast v10, $0x0;
	v4 =	vadd.f32 v9, v4  }
0x230: {  	v9 =	vmul.f32 v5, v3;
	v5 =	vld.idx.msk [tilespmem:v7+s7+$0x0], $0xffff  }
0x231: {  	v7 =	vor.u32 v2, v10  }
0x232: {  	v9 =	vsub.f32 v6, v9;
	v6 =	vld.idx.msk [tilespmem:v8+s4+$0x0], $0xffff;
	v8 =	vmov v7  }
0x233: {  	_ =	sdelay $0x3  }
0x234: {  	v2 =	vld.idx.msk [tilespmem:v7+s7+$0x0], $0xffff;
	_ =	sdelay $0x1  }
0x235: {  	v61 =	vld.idx.msk [tilespmem:v8+s4+$0x0], $0xffff  }
0x236: {  	v5 =	vmul.f32 v5, v3;
	_ =	sdelay $0x1  }
0x237: {  	v62 =	vand.u32 $0x7FFFFFFF, v9;
	v5 =	vsub.f32 v6, v5;
	v2 =	vmul.f32 v2, v3  }
0x238: {  	v3 =	vadd.f32 v62, v4  }
0x239: {  	v63 =	vand.u32 $0x7FFFFFFF, v5;
	v2 =	vsub.f32 v61, v2  }
0x23a: {  	v3 =	vadd.f32 v63, v3  }
0x23b: {  	v2 =	vand.u32 $0x7FFFFFFF, v2  }
0x23c: {  	s11 =	sadd.s32 $0x1, s11;
	v2 =	vadd.f32 v2, v3  }
0x23d: {  	p0 =	sne.s32 s11, $0x8  }
.Ltmp14:
0x23e: {  	v2 =	vmul.f32 v2, v2;
	(pc) =	sbr.rel @p0 .LBB2_26-.Ltmp14, $3  }
0x23f: {  	_ = 	snop  }
0x240: {  	v2 =	vsub.f32 $0.0e+00, v2;
	_ =	sdelay $0x1  }
0x241: {  	[tilespmem:s12+$0x8180] =	vst v2  }
0x242: {  	s10 =	simm.s32 $0x0  }
0x243: {  	[tilespmem:s10], [sflag:$0x2] =	stream.linear.gather [hbm4b:s17+s10], $0x80, $0x38;
	[tilespmem:$0x8210] =	vst v63  }
0x244: {  	_ =	swait.ge [sflag:s0], $0x80  }
0x245: {  	[sflag:s0] =	ssyncset.done $0x0  }
0x246: {  	[sflag:s0] =	ssyncadd.s32 $0xFFFFFF80  }
0x247: {  	[tilespmem:s2], [sflag:$0x2] =	stream.linear.gather [hbm4b:s18+s10], $0x80, $0x38;
	[tilespmem:$0x8210] =	vst v63  }
0x248: {  	_ =	swait.ge [sflag:s0], $0x80  }
0x249: {  	[sflag:s0] =	ssyncset.done $0x0  }
0x24a: {  	[sflag:s0] =	ssyncadd.s32 $0xFFFFFF80  }
0x24b: {  	[tilespmem:s3], [sflag:$0x2] =	stream.linear.gather [hbm4b:s19+s10], $0x80, $0x38;
	[tilespmem:$0x8210] =	vst v63  }
0x24c: {  	_ =	swait.ge [sflag:s0], $0x80  }
0x24d: {  	[sflag:s0] =	ssyncset.done $0x0  }
0x24e: {  	[sflag:s0] =	ssyncadd.s32 $0xFFFFFF80  }
0x24f: {  	[tilespmem:s4], [sflag:$0x1] =	stream.indirect.gather [hbm4b:s28+s2], $0x40, s10, s2, $0xb8;
	[tilespmem:$0x8210] =	vst v63  }
0x250: {  	_ = 	snop  }
0x251: {  	[tilespmem:s5], [sflag:$0x1] =	stream.indirect.gather [hbm4b:s28+s2], $0x40, s2, s2, $0xb8;
	[tilespmem:$0x8210] =	vst v63  }
0x252: {  	_ = 	snop  }
0x253: {  	[tilespmem:s6], [sflag:$0x1] =	stream.indirect.gather [hbm4b:s29+s2], $0x40, s3, s2, $0xb8;
	[tilespmem:$0x8210] =	vst v63  }
0x254: {  	_ = 	snop  }
0x255: {  	[tilespmem:s7], [sflag:$0x1] =	stream.indirect.gather [hbm4b:s30+s2], $0x40, s3, s2, $0xb8;
	[tilespmem:$0x8210] =	vst v63  }
0x256: {  	_ =	swait.ge [sflag:s8], $0x2000  }
0x257: {  	[sflag:s8] =	ssyncset.done $0x0  }
0x258: {  	[sflag:s8] =	ssyncadd.s32 $0xFFFFE000  }
0x259: {  	_ =	swait.ge [sflag:s8], $0x2000  }
0x25a: {  	[sflag:s8] =	ssyncset.done $0x0  }
0x25b: {  	[sflag:s8] =	ssyncadd.s32 $0xFFFFE000  }
0x25c: {  	_ =	swait.ge [sflag:s8], $0x2000  }
0x25d: {  	[sflag:s8] =	ssyncset.done $0x0  }
0x25e: {  	[sflag:s8] =	ssyncadd.s32 $0xFFFFE000  }
0x25f: {  	_ =	swait.ge [sflag:s8], $0x2000  }
0x260: {  	[sflag:s8] =	ssyncset.done $0x0  }
0x261: {  	s11 =	simm.s32 $0x0;
	[sflag:s8] =	ssyncadd.s32 $0xFFFFE000  }
.LBB2_32:
0x262: {  	s12 =	sshll.u32 s11, $0x4;
	v2 =	vmov s10  }
0x263: {  	v3 =	vmov s12;
	v2 =	vand.u32 $0x3F, v2  }
0x264: {  	v3 =	vshll.u32 v3, $0x6;
	v4 =	vbroadcast v2, $0x0  }
0x265: {  	v2 =	vor.u32 v0, v3  }
0x266: {  	v4 =	vor.u32 v2, v4;
	_ =	sdelay $0x4  }
0x267: {  	v3 =	vld.idx.msk [tilespmem:v4+s5+$0x0], $0xffff  }
0x268: {  	s13 =	simm.s32 $0x1;
	v5 =	vld.idx.msk [tilespmem:v4+s4+$0x0], $0xffff  }
0x269: {  	v6 =	vmov s13  }
0x26a: {  	v6 =	vand.u32 $0x3F, v6;
	v8 =	vld.idx.msk [tilespmem:v4+s6+$0x0], $0xffff  }
0x26b: {  	v6 =	vbroadcast v6, $0x0;
	_ =	sdelay $0x1  }
0x26c: {  	v7 =	vor.u32 v2, v6;
	v6 =	vsub.f32 v5, v3;
	_ =	sdelay $0x1  }
0x26d: {  	v6 =	vadd.f32 v8, v6;
	_ =	sdelay $0x1  }
0x26e: {  	v9 =	vld.idx.msk [tilespmem:v4+s7+$0x0], $0xffff;
	[tilespmem:v4+s4+$0x0] =	vst.idx.msk $0xffff, v6  }
0x26f: {  	v8 =	vld.idx.msk [tilespmem:v7+s5+$0x0], $0xffff  }
0x270: {  	s13 =	simm.s32 $0x2;
	v10 =	vld.idx.msk [tilespmem:v7+s4+$0x0], $0xffff  }
0x271: {  	v11 =	vimm.f32 $0.0e+00;
	v6 =	vmov s13  }
0x272: {  	v4 =	vimm.f32 $0.0e+00;
	s13 =	simm.s32 $0x3;
	v12 =	vld.idx.msk [tilespmem:v7+s6+$0x0], $0xffff;
	v13 =	vand.u32 $0x3F, v6;
	v6 =	vimm.f32 $0.0e+00  }
.LBB2_33:
0x273: {  	p0 =	sne.s32 s13, $0x3F;
	v13 =	vbroadcast v13, $0x0;
	v15 =	vmul.f32 v9, v5  }
0x274: {  	v14 =	vmul.f32 v9, v3;
	v9 =	vmul.f32 v9, v9;
	v3 =	vmov v8  }
0x275: {  	v8 =	vsub.f32 v10, v3;
	v5 =	vmovc v10;
	v13 =	vor.u32 v2, v13;
	v4 =	vadd.f32 v15, v4  }
0x276: {  	v6 =	vadd.f32 v14, v6;
	v11 =	vadd.f32 v9, v11  }
0x277: {  	v8 =	vadd.f32 v12, v8;
	_ =	sdelay $0x1  }
0x278: {  	v9 =	vld.idx.msk [tilespmem:v7+s7+$0x0], $0xffff;
	[tilespmem:v7+s4+$0x0] =	vst.idx.msk $0xffff, v8;
	v7 =	vmov v13  }
.Ltmp15:
0x279: {  	v8 =	vld.idx.msk [tilespmem:v13+s5+$0x0], $0xffff;
	(pc) =	sbr.rel @p0 .LBB2_33-.Ltmp15, $3  }
0x27a: {  	v10 =	vld.idx.msk [tilespmem:v13+s4+$0x0], $0xffff;
	_ =	sdelay $0x1  }
0x27b: {  	v14 =	vmov s13;
	v12 =	vld.idx.msk [tilespmem:v13+s6+$0x0], $0xffff  }
0x27c: {  	s13 =	sadd.s32 $0x1, s13;
	v13 =	vand.u32 $0x3F, v14  }
0x27d: {  	v13 =	vbroadcast v13, $0x0;
	_ =	sdelay $0x1  }
0x27e: {  	v14 =	vsub.f32 v10, v8;
	v13 =	vor.u32 v2, v13;
	_ =	sdelay $0x1  }
0x27f: {  	v12 =	vadd.f32 v12, v14  }
0x280: {  	v59 =	vld.idx.msk [tilespmem:v7+s7+$0x0], $0xffff  }
0x281: {  	[tilespmem:v7+s4+$0x0] =	vst.idx.msk $0xffff, v12  }
0x282: {  	v7 =	vld.idx.msk [tilespmem:v13+s7+$0x0], $0xffff  }
0x283: {  	v60 =	vmul.f32 v9, v9;
	_ =	sdelay $0x1  }
0x284: {  	v11 =	vadd.f32 v60, v11;
	v61 =	vmul.f32 v59, v59  }
0x285: {  	v15 =	vld.idx.msk [tilespmem:v13+s5+$0x0], $0xffff  }
0x286: {  	s13 =	simm.s32 $0x0;
	v11 =	vadd.f32 v61, v11;
	v16 =	vld.idx.msk [tilespmem:v13+s4+$0x0], $0xffff;
	v62 =	vmul.f32 v7, v7  }
0x287: {  	v5 =	vmul.f32 v9, v5;
	v17 =	vmov s13  }
0x288: {  	v3 =	vmul.f32 v9, v3;
	v9 =	vand.u32 $0x3F, v17;
	v63 =	vld.idx.msk [tilespmem:v13+s6+$0x0], $0xffff;
	v11 =	vadd.f32 v62, v11  }
0x289: {  	v9 =	vbroadcast v9, $0x0  }
0x28a: {  	v4 =	vadd.f32 v5, v4;
	v5 =	vmul.f32 v59, v10;
	(erf) = vrcp.f32 v11  }
0x28b: {  	v3 =	vadd.f32 v3, v6;
	v6 =	vmul.f32 v59, v8;
	v8 =	vsub.f32 v16, v15  }
0x28c: {  	v4 =	vadd.f32 v5, v4;
	v5 =	vor.u32 v2, v9  }
0x28d: {  	s13 =	simm.s32 $0x1;
	v3 =	vadd.f32 v6, v3;
	v6 =	vadd.f32 v63, v8;
	v8 =	vmul.f32 v7, v16  }
0x28e: {  	v9 =	vmov s13;
	v7 =	vmul.f32 v7, v15  }
0x28f: {  	v9 =	vand.u32 $0x3F, v9;
	v4 =	vadd.f32 v8, v4  }
0x290: {  	[tilespmem:v13+s4+$0x0] =	vst.idx.msk $0xffff, v6;
	v3 =	vadd.f32 v7, v3;
	v6 =	vbroadcast v9, $0x0  }
0x291: {  	v7 =	vld.idx.msk [tilespmem:v5+s7+$0x0], $0xffff  }
0x292: {  	s13 =	simm.s32 $0x2;
	v3 =	vsub.f32 v4, v3;
	v6 =	vor.u32 v2, v6  }
0x293: {  	v8 =	vld.idx.msk [tilespmem:v5+s4+$0x0], $0xffff;
	v5 =	vmov s13;
	v4 =	vpop (erf)  }
0x294: {  	v3 =	vmul.f32 v4, v3;
	v4 =	vand.u32 $0x3F, v5  }
0x295: {  	v4 =	vbroadcast v4, $0x0  }
0x296: {  	v9 =	vmul.f32 v7, v3  }
0x297: {  	v5 =	vld.idx.msk [tilespmem:v6+s7+$0x0], $0xffff;
	v7 =	vor.u32 v2, v4  }
0x298: {  	s13 =	simm.s32 $0x3;
	v6 =	vld.idx.msk [tilespmem:v6+s4+$0x0], $0xffff;
	v4 =	vimm.f32 $0.0e+00;
	v9 =	vsub.f32 v8, v9;
	v8 =	vmov v7  }
.LBB2_35:
0x299: {  	v10 =	vmov s13;
	p0 =	sne.s32 s13, $0x3F;
	s13 =	sadd.s32 $0x1, s13  }
.Ltmp16:
0x29a: {  	v10 =	vand.u32 $0x3F, v10;
	v9 =	vand.u32 $0x7FFFFFFF, v9;
	(pc) =	sbr.rel @p0 .LBB2_35-.Ltmp16, $4  }
0x29b: {  	v10 =	vbroadcast v10, $0x0;
	v4 =	vadd.f32 v9, v4  }
0x29c: {  	v9 =	vmul.f32 v5, v3;
	v5 =	vld.idx.msk [tilespmem:v7+s7+$0x0], $0xffff  }
0x29d: {  	v7 =	vor.u32 v2, v10  }
0x29e: {  	v9 =	vsub.f32 v6, v9;
	v6 =	vld.idx.msk [tilespmem:v8+s4+$0x0], $0xffff;
	v8 =	vmov v7  }
0x29f: {  	_ =	sdelay $0x3  }
0x2a0: {  	v2 =	vld.idx.msk [tilespmem:v7+s7+$0x0], $0xffff;
	_ =	sdelay $0x1  }
0x2a1: {  	v61 =	vld.idx.msk [tilespmem:v8+s4+$0x0], $0xffff  }
0x2a2: {  	v5 =	vmul.f32 v5, v3;
	_ =	sdelay $0x1  }
0x2a3: {  	v62 =	vand.u32 $0x7FFFFFFF, v9;
	v5 =	vsub.f32 v6, v5;
	v2 =	vmul.f32 v2, v3  }
0x2a4: {  	v3 =	vadd.f32 v62, v4  }
0x2a5: {  	v63 =	vand.u32 $0x7FFFFFFF, v5;
	v2 =	vsub.f32 v61, v2  }
0x2a6: {  	v3 =	vadd.f32 v63, v3  }
0x2a7: {  	v2 =	vand.u32 $0x7FFFFFFF, v2  }
0x2a8: {  	v2 =	vadd.f32 v2, v3  }
0x2a9: {  	v3 =	vld [tilespmem:s12+$0x8180]  }
0x2aa: {  	v2 =	vmul.f32 v2, v2;
	_ =	sdelay $0x1  }
0x2ab: {  	v2 =	vsub.f32 $0.0e+00, v2  }
0x2ac: {  	s11 =	sadd.s32 $0x1, s11  }
0x2ad: {  	p0 =	sne.s32 s11, $0x8;
	v2 =	vsub.f32 v3, v2  }
.Ltmp17:
0x2ae: {  	_ = 	snop;
	(pc) =	sbr.rel @p0 .LBB2_32-.Ltmp17, $3  }
0x2af: {  	v2 =	vadd.f32 $1.000000000e+00, v2;
	_ =	sdelay $0x1  }
0x2b0: {  	v2 =	vmax.f32 v2, $0.0e+00  }
0x2b1: {  	v1 =	vadd.f32 v2, v1  }
0x2b2: {  	s10 =	simm.s32 $0x0  }
0x2b3: {  	[tilespmem:s10], [sflag:$0x2] =	stream.linear.gather [hbm4b:s21+s10], $0x80, $0x38;
	[tilespmem:$0x8210] =	vst v63  }
0x2b4: {  	_ =	swait.ge [sflag:s0], $0x80  }
0x2b5: {  	[sflag:s0] =	ssyncset.done $0x0  }
0x2b6: {  	[sflag:s0] =	ssyncadd.s32 $0xFFFFFF80  }
0x2b7: {  	[tilespmem:s2], [sflag:$0x2] =	stream.linear.gather [hbm4b:s22+s10], $0x80, $0x38;
	[tilespmem:$0x8210] =	vst v63  }
0x2b8: {  	_ =	swait.ge [sflag:s0], $0x80  }
0x2b9: {  	[sflag:s0] =	ssyncset.done $0x0  }
0x2ba: {  	[sflag:s0] =	ssyncadd.s32 $0xFFFFFF80  }
0x2bb: {  	[tilespmem:s3], [sflag:$0x2] =	stream.linear.gather [hbm4b:s23+s10], $0x80, $0x38;
	[tilespmem:$0x8210] =	vst v63  }
0x2bc: {  	_ =	swait.ge [sflag:s0], $0x80  }
0x2bd: {  	[sflag:s0] =	ssyncset.done $0x0  }
0x2be: {  	[sflag:s0] =	ssyncadd.s32 $0xFFFFFF80  }
0x2bf: {  	[tilespmem:s4], [sflag:$0x1] =	stream.indirect.gather [hbm4b:s28+s2], $0x40, s10, s2, $0xb8;
	[tilespmem:$0x8210] =	vst v63  }
0x2c0: {  	_ = 	snop  }
0x2c1: {  	[tilespmem:s5], [sflag:$0x1] =	stream.indirect.gather [hbm4b:s28+s2], $0x40, s2, s2, $0xb8;
	[tilespmem:$0x8210] =	vst v63  }
0x2c2: {  	_ = 	snop  }
0x2c3: {  	[tilespmem:s6], [sflag:$0x1] =	stream.indirect.gather [hbm4b:s29+s2], $0x40, s3, s2, $0xb8;
	[tilespmem:$0x8210] =	vst v63  }
0x2c4: {  	_ = 	snop  }
0x2c5: {  	[tilespmem:s7], [sflag:$0x1] =	stream.indirect.gather [hbm4b:s30+s2], $0x40, s3, s2, $0xb8;
	[tilespmem:$0x8210] =	vst v63  }
0x2c6: {  	_ =	swait.ge [sflag:s8], $0x2000  }
0x2c7: {  	[sflag:s8] =	ssyncset.done $0x0  }
0x2c8: {  	[sflag:s8] =	ssyncadd.s32 $0xFFFFE000  }
0x2c9: {  	_ =	swait.ge [sflag:s8], $0x2000  }
0x2ca: {  	[sflag:s8] =	ssyncset.done $0x0  }
0x2cb: {  	[sflag:s8] =	ssyncadd.s32 $0xFFFFE000  }
0x2cc: {  	_ =	swait.ge [sflag:s8], $0x2000  }
0x2cd: {  	[sflag:s8] =	ssyncset.done $0x0  }
0x2ce: {  	[sflag:s8] =	ssyncadd.s32 $0xFFFFE000  }
0x2cf: {  	_ =	swait.ge [sflag:s8], $0x2000  }
0x2d0: {  	[sflag:s8] =	ssyncset.done $0x0  }
0x2d1: {  	s11 =	simm.s32 $0x0;
	[sflag:s8] =	ssyncadd.s32 $0xFFFFE000  }
.LBB2_38:
0x2d2: {  	s12 =	sshll.u32 s11, $0x4;
	v2 =	vmov s10  }
0x2d3: {  	v3 =	vmov s12;
	v2 =	vand.u32 $0x3F, v2  }
0x2d4: {  	v3 =	vshll.u32 v3, $0x6;
	v4 =	vbroadcast v2, $0x0  }
0x2d5: {  	v2 =	vor.u32 v0, v3  }
0x2d6: {  	v4 =	vor.u32 v2, v4;
	_ =	sdelay $0x4  }
0x2d7: {  	v3 =	vld.idx.msk [tilespmem:v4+s5+$0x0], $0xffff  }
0x2d8: {  	s13 =	simm.s32 $0x1;
	v5 =	vld.idx.msk [tilespmem:v4+s4+$0x0], $0xffff  }
0x2d9: {  	v6 =	vmov s13  }
0x2da: {  	v6 =	vand.u32 $0x3F, v6;
	v8 =	vld.idx.msk [tilespmem:v4+s6+$0x0], $0xffff  }
0x2db: {  	v6 =	vbroadcast v6, $0x0;
	_ =	sdelay $0x1  }
0x2dc: {  	v7 =	vor.u32 v2, v6;
	v6 =	vsub.f32 v5, v3;
	_ =	sdelay $0x1  }
0x2dd: {  	v6 =	vadd.f32 v8, v6;
	_ =	sdelay $0x1  }
0x2de: {  	v9 =	vld.idx.msk [tilespmem:v4+s7+$0x0], $0xffff;
	[tilespmem:v4+s4+$0x0] =	vst.idx.msk $0xffff, v6  }
0x2df: {  	v8 =	vld.idx.msk [tilespmem:v7+s5+$0x0], $0xffff  }
0x2e0: {  	s13 =	simm.s32 $0x2;
	v10 =	vld.idx.msk [tilespmem:v7+s4+$0x0], $0xffff  }
0x2e1: {  	v11 =	vimm.f32 $0.0e+00;
	v6 =	vmov s13  }
0x2e2: {  	v4 =	vimm.f32 $0.0e+00;
	s13 =	simm.s32 $0x3;
	v12 =	vld.idx.msk [tilespmem:v7+s6+$0x0], $0xffff;
	v13 =	vand.u32 $0x3F, v6;
	v6 =	vimm.f32 $0.0e+00  }
.LBB2_39:
0x2e3: {  	p0 =	sne.s32 s13, $0x3F;
	v13 =	vbroadcast v13, $0x0;
	v15 =	vmul.f32 v9, v5  }
0x2e4: {  	v14 =	vmul.f32 v9, v3;
	v9 =	vmul.f32 v9, v9;
	v3 =	vmov v8  }
0x2e5: {  	v8 =	vsub.f32 v10, v3;
	v5 =	vmovc v10;
	v13 =	vor.u32 v2, v13;
	v4 =	vadd.f32 v15, v4  }
0x2e6: {  	v6 =	vadd.f32 v14, v6;
	v11 =	vadd.f32 v9, v11  }
0x2e7: {  	v8 =	vadd.f32 v12, v8;
	_ =	sdelay $0x1  }
0x2e8: {  	v9 =	vld.idx.msk [tilespmem:v7+s7+$0x0], $0xffff;
	[tilespmem:v7+s4+$0x0] =	vst.idx.msk $0xffff, v8;
	v7 =	vmov v13  }
.Ltmp18:
0x2e9: {  	v8 =	vld.idx.msk [tilespmem:v13+s5+$0x0], $0xffff;
	(pc) =	sbr.rel @p0 .LBB2_39-.Ltmp18, $3  }
0x2ea: {  	v10 =	vld.idx.msk [tilespmem:v13+s4+$0x0], $0xffff;
	_ =	sdelay $0x1  }
0x2eb: {  	v14 =	vmov s13;
	v12 =	vld.idx.msk [tilespmem:v13+s6+$0x0], $0xffff  }
0x2ec: {  	s13 =	sadd.s32 $0x1, s13;
	v13 =	vand.u32 $0x3F, v14  }
0x2ed: {  	v13 =	vbroadcast v13, $0x0;
	_ =	sdelay $0x1  }
0x2ee: {  	v14 =	vsub.f32 v10, v8;
	v13 =	vor.u32 v2, v13;
	_ =	sdelay $0x1  }
0x2ef: {  	v12 =	vadd.f32 v12, v14  }
0x2f0: {  	v59 =	vld.idx.msk [tilespmem:v7+s7+$0x0], $0xffff  }
0x2f1: {  	[tilespmem:v7+s4+$0x0] =	vst.idx.msk $0xffff, v12  }
0x2f2: {  	v7 =	vld.idx.msk [tilespmem:v13+s7+$0x0], $0xffff  }
0x2f3: {  	v60 =	vmul.f32 v9, v9;
	_ =	sdelay $0x1  }
0x2f4: {  	v11 =	vadd.f32 v60, v11;
	v61 =	vmul.f32 v59, v59  }
0x2f5: {  	v15 =	vld.idx.msk [tilespmem:v13+s5+$0x0], $0xffff  }
0x2f6: {  	s13 =	simm.s32 $0x0;
	v11 =	vadd.f32 v61, v11;
	v16 =	vld.idx.msk [tilespmem:v13+s4+$0x0], $0xffff;
	v62 =	vmul.f32 v7, v7  }
0x2f7: {  	v5 =	vmul.f32 v9, v5;
	v17 =	vmov s13  }
0x2f8: {  	v3 =	vmul.f32 v9, v3;
	v9 =	vand.u32 $0x3F, v17;
	v63 =	vld.idx.msk [tilespmem:v13+s6+$0x0], $0xffff;
	v11 =	vadd.f32 v62, v11  }
0x2f9: {  	v9 =	vbroadcast v9, $0x0  }
0x2fa: {  	v4 =	vadd.f32 v5, v4;
	v5 =	vmul.f32 v59, v10;
	(erf) = vrcp.f32 v11  }
0x2fb: {  	v3 =	vadd.f32 v3, v6;
	v6 =	vmul.f32 v59, v8;
	v8 =	vsub.f32 v16, v15  }
0x2fc: {  	v4 =	vadd.f32 v5, v4;
	v5 =	vor.u32 v2, v9  }
0x2fd: {  	s13 =	simm.s32 $0x1;
	v3 =	vadd.f32 v6, v3;
	v6 =	vadd.f32 v63, v8;
	v8 =	vmul.f32 v7, v16  }
0x2fe: {  	v9 =	vmov s13;
	v7 =	vmul.f32 v7, v15  }
0x2ff: {  	v9 =	vand.u32 $0x3F, v9;
	v4 =	vadd.f32 v8, v4  }
0x300: {  	[tilespmem:v13+s4+$0x0] =	vst.idx.msk $0xffff, v6;
	v3 =	vadd.f32 v7, v3;
	v6 =	vbroadcast v9, $0x0  }
0x301: {  	v7 =	vld.idx.msk [tilespmem:v5+s7+$0x0], $0xffff  }
0x302: {  	s13 =	simm.s32 $0x2;
	v3 =	vsub.f32 v4, v3;
	v6 =	vor.u32 v2, v6  }
0x303: {  	v8 =	vld.idx.msk [tilespmem:v5+s4+$0x0], $0xffff;
	v5 =	vmov s13;
	v4 =	vpop (erf)  }
0x304: {  	v3 =	vmul.f32 v4, v3;
	v4 =	vand.u32 $0x3F, v5  }
0x305: {  	v4 =	vbroadcast v4, $0x0  }
0x306: {  	v9 =	vmul.f32 v7, v3  }
0x307: {  	v5 =	vld.idx.msk [tilespmem:v6+s7+$0x0], $0xffff;
	v7 =	vor.u32 v2, v4  }
0x308: {  	s13 =	simm.s32 $0x3;
	v6 =	vld.idx.msk [tilespmem:v6+s4+$0x0], $0xffff;
	v4 =	vimm.f32 $0.0e+00;
	v9 =	vsub.f32 v8, v9;
	v8 =	vmov v7  }
.LBB2_41:
0x309: {  	v10 =	vmov s13;
	p0 =	sne.s32 s13, $0x3F;
	s13 =	sadd.s32 $0x1, s13  }
.Ltmp19:
0x30a: {  	v10 =	vand.u32 $0x3F, v10;
	v9 =	vand.u32 $0x7FFFFFFF, v9;
	(pc) =	sbr.rel @p0 .LBB2_41-.Ltmp19, $4  }
0x30b: {  	v10 =	vbroadcast v10, $0x0;
	v4 =	vadd.f32 v9, v4  }
0x30c: {  	v9 =	vmul.f32 v5, v3;
	v5 =	vld.idx.msk [tilespmem:v7+s7+$0x0], $0xffff  }
0x30d: {  	v7 =	vor.u32 v2, v10  }
0x30e: {  	v9 =	vsub.f32 v6, v9;
	v6 =	vld.idx.msk [tilespmem:v8+s4+$0x0], $0xffff;
	v8 =	vmov v7  }
0x30f: {  	_ =	sdelay $0x3  }
0x310: {  	v2 =	vld.idx.msk [tilespmem:v7+s7+$0x0], $0xffff;
	_ =	sdelay $0x1  }
0x311: {  	v61 =	vld.idx.msk [tilespmem:v8+s4+$0x0], $0xffff  }
0x312: {  	v5 =	vmul.f32 v5, v3;
	_ =	sdelay $0x1  }
0x313: {  	v62 =	vand.u32 $0x7FFFFFFF, v9;
	v5 =	vsub.f32 v6, v5;
	v2 =	vmul.f32 v2, v3  }
0x314: {  	v3 =	vadd.f32 v62, v4  }
0x315: {  	v63 =	vand.u32 $0x7FFFFFFF, v5;
	v2 =	vsub.f32 v61, v2  }
0x316: {  	v3 =	vadd.f32 v63, v3  }
0x317: {  	v2 =	vand.u32 $0x7FFFFFFF, v2  }
0x318: {  	s11 =	sadd.s32 $0x1, s11;
	v2 =	vadd.f32 v2, v3  }
0x319: {  	p0 =	sne.s32 s11, $0x8  }
.Ltmp20:
0x31a: {  	v2 =	vmul.f32 v2, v2;
	(pc) =	sbr.rel @p0 .LBB2_38-.Ltmp20, $3  }
0x31b: {  	_ = 	snop  }
0x31c: {  	v2 =	vsub.f32 $0.0e+00, v2;
	_ =	sdelay $0x1  }
0x31d: {  	[tilespmem:s12+$0x8180] =	vst v2  }
0x31e: {  	s10 =	simm.s32 $0x0  }
0x31f: {  	[tilespmem:s10], [sflag:$0x2] =	stream.linear.gather [hbm4b:s24+s10], $0x80, $0x38;
	[tilespmem:$0x8210] =	vst v63  }
0x320: {  	_ =	swait.ge [sflag:s0], $0x80  }
0x321: {  	[sflag:s0] =	ssyncset.done $0x0  }
0x322: {  	[sflag:s0] =	ssyncadd.s32 $0xFFFFFF80  }
0x323: {  	[tilespmem:s2], [sflag:$0x2] =	stream.linear.gather [hbm4b:s25+s10], $0x80, $0x38;
	[tilespmem:$0x8210] =	vst v63  }
0x324: {  	_ =	swait.ge [sflag:s0], $0x80  }
0x325: {  	[sflag:s0] =	ssyncset.done $0x0  }
0x326: {  	[sflag:s0] =	ssyncadd.s32 $0xFFFFFF80  }
0x327: {  	[tilespmem:s3], [sflag:$0x2] =	stream.linear.gather [hbm4b:s26+s10], $0x80, $0x38;
	[tilespmem:$0x8210] =	vst v63  }
0x328: {  	_ =	swait.ge [sflag:s0], $0x80  }
0x329: {  	[sflag:s0] =	ssyncset.done $0x0  }
0x32a: {  	[sflag:s0] =	ssyncadd.s32 $0xFFFFFF80  }
0x32b: {  	[tilespmem:s4], [sflag:$0x1] =	stream.indirect.gather [hbm4b:s28+s2], $0x40, s10, s2, $0xb8;
	[tilespmem:$0x8210] =	vst v63  }
0x32c: {  	_ = 	snop  }
0x32d: {  	[tilespmem:s5], [sflag:$0x1] =	stream.indirect.gather [hbm4b:s28+s2], $0x40, s2, s2, $0xb8;
	[tilespmem:$0x8210] =	vst v63  }
0x32e: {  	_ = 	snop  }
0x32f: {  	[tilespmem:s6], [sflag:$0x1] =	stream.indirect.gather [hbm4b:s29+s2], $0x40, s3, s2, $0xb8;
	[tilespmem:$0x8210] =	vst v63  }
0x330: {  	_ = 	snop  }
0x331: {  	[tilespmem:s7], [sflag:$0x1] =	stream.indirect.gather [hbm4b:s30+s2], $0x40, s3, s2, $0xb8;
	[tilespmem:$0x8210] =	vst v63  }
0x332: {  	_ =	swait.ge [sflag:s8], $0x2000  }
0x333: {  	[sflag:s8] =	ssyncset.done $0x0  }
0x334: {  	[sflag:s8] =	ssyncadd.s32 $0xFFFFE000  }
0x335: {  	_ =	swait.ge [sflag:s8], $0x2000  }
0x336: {  	[sflag:s8] =	ssyncset.done $0x0  }
0x337: {  	[sflag:s8] =	ssyncadd.s32 $0xFFFFE000  }
0x338: {  	_ =	swait.ge [sflag:s8], $0x2000  }
0x339: {  	[sflag:s8] =	ssyncset.done $0x0  }
0x33a: {  	[sflag:s8] =	ssyncadd.s32 $0xFFFFE000  }
0x33b: {  	_ =	swait.ge [sflag:s8], $0x2000  }
0x33c: {  	[sflag:s8] =	ssyncset.done $0x0  }
0x33d: {  	s11 =	simm.s32 $0x0;
	[sflag:s8] =	ssyncadd.s32 $0xFFFFE000  }
.LBB2_44:
0x33e: {  	s12 =	sshll.u32 s11, $0x4;
	v2 =	vmov s10  }
0x33f: {  	v3 =	vmov s12;
	v2 =	vand.u32 $0x3F, v2  }
0x340: {  	v3 =	vshll.u32 v3, $0x6;
	v4 =	vbroadcast v2, $0x0  }
0x341: {  	v2 =	vor.u32 v0, v3  }
0x342: {  	v4 =	vor.u32 v2, v4;
	_ =	sdelay $0x4  }
0x343: {  	v3 =	vld.idx.msk [tilespmem:v4+s5+$0x0], $0xffff  }
0x344: {  	s13 =	simm.s32 $0x1;
	v5 =	vld.idx.msk [tilespmem:v4+s4+$0x0], $0xffff  }
0x345: {  	v6 =	vmov s13  }
0x346: {  	v6 =	vand.u32 $0x3F, v6;
	v8 =	vld.idx.msk [tilespmem:v4+s6+$0x0], $0xffff  }
0x347: {  	v6 =	vbroadcast v6, $0x0;
	_ =	sdelay $0x1  }
0x348: {  	v7 =	vor.u32 v2, v6;
	v6 =	vsub.f32 v5, v3;
	_ =	sdelay $0x1  }
0x349: {  	v6 =	vadd.f32 v8, v6;
	_ =	sdelay $0x1  }
0x34a: {  	v9 =	vld.idx.msk [tilespmem:v4+s7+$0x0], $0xffff;
	[tilespmem:v4+s4+$0x0] =	vst.idx.msk $0xffff, v6  }
0x34b: {  	v8 =	vld.idx.msk [tilespmem:v7+s5+$0x0], $0xffff  }
0x34c: {  	s13 =	simm.s32 $0x2;
	v10 =	vld.idx.msk [tilespmem:v7+s4+$0x0], $0xffff  }
0x34d: {  	v11 =	vimm.f32 $0.0e+00;
	v6 =	vmov s13  }
0x34e: {  	v4 =	vimm.f32 $0.0e+00;
	s13 =	simm.s32 $0x3;
	v12 =	vld.idx.msk [tilespmem:v7+s6+$0x0], $0xffff;
	v13 =	vand.u32 $0x3F, v6;
	v6 =	vimm.f32 $0.0e+00  }
.LBB2_45:
0x34f: {  	p0 =	sne.s32 s13, $0x3F;
	v13 =	vbroadcast v13, $0x0;
	v15 =	vmul.f32 v9, v5  }
0x350: {  	v14 =	vmul.f32 v9, v3;
	v9 =	vmul.f32 v9, v9;
	v3 =	vmov v8  }
0x351: {  	v8 =	vsub.f32 v10, v3;
	v5 =	vmovc v10;
	v13 =	vor.u32 v2, v13;
	v4 =	vadd.f32 v15, v4  }
0x352: {  	v6 =	vadd.f32 v14, v6;
	v11 =	vadd.f32 v9, v11  }
0x353: {  	v8 =	vadd.f32 v12, v8;
	_ =	sdelay $0x1  }
0x354: {  	v9 =	vld.idx.msk [tilespmem:v7+s7+$0x0], $0xffff;
	[tilespmem:v7+s4+$0x0] =	vst.idx.msk $0xffff, v8;
	v7 =	vmov v13  }
.Ltmp21:
0x355: {  	v8 =	vld.idx.msk [tilespmem:v13+s5+$0x0], $0xffff;
	(pc) =	sbr.rel @p0 .LBB2_45-.Ltmp21, $3  }
0x356: {  	v10 =	vld.idx.msk [tilespmem:v13+s4+$0x0], $0xffff;
	_ =	sdelay $0x1  }
0x357: {  	v14 =	vmov s13;
	v12 =	vld.idx.msk [tilespmem:v13+s6+$0x0], $0xffff  }
0x358: {  	s13 =	sadd.s32 $0x1, s13;
	v13 =	vand.u32 $0x3F, v14  }
0x359: {  	v13 =	vbroadcast v13, $0x0;
	_ =	sdelay $0x1  }
0x35a: {  	v14 =	vsub.f32 v10, v8;
	v13 =	vor.u32 v2, v13;
	_ =	sdelay $0x1  }
0x35b: {  	v12 =	vadd.f32 v12, v14  }
0x35c: {  	v59 =	vld.idx.msk [tilespmem:v7+s7+$0x0], $0xffff  }
0x35d: {  	[tilespmem:v7+s4+$0x0] =	vst.idx.msk $0xffff, v12  }
0x35e: {  	v7 =	vld.idx.msk [tilespmem:v13+s7+$0x0], $0xffff  }
0x35f: {  	v60 =	vmul.f32 v9, v9;
	_ =	sdelay $0x1  }
0x360: {  	v11 =	vadd.f32 v60, v11;
	v61 =	vmul.f32 v59, v59  }
0x361: {  	v15 =	vld.idx.msk [tilespmem:v13+s5+$0x0], $0xffff  }
0x362: {  	s13 =	simm.s32 $0x0;
	v11 =	vadd.f32 v61, v11;
	v16 =	vld.idx.msk [tilespmem:v13+s4+$0x0], $0xffff;
	v62 =	vmul.f32 v7, v7  }
0x363: {  	v5 =	vmul.f32 v9, v5;
	v17 =	vmov s13  }
0x364: {  	v3 =	vmul.f32 v9, v3;
	v9 =	vand.u32 $0x3F, v17;
	v63 =	vld.idx.msk [tilespmem:v13+s6+$0x0], $0xffff;
	v11 =	vadd.f32 v62, v11  }
0x365: {  	v9 =	vbroadcast v9, $0x0  }
0x366: {  	v4 =	vadd.f32 v5, v4;
	v5 =	vmul.f32 v59, v10;
	(erf) = vrcp.f32 v11  }
0x367: {  	v3 =	vadd.f32 v3, v6;
	v6 =	vmul.f32 v59, v8;
	v8 =	vsub.f32 v16, v15  }
0x368: {  	v4 =	vadd.f32 v5, v4;
	v5 =	vor.u32 v2, v9  }
0x369: {  	s13 =	simm.s32 $0x1;
	v3 =	vadd.f32 v6, v3;
	v6 =	vadd.f32 v63, v8;
	v8 =	vmul.f32 v7, v16  }
0x36a: {  	v9 =	vmov s13;
	v7 =	vmul.f32 v7, v15  }
0x36b: {  	v9 =	vand.u32 $0x3F, v9;
	v4 =	vadd.f32 v8, v4  }
0x36c: {  	[tilespmem:v13+s4+$0x0] =	vst.idx.msk $0xffff, v6;
	v3 =	vadd.f32 v7, v3;
	v6 =	vbroadcast v9, $0x0  }
0x36d: {  	v7 =	vld.idx.msk [tilespmem:v5+s7+$0x0], $0xffff  }
0x36e: {  	s13 =	simm.s32 $0x2;
	v3 =	vsub.f32 v4, v3;
	v6 =	vor.u32 v2, v6  }
0x36f: {  	v8 =	vld.idx.msk [tilespmem:v5+s4+$0x0], $0xffff;
	v5 =	vmov s13;
	v4 =	vpop (erf)  }
0x370: {  	v3 =	vmul.f32 v4, v3;
	v4 =	vand.u32 $0x3F, v5  }
0x371: {  	v4 =	vbroadcast v4, $0x0  }
0x372: {  	v9 =	vmul.f32 v7, v3  }
0x373: {  	v5 =	vld.idx.msk [tilespmem:v6+s7+$0x0], $0xffff;
	v7 =	vor.u32 v2, v4  }
0x374: {  	s13 =	simm.s32 $0x3;
	v6 =	vld.idx.msk [tilespmem:v6+s4+$0x0], $0xffff;
	v4 =	vimm.f32 $0.0e+00;
	v9 =	vsub.f32 v8, v9;
	v8 =	vmov v7  }
.LBB2_47:
0x375: {  	v10 =	vmov s13;
	p0 =	sne.s32 s13, $0x3F;
	s13 =	sadd.s32 $0x1, s13  }
.Ltmp22:
0x376: {  	v10 =	vand.u32 $0x3F, v10;
	v9 =	vand.u32 $0x7FFFFFFF, v9;
	(pc) =	sbr.rel @p0 .LBB2_47-.Ltmp22, $4  }
0x377: {  	v10 =	vbroadcast v10, $0x0;
	v4 =	vadd.f32 v9, v4  }
0x378: {  	v9 =	vmul.f32 v5, v3;
	v5 =	vld.idx.msk [tilespmem:v7+s7+$0x0], $0xffff  }
0x379: {  	v7 =	vor.u32 v2, v10  }
0x37a: {  	v9 =	vsub.f32 v6, v9;
	v6 =	vld.idx.msk [tilespmem:v8+s4+$0x0], $0xffff;
	v8 =	vmov v7  }
0x37b: {  	_ =	sdelay $0x3  }
0x37c: {  	v2 =	vld.idx.msk [tilespmem:v7+s7+$0x0], $0xffff;
	_ =	sdelay $0x1  }
0x37d: {  	v61 =	vld.idx.msk [tilespmem:v8+s4+$0x0], $0xffff  }
0x37e: {  	v5 =	vmul.f32 v5, v3;
	_ =	sdelay $0x1  }
0x37f: {  	v62 =	vand.u32 $0x7FFFFFFF, v9;
	v5 =	vsub.f32 v6, v5;
	v2 =	vmul.f32 v2, v3  }
0x380: {  	v3 =	vadd.f32 v62, v4  }
0x381: {  	v63 =	vand.u32 $0x7FFFFFFF, v5;
	v2 =	vsub.f32 v61, v2  }
0x382: {  	v3 =	vadd.f32 v63, v3  }
0x383: {  	v2 =	vand.u32 $0x7FFFFFFF, v2  }
0x384: {  	v2 =	vadd.f32 v2, v3  }
0x385: {  	v3 =	vld [tilespmem:s12+$0x8180]  }
0x386: {  	v2 =	vmul.f32 v2, v2;
	_ =	sdelay $0x1  }
0x387: {  	v2 =	vsub.f32 $0.0e+00, v2  }
0x388: {  	s11 =	sadd.s32 $0x1, s11  }
0x389: {  	p0 =	sne.s32 s11, $0x8;
	v2 =	vsub.f32 v3, v2  }
.Ltmp23:
0x38a: {  	_ = 	snop;
	(pc) =	sbr.rel @p0 .LBB2_44-.Ltmp23, $3  }
0x38b: {  	v2 =	vadd.f32 $1.000000000e+00, v2;
	_ =	sdelay $0x1  }
0x38c: {  	v2 =	vmax.f32 v2, $0.0e+00  }
0x38d: {  	v1 =	vadd.f32 v2, v1  }
0x38e: {  	s9 =	sadd.s32 $0x1, s9  }
0x38f: {  	p0 =	sne.s32 s9, s20  }
.Ltmp24:
0x390: {  	s10 =	simm.s32 $0x8200;
	[tilespmem:$0x8200] =	vst v1;
	(pc) =	sbr.rel @p0 .LBB2_1-.Ltmp24, $4  }
0x391: {  	[hbm4b:s31+s1] =	stream.linear.scatter [tilespmem:s10], [sflag:$0x2], $0x10, $0x38;
	[tilespmem:$0x8210] =	vst v63  }
0x392: {  	_ =	swait.ge [sflag:s0], $0x10  }
0x393: {  	[sflag:s0] =	ssyncset.done $0x0  }
0x394: {  	[sflag:s0] =	ssyncadd.s32 $0xFFFFFFF0  }
0x395: {  	_ =	sfence.sel $0x180000  }
0x396: {  	[bflag:$0x0] =	sbarrier.arrive $0xFFFF  }
0x397: {  	_ =	strace $0x90000047  }
0x398: {  	s0 =	stileid.u32;
	[bflag:$0x2] =	sbarrier.arrive $0xFFFF  }
0x399: {  	p0 =	sne.s32 s0, $0x0;
	s0 =	rddreg [dreg:$0x7]  }
0x39a: {  	s0 =	sadd.s32 @!p0 $0x100000, s0  }
0x39b: {  	[sflag:s0] =	ssyncadd.tile.s32 @!p0 $0x1;
	_ =	shalt  }
.Lfunc_end2:
_tile_overlayer_lowered:
.L_overlay_start_2:
0x39c: {  	(tag) =	ssettag $0x2  }
0x39d: {  	s0 =	rddreg [dreg:$0x0];
	s2 =	stileid.u32  }
0x39e: {  	s1 =	rddreg [dreg:$0x1];
	p0 =	sne.s32 s2, $0x0  }
0x39f: {  	s3 =	rddreg [dreg:$0x2];
	[bflag:$0x3] =	sbarrier.arrive $0xFFFF;
	s2 =	simm.s32 @!p0 $0x1C02  }
0x3a0: {  	[timem:s3], [sflag:s2] =	dma.local @!p0 [hbm:s0], s1  }
0x3a1: {  	s0 =	simm.s32 @!p0 $0x2  }
0x3a2: {  	_ =	swait.ge @!p0 [sflag:s0], s1  }
0x3a3: {  	s1 =	ssub.s32 @!p0 $0x0, s1;
	[sflag:s0] =	ssyncset.done @!p0 $0x0  }
0x3a4: {  	[sflag:s0] =	ssyncadd.s32 @!p0 s1  }
0x3a5: {  	[bflag:$0x3] =	sbarrier.arrive $0xFFFF  }
0x3a6: {  	_ =	shalt  }

</sc_bundles>
